<compile_context>
chip_gen: v7x
topology: tpu7x:2x2x1
jax: 0.10.2.dev20260603
libtpu: 0.0.44.dev20260713+nightly
codegen_flags: <defaults>
</compile_context>

<pallas_src>
import functools

import jax
import jax.numpy as jnp
import numpy as np
from jax import lax
from jax.experimental import pallas as pl
from jax.experimental.pallas import tpu as pltpu
from jax.experimental.pallas import tpu_sc as plsc

N = 10000
E = 160000
NS = 128
HID = 128
NV = 16
GRADE_DIMS = np.array([1, 3, 3, 1])


def _build_cayley_np():
    blades = [(), (0,), (1,), (2,), (0, 1), (0, 2), (1, 2), (0, 1, 2)]
    index = {b: i for i, b in enumerate(blades)}
    metric = [1.0, 1.0, 1.0]
    cayley = np.zeros((8, 8, 8), dtype=np.float32)
    for i, ba in enumerate(blades):
        for j, bb in enumerate(blades):
            arr = list(ba) + list(bb)
            sign = 1.0
            swapped = True
            while swapped:
                swapped = False
                for t in range(len(arr) - 1):
                    if arr[t] > arr[t + 1]:
                        arr[t], arr[t + 1] = arr[t + 1], arr[t]
                        sign = -sign
                        swapped = True
            out = []
            t = 0
            while t < len(arr):
                if t + 1 < len(arr) and arr[t] == arr[t + 1]:
                    sign *= metric[arr[t]]
                    t += 2
                else:
                    out.append(arr[t])
                    t += 1
            cayley[i, j, index[tuple(out)]] += sign
    return cayley


_CAYLEY = _build_cayley_np()


def _mv_dense(w, b):
    nvo, nvi, _ = w.shape
    wb = jnp.repeat(w, GRADE_DIMS, axis=-1, total_repeat_length=8)
    w4 = jnp.transpose(wb, (1, 0, 2))
    eye8 = jnp.eye(8, dtype=jnp.float32)
    dense = jnp.einsum("mnk,kl->mknl", w4, eye8).reshape(nvi * 8, nvo * 8)
    e0 = jnp.zeros((8,), jnp.float32).at[0].set(1.0)
    bvec = jnp.einsum("n,k->nk", b, e0).reshape(nvo * 8)
    return dense, bvec


def _gp_mats():
    eye16 = np.eye(NV, dtype=np.float32)
    sels, cays = [], []
    for i in range(8):
        ei = np.zeros((8, 8), np.float32)
        ei[i, :] = 1.0
        sels.append(np.kron(eye16, ei))
        cays.append(np.kron(eye16, _CAYLEY[i]))
    return (np.concatenate(sels, axis=1), np.concatenate(cays, axis=1))


_GP_SEL, _GP_CAY = _gp_mats()
_KSEL = np.kron(np.eye(NV, dtype=np.float32), np.ones((8, 1), np.float32))
_REXP = np.kron(np.eye(NV, dtype=np.float32), np.ones((1, 8), np.float32))



_CHUNK = 128
_NCHUNK = E // _CHUNK
_NCORE = 2
_NSUB = 16
_NW = _NCORE * _NSUB
_WLEN = 640
_SCHUNK = 64
_NSCHUNK = E // _SCHUNK
_NWCH = _WLEN // _SCHUNK
_NP = _NSUB * _WLEN


_GCHUNK = 80
_GNCHUNK = E // _GCHUNK


def _gather_body(t_hbm, send_hbm, rec_hbm, es_out, er_out,
                 sidx0, sidx1, ridx0, ridx1, gs0, gs1, gr0, gr1,
                 semg0, semg1, semw0, semw1):
    c = lax.axis_index("c")
    sid = lax.axis_index("s")
    wid = sid * _NCORE + c
    nj = (_GNCHUNK - wid + _NW - 1) // _NW
    sidx = [sidx0, sidx1]
    ridx = [ridx0, ridx1]
    gs = [gs0, gs1]
    gr = [gr0, gr1]
    semg = [semg0, semg1]
    semw = [semw0, semw1]

    def cbase(k):
        return (wid + k * _NW) * _GCHUNK

    niter2 = (nj + 2 + 1) // 2

    def body(k2, carry):
        for b in range(2):
            k = k2 * 2 + b

            @pl.when(jnp.logical_and(k >= 2, k - 2 < nj))
            def _():
                base = cbase(k - 2)
                pltpu.make_async_copy(gs[b], es_out.at[pl.ds(base, _GCHUNK)], semw[b]).wait()
                pltpu.make_async_copy(gr[b], er_out.at[pl.ds(base, _GCHUNK)], semw[b]).wait()

            @pl.when(k < nj)
            def _():
                base = cbase(k)
                pltpu.sync_copy(send_hbm.at[pl.ds(base, _GCHUNK)], sidx[b])
                pltpu.sync_copy(rec_hbm.at[pl.ds(base, _GCHUNK)], ridx[b])
                pltpu.async_copy(t_hbm.at[sidx[b]], gs[b], semg[b])
                pltpu.async_copy(t_hbm.at[ridx[b]], gr[b], semg[b])

            @pl.when(jnp.logical_and(k >= 1, k - 1 < nj))
            def _():
                bp = 1 - b
                base = cbase(k - 1)
                pltpu.make_async_copy(t_hbm.at[sidx[bp]], gs[bp], semg[bp]).wait()
                pltpu.make_async_copy(t_hbm.at[ridx[bp]], gr[bp], semg[bp]).wait()
                pltpu.async_copy(gs[bp], es_out.at[pl.ds(base, _GCHUNK)], semw[bp])
                pltpu.async_copy(gr[bp], er_out.at[pl.ds(base, _GCHUNK)], semw[bp])

        return carry

    lax.fori_loop(0, niter2, body, 0)


def _sc_gather(t, send, rec):
    mesh = plsc.VectorSubcoreMesh(core_axis_name="c", subcore_axis_name="s", num_cores=_NCORE, num_subcores=_NSUB)
    out = jax.ShapeDtypeStruct((E, 256), jnp.float32)
    f = pl.kernel(
        _gather_body,
        out_type=[out, out],
        mesh=mesh,
        scratch_types=[
            pltpu.VMEM((_GCHUNK,), jnp.int32),
            pltpu.VMEM((_GCHUNK,), jnp.int32),
            pltpu.VMEM((_GCHUNK,), jnp.int32),
            pltpu.VMEM((_GCHUNK,), jnp.int32),
            pltpu.VMEM((_GCHUNK, 256), jnp.float32),
            pltpu.VMEM((_GCHUNK, 256), jnp.float32),
            pltpu.VMEM((_GCHUNK, 256), jnp.float32),
            pltpu.VMEM((_GCHUNK, 256), jnp.float32),
            pltpu.SemaphoreType.DMA,
            pltpu.SemaphoreType.DMA,
            pltpu.SemaphoreType.DMA,
            pltpu.SemaphoreType.DMA,
        ],
    )
    return f(t, send, rec)


def _scatter_body(msg_hbm, posm_hbm, send_hbm, rec_hbm, zrow_hbm, zc_hbm,
                  ones_hbm, wio_hbm,
                  ma_out, pa_out, cnt_out,
                  acc, cntacc, idx0, idx1, sidx0, sidx1, rows0, rows1,
                  cbuf0, ones_b, widx,
                  seml0, seml1, sema0, sema1, semg0, semg1, semw0, semw1):
    c = lax.axis_index("c")
    sid = lax.axis_index("s")
    base_row = sid * _WLEN
    idx = [idx0, idx1]
    sidx = [sidx0, sidx1]
    rows = [rows0, rows1]
    seml = [seml0, seml1]
    sema = [sema0, sema1]
    semg = [semg0, semg1]
    semw = [semw0, semw1]

    pltpu.sync_copy(zrow_hbm, rows0)
    pltpu.sync_copy(zc_hbm, cbuf0)
    pltpu.sync_copy(ones_hbm, ones_b)
    pltpu.sync_copy(wio_hbm.at[sid], widx)

    def zch(i, carry):
        pltpu.sync_copy(rows0, acc.at[widx.at[i]])
        pltpu.sync_copy(cbuf0, cntacc.at[widx.at[i]])
        return carry

    lax.fori_loop(0, _NWCH, zch, 0)
    plsc.subcore_barrier()

    nj = (_NSCHUNK - sid + _NSUB - 1) // _NSUB

    def body(k2, carry):
        for b in range(2):
            k = k2 * 2 + b

            @pl.when(jnp.logical_and(k >= 2, k - 2 < nj))
            def _():
                pltpu.make_async_copy(rows[b], acc.at[idx[b]], sema[b]).wait()

                @pl.when(c == 0)
                def _():
                    pltpu.make_async_copy(ones_b, cntacc.at[sidx[b]], sema[b]).wait()

            @pl.when(k < nj)
            def _():
                base = (sid + k * _NSUB) * _SCHUNK
                pltpu.async_copy(rec_hbm.at[pl.ds(base, _SCHUNK)], idx[b], seml[b])

                @pl.when(c == 0)
                def _():
                    pltpu.async_copy(msg_hbm.at[pl.ds(base, _SCHUNK)], rows[b], seml[b])
                    pltpu.async_copy(send_hbm.at[pl.ds(base, _SCHUNK)], sidx[b], seml[b])

                @pl.when(c == 1)
                def _():
                    pltpu.async_copy(posm_hbm.at[pl.ds(base, _SCHUNK)], rows[b], seml[b])

            @pl.when(jnp.logical_and(k >= 1, k - 1 < nj))
            def _():
                bp = 1 - b
                base = (sid + (k - 1) * _NSUB) * _SCHUNK
                pltpu.make_async_copy(rec_hbm.at[pl.ds(base, _SCHUNK)], idx[bp], seml[bp]).wait()

                @pl.when(c == 0)
                def _():
                    pltpu.make_async_copy(msg_hbm.at[pl.ds(base, _SCHUNK)], rows[bp], seml[bp]).wait()
                    pltpu.make_async_copy(send_hbm.at[pl.ds(base, _SCHUNK)], sidx[bp], seml[bp]).wait()
                    pltpu.async_copy(ones_b, cntacc.at[sidx[bp]], sema[bp], add=True)

                @pl.when(c == 1)
                def _():
                    pltpu.make_async_copy(posm_hbm.at[pl.ds(base, _SCHUNK)], rows[bp], seml[bp]).wait()

                pltpu.async_copy(rows[bp], acc.at[idx[bp]], sema[bp], add=True)

        return carry

    lax.fori_loop(0, (nj + 2 + 1) // 2, body, 0)
    plsc.subcore_barrier()

    def wbody(k2, carry):
        for b in range(2):
            k = k2 * 2 + b

            @pl.when(jnp.logical_and(k >= 2, k - 2 < _NWCH))
            def _():
                base = base_row + (k - 2) * _SCHUNK
                sl = pl.ds(base, _SCHUNK)

                @pl.when(c == 0)
                def _():
                    pltpu.make_async_copy(rows[b], ma_out.at[sl], semw[b]).wait()

                @pl.when(c == 1)
                def _():
                    pltpu.make_async_copy(rows[b], pa_out.at[sl], semw[b]).wait()

            @pl.when(k < _NWCH)
            def _():
                pltpu.async_copy(acc.at[widx.at[k]], rows[b], semg[b])

            @pl.when(jnp.logical_and(k >= 1, k - 1 < _NWCH))
            def _():
                bp = 1 - b
                base = base_row + (k - 1) * _SCHUNK
                sl = pl.ds(base, _SCHUNK)
                pltpu.make_async_copy(acc.at[widx.at[k - 1]], rows[bp], semg[bp]).wait()

                @pl.when(c == 0)
                def _():
                    pltpu.async_copy(rows[bp], ma_out.at[sl], semw[bp])

                @pl.when(c == 1)
                def _():
                    pltpu.async_copy(rows[bp], pa_out.at[sl], semw[bp])

        return carry

    lax.fori_loop(0, (_NWCH + 2 + 1) // 2, wbody, 0)

    @pl.when(c == 0)
    def _():
        def cch(i, carry):
            pltpu.sync_copy(cntacc.at[widx.at[i]], cbuf0)
            pltpu.sync_copy(cbuf0, cnt_out.at[pl.ds(base_row + i * _SCHUNK, _SCHUNK)])
            return carry

        lax.fori_loop(0, _NWCH, cch, 0)


def _sc_scatter(msg, posm, send, rec):
    mesh = plsc.VectorSubcoreMesh(core_axis_name="c", subcore_axis_name="s", num_cores=_NCORE, num_subcores=_NSUB)
    f = pl.kernel(
        _scatter_body,
        out_type=[jax.ShapeDtypeStruct((_NP, 128), jnp.float32),
                  jax.ShapeDtypeStruct((_NP, 128), jnp.float32),
                  jax.ShapeDtypeStruct((_NP, 16), jnp.float32)],
        mesh=mesh,
        scratch_types=[
            pltpu.VMEM_SHARED((N, 128), jnp.float32),
            pltpu.VMEM_SHARED((N, 16), jnp.float32),
            pltpu.VMEM((_SCHUNK,), jnp.int32),
            pltpu.VMEM((_SCHUNK,), jnp.int32),
            pltpu.VMEM((_SCHUNK,), jnp.int32),
            pltpu.VMEM((_SCHUNK,), jnp.int32),
            pltpu.VMEM((_SCHUNK, 128), jnp.float32),
            pltpu.VMEM((_SCHUNK, 128), jnp.float32),
            pltpu.VMEM((_SCHUNK, 16), jnp.float32),
            pltpu.VMEM((_SCHUNK, 16), jnp.float32),
            pltpu.VMEM((_NWCH, _SCHUNK), jnp.int32),
            pltpu.SemaphoreType.DMA,
            pltpu.SemaphoreType.DMA,
            pltpu.SemaphoreType.DMA,
            pltpu.SemaphoreType.DMA,
            pltpu.SemaphoreType.DMA,
            pltpu.SemaphoreType.DMA,
            pltpu.SemaphoreType.DMA,
            pltpu.SemaphoreType.DMA,
        ],
    )
    zrow = jnp.zeros((_SCHUNK, 128), jnp.float32)
    zc = jnp.zeros((_SCHUNK, 16), jnp.float32)
    ones = jnp.ones((_SCHUNK, 16), jnp.float32)
    wio = jnp.minimum(jnp.arange(_NP, dtype=jnp.int32), N - 1).reshape(
        _NSUB, _NWCH, _SCHUNK)
    return f(msg, posm, send, rec, zrow, zc, ones, wio)



_BE = 640


def _edge_body(es_ref, er_ref,
               wv_ref, bv_ref, a1_ref, a2_ref, ka_ref, b1_ref,
               w2_ref, b2_ref, p1_ref, pb1_ref, p2r_ref, pb2r_ref,
               msg_ref, posm_ref):
    f32 = jnp.float32
    ss = es_ref[:, :128]
    vs = es_ref[:, 128:]
    sr = er_ref[:, :128]
    vr = er_ref[:, 128:]
    dv = vr - vs
    vij = jnp.dot(dv, wv_ref[...], preferred_element_type=f32) + bv_ref[...]
    h = jnp.dot(ss, a1_ref[...], preferred_element_type=f32)
    h += jnp.dot(sr, a2_ref[...], preferred_element_type=f32)
    h += jnp.dot(vij * vij, ka_ref[...], preferred_element_type=f32)
    h = jnp.maximum(h + b1_ref[...], 0.0)
    msg = jnp.dot(h, w2_ref[...], preferred_element_type=f32) + b2_ref[...]
    g = jnp.maximum(jnp.dot(msg, p1_ref[...], preferred_element_type=f32)
                    + pb1_ref[...], 0.0)
    posm = vij * (jnp.dot(g, p2r_ref[...], preferred_element_type=f32)
                  + pb2r_ref[...])
    msg_ref[...] = msg
    posm_ref[...] = posm


def _edge_mlp(es, er, wv, bv, a1, a2, ka, b1, w2, b2, p1, pb1, p2r, pb2r):
    grid = E // _BE
    row = pl.BlockSpec((_BE, 128), lambda i: (i, 0))
    wide = pl.BlockSpec((_BE, 256), lambda i: (i, 0))
    w128 = pl.BlockSpec((128, 128), lambda i: (0, 0))
    brow = pl.BlockSpec((1, 128), lambda i: (0, 0))
    return pl.pallas_call(
        _edge_body,
        grid=(grid,),
        in_specs=[wide, wide,
                  w128, brow, w128, w128, w128, brow,
                  w128, brow, w128, brow, w128, brow],
        out_specs=[row, row],
        out_shape=[jax.ShapeDtypeStruct((E, 128), jnp.float32),
                   jax.ShapeDtypeStruct((E, 128), jnp.float32)],
    )(es, er, wv, bv, a1, a2, ka, b1, w2, b2, p1, pb1, p2r, pb2r)



_BN = 1000


def _node_body(s_ref, v_ref, ma_ref, pa_ref, cnt_ref,
               u1_ref, u2_ref, ub1_ref, u3_ref, ub2_ref,
               gpl_ref, gplb_ref, gpr_ref, gprb_ref,
               wog_ref, wop_ref, bo_ref, ksel_ref, aexp_ref,
               sout_ref, vout_ref):
    f32 = jnp.float32
    invs = lax.rsqrt(cnt_ref[...])
    ma = ma_ref[...] * invs
    pa = pa_ref[...] * invs
    h = jnp.dot(s_ref[...], u1_ref[...], preferred_element_type=f32)
    h += jnp.dot(ma, u2_ref[...], preferred_element_type=f32)
    h = jnp.maximum(h + ub1_ref[...], 0.0)
    sout_ref[...] = s_ref[...] + jnp.dot(h, u3_ref[...], preferred_element_type=f32) + ub2_ref[...]

    gpl = jnp.dot(pa, gpl_ref[...], preferred_element_type=f32) + gplb_ref[...]
    gpr = jnp.dot(pa, gpr_ref[...], preferred_element_type=f32) + gprb_ref[...]
    gp = gpl[:, 0:128] * gpr[:, 0:128]
    for i in range(1, 8):
        gp += gpl[:, i * 128:(i + 1) * 128] * gpr[:, i * 128:(i + 1) * 128]
    vo = jnp.dot(gp, wog_ref[...], preferred_element_type=f32)
    vo += jnp.dot(pa, wop_ref[...], preferred_element_type=f32)
    vo += bo_ref[...]
    q = jnp.dot(vo * vo, ksel_ref[...], preferred_element_type=f32)
    norm = jnp.sqrt(q + 1e-8)
    mean = jnp.sum(norm, axis=1, keepdims=True) * (1.0 / NV) + 1e-6
    vout_ref[...] = (aexp_ref[...] * vo) / mean + v_ref[...]


def _node_update(s, vflat, ma, pa, cnt, u1, u2, ub1, u3, ub2,
                 gpl, gplb, gpr, gprb, wog, wop, bo, ksel, aexp):
    grid = N // _BN
    row = pl.BlockSpec((_BN, 128), lambda i: (i, 0))
    col1 = pl.BlockSpec((_BN, 1), lambda i: (i, 0))
    w128 = pl.BlockSpec((128, 128), lambda i: (0, 0))
    w1024 = pl.BlockSpec((128, 1024), lambda i: (0, 0))
    brow = pl.BlockSpec((1, 128), lambda i: (0, 0))
    brow1024 = pl.BlockSpec((1, 1024), lambda i: (0, 0))
    ksel_spec = pl.BlockSpec((128, 16), lambda i: (0, 0))
    return pl.pallas_call(
        _node_body,
        grid=(grid,),
        in_specs=[row, row, row, row, col1,
                  w128, w128, brow, w128, brow,
                  w1024, brow1024, w1024, brow1024,
                  w128, w128, brow, ksel_spec, brow],
        out_specs=[row, row],
        out_shape=[jax.ShapeDtypeStruct((N, 128), jnp.float32),
                   jax.ShapeDtypeStruct((N, 128), jnp.float32)],
    )(s, vflat, ma, pa, cnt, u1, u2, ub1, u3, ub2,
      gpl, gplb, gpr, gprb, wog, wop, bo, ksel, aexp)



def kernel(s, v, edge_index, v_w, v_b, msg_w1, msg_b1, msg_w2, msg_b2,
           pos_w1, pos_b1, pos_w2, pos_b2, upd_w1, upd_b1, upd_w2, upd_b2,
           gl_lw, gl_lb, gl_rw, gl_rb, gl_ow, gl_ob, gl_a):
    f32 = jnp.float32
    send = edge_index[0]
    rec = edge_index[1]
    vflat = v.reshape(N, NV * 8)

    wv, bv = _mv_dense(v_w, v_b)
    ksel = jnp.asarray(_KSEL)
    rexp = jnp.asarray(_REXP)
    a1 = msg_w1[:, :NS].T
    a2 = msg_w1[:, NS:2 * NS].T
    a3 = msg_w1[:, 2 * NS:].T
    ka = ksel @ a3
    b1 = msg_b1[None, :]
    w2 = msg_w2.T
    b2 = msg_b2[None, :]
    p1 = pos_w1.T
    pb1 = pos_b1[None, :]
    p2r = pos_w2.T @ rexp
    pb2r = (pos_b2 @ rexp)[None, :]
    u1 = upd_w1[:, :NS].T
    u2 = upd_w1[:, NS:].T
    ub1 = upd_b1[None, :]
    u3 = upd_w2.T
    ub2 = upd_b2[None, :]
    wl, bl = _mv_dense(gl_lw, gl_lb)
    wr, br = _mv_dense(gl_rw, gl_rb)
    gp_sel = jnp.asarray(_GP_SEL)
    gp_cay = jnp.asarray(_GP_CAY)
    gpl = wl @ gp_sel
    gplb = (bl @ gp_sel)[None, :]
    gpr = wr @ gp_cay
    gprb = (br @ gp_cay)[None, :]
    wo, bo = _mv_dense(gl_ow, gl_ob)
    wog = wo[:128]
    wop = wo[128:]
    bo = bo[None, :]
    aexp = jnp.repeat(gl_a[0], 8)[None, :]

    t = jnp.concatenate([s, vflat], axis=1)
    es, er = _sc_gather(t, send, rec)

    msg, posm = _edge_mlp(es, er, wv, bv[None, :], a1, a2, ka, b1,
                          w2, b2, p1, pb1, p2r, pb2r)

    ma, pa, cnt16 = _sc_scatter(msg, posm, send, rec)
    ma = ma[:N]
    pa = pa[:N]
    cnt = cnt16[:N, :1]

    s_out, v_out = _node_update(s, vflat, ma, pa, cnt, u1, u2, ub1, u3, ub2,
                                gpl, gplb, gpr, gprb, wog, wop, bo, ksel, aexp)
    return s_out, v_out.reshape(N, NV, 8)

# --- scband reference (transcript-rebuilt; emitter-appended) ---
"""Pipeline reference for scband-egnn-c-block-40656160424000 (READ-ONLY COPY).

The authoritative reference and input builder live on the scoring server;
editing this copy changes nothing except your own understanding.
"""

import jax, jax.numpy as jnp
import numpy as np

N = 10000
E = 160000
NS = 128
HID = 128
NV = 16
GRADE_DIMS = np.array([1, 3, 3, 1])

def _build_cayley():
    blades = [(), (0,), (1,), (2,), (0, 1), (0, 2), (1, 2), (0, 1, 2)]
    index = {b: i for i, b in enumerate(blades)}
    metric = [1.0, 1.0, 1.0]
    cayley = np.zeros((8, 8, 8), dtype=np.float32)
    for i, ba in enumerate(blades):
        for j, bb in enumerate(blades):
            arr = list(ba) + list(bb)
            sign = 1.0
            swapped = True
            while swapped:
                swapped = False
                for t in range(len(arr) - 1):
                    if arr[t] > arr[t + 1]:
                        arr[t], arr[t + 1] = arr[t + 1], arr[t]
                        sign = -sign
                        swapped = True
            out = []
            t = 0
            while t < len(arr):
                if t + 1 < len(arr) and arr[t] == arr[t + 1]:
                    sign *= metric[arr[t]]
                    t += 2
                else:
                    out.append(arr[t])
                    t += 1
            cayley[i, j, index[tuple(out)]] += sign
    return jnp.asarray(cayley)

CAYLEY = _build_cayley()
E0 = jnp.zeros((8,), jnp.float32).at[0].set(1.0)

def geometric_product(a, b):
    return jnp.einsum("...i,ijk,...j->...k", a, CAYLEY, b)

def mv_linear(x, w, b):
    w_blades = jnp.repeat(w, GRADE_DIMS, axis=-1, total_repeat_length=8)
    out = jnp.einsum("bmi,nmi->bni", x, w_blades)
    return out + b[None, :, None] * E0

def mv_layernorm(x, a):
    q = jnp.sum(x * x, axis=-1, keepdims=True)
    norm = jnp.sqrt(q + 1e-8)
    norm = jnp.mean(norm, axis=1, keepdims=True) + 1e-6
    return a[:, :, None] * x / norm

def mlp2(x, w1, b1, w2, b2):
    h = jax.nn.relu(x @ w1.T + b1)
    return h @ w2.T + b2

def setup_inputs(seed: int = 0):
    key = jax.random.key(seed)
    ks = iter([jax.random.fold_in(key, i) for i in range(64)])
    def wmat(shape, fan_in):
        return jax.random.normal(next(ks), shape, dtype=jnp.float32) / np.sqrt(fan_in)
    s = jax.random.normal(next(ks), (N, NS), dtype=jnp.float32)
    v = jax.random.normal(next(ks), (N, NV, 8), dtype=jnp.float32)
    send = jnp.concatenate([jnp.arange(N, dtype=jnp.int32),
                            jax.random.randint(next(ks), (E - N,), 0, N, dtype=jnp.int32)])
    rec = jax.random.randint(next(ks), (E,), 0, N, dtype=jnp.int32)
    edge_index = jnp.stack([send, rec])
    return {
        "s": s, "v": v, "edge_index": edge_index,
        "v_w": wmat((NV, NV, 4), NV), "v_b": jnp.zeros((NV,), jnp.float32),
        "msg_w1": wmat((HID, 2 * NS + NV), 2 * NS + NV), "msg_b1": jnp.zeros((HID,), jnp.float32),
        "msg_w2": wmat((HID, HID), HID), "msg_b2": jnp.zeros((HID,), jnp.float32),
        "pos_w1": wmat((HID, HID), HID), "pos_b1": jnp.zeros((HID,), jnp.float32),
        "pos_w2": wmat((NV, HID), HID), "pos_b2": jnp.zeros((NV,), jnp.float32),
        "upd_w1": wmat((HID, NS + HID), NS + HID), "upd_b1": jnp.zeros((HID,), jnp.float32),
        "upd_w2": wmat((HID, HID), HID), "upd_b2": jnp.zeros((HID,), jnp.float32),
        "gl_lw": wmat((NV, NV, 4), NV), "gl_lb": jnp.zeros((NV,), jnp.float32),
        "gl_rw": wmat((NV, NV, 4), NV), "gl_rb": jnp.zeros((NV,), jnp.float32),
        "gl_ow": wmat((NV, 2 * NV, 4), 2 * NV), "gl_ob": jnp.zeros((NV,), jnp.float32),
        "gl_a": jnp.ones((1, NV), jnp.float32),
    }

def reference(s, v, edge_index, v_w, v_b, msg_w1, msg_b1, msg_w2, msg_b2,
              pos_w1, pos_b1, pos_w2, pos_b2, upd_w1, upd_b1, upd_w2, upd_b2,
              gl_lw, gl_lb, gl_rw, gl_rb, gl_ow, gl_ob, gl_a):
    send_idx, rec_idx = edge_index[0], edge_index[1]
    s_i, s_j = s[send_idx], s[rec_idx]
    v_i, v_j = v[send_idx], v[rec_idx]
    v_ij = mv_linear(v_j - v_i, v_w, v_b)
    edge_attr = jnp.sum(v_ij * v_ij, axis=-1)
    message = mlp2(jnp.concatenate([s_i, s_j, edge_attr], axis=-1), msg_w1, msg_b1, msg_w2, msg_b2)
    pos_scalar = mlp2(message, pos_w1, pos_b1, pos_w2, pos_b2)
    pos_message = v_ij * pos_scalar[..., None]
    num_messages = jnp.bincount(send_idx, length=N).astype(jnp.float32)[:, None]
    message_aggr = jax.ops.segment_sum(message, rec_idx, num_segments=N) / jnp.sqrt(num_messages)
    pos_aggr = jax.ops.segment_sum(pos_message.reshape(E, NV * 8), rec_idx, num_segments=N)
    pos_aggr = (pos_aggr / jnp.sqrt(num_messages)).reshape(N, NV, 8)
    s_out = s + mlp2(jnp.concatenate([s, message_aggr], axis=-1), upd_w1, upd_b1, upd_w2, upd_b2)
    vec_right = mv_linear(pos_aggr, gl_rw, gl_rb)
    vec_left = mv_linear(pos_aggr, gl_lw, gl_lb)
    vec_out = geometric_product(vec_left, vec_right)
    vec_out = jnp.concatenate([vec_out, pos_aggr], axis=1)
    vec_out = mv_linear(vec_out, gl_ow, gl_ob)
    vec_out = mv_layernorm(vec_out, gl_a)
    v_out = vec_out + v
    return (s_out, v_out)

if __name__ == "__main__":
    import jax
    _d = setup_inputs()
    print(jax.jit(kernel)(*tuple(_d.values())))

</pallas_src>

<mosaic_0001>
#map = affine_map<(d0, d1) -> (0, 0)>
#map1 = affine_map<(d0, d1) -> (0)>
module attributes {stable_mosaic.version = 14 : i64} {
  func.func @_gather_body(%arg0: i32, %arg1: i32, %arg2: memref<10000x256xf32, #tpu.memory_space<hbm>>, %arg3: memref<160000xi32, #tpu.memory_space<hbm>>, %arg4: memref<160000xi32, #tpu.memory_space<hbm>>, %arg5: memref<160000x256xf32, #tpu.memory_space<hbm>>, %arg6: memref<160000x256xf32, #tpu.memory_space<hbm>>, %arg7: memref<80xi32, #tpu.memory_space<vmem>>, %arg8: memref<80xi32, #tpu.memory_space<vmem>>, %arg9: memref<80xi32, #tpu.memory_space<vmem>>, %arg10: memref<80xi32, #tpu.memory_space<vmem>>, %arg11: memref<80x256xf32, #tpu.memory_space<vmem>>, %arg12: memref<80x256xf32, #tpu.memory_space<vmem>>, %arg13: memref<80x256xf32, #tpu.memory_space<vmem>>, %arg14: memref<80x256xf32, #tpu.memory_space<vmem>>, %arg15: memref<!tpu.dma_semaphore, #tpu.memory_space<semaphore_mem>>, %arg16: memref<!tpu.dma_semaphore, #tpu.memory_space<semaphore_mem>>, %arg17: memref<!tpu.dma_semaphore, #tpu.memory_space<semaphore_mem>>, %arg18: memref<!tpu.dma_semaphore, #tpu.memory_space<semaphore_mem>>) attributes {dimension_semantics = [#tpu.dimension_semantics<core_parallel>, #tpu.dimension_semantics<subcore_parallel>], iteration_bounds = array<i64: 2, 16>, scalar_prefetch = 0 : i64, scratch_operands = 12 : i64, tpu.core_type = #tpu.core_type<sc_vector_subcore>, window_params = [{transform_indices = #map}, {transform_indices = #map1}, {transform_indices = #map1}, {transform_indices = #map}, {transform_indices = #map}]} {
    %mul3A = arith.constant 2 : i32
    %mul3A_0 = arith.muli %arg1, %mul3A : i32
    %add3A = arith.addi %mul3A_0, %arg0 : i32
    %sub3A = arith.constant 2000 : i32
    %sub3A_1 = arith.subi %sub3A, %add3A : i32
    %add3A_2 = arith.constant 32 : i32
    %add3A_3 = arith.addi %sub3A_1, %add3A_2 : i32
    %sub3A_4 = arith.constant 1 : i32
    %sub3A_5 = arith.subi %add3A_3, %sub3A_4 : i32
    %jit3A = arith.constant 32 : i32
    %div3A = arith.divsi %sub3A_5, %jit3A : i32
    %sign3A = arith.constant 0 : i32
    %sign3A_6 = arith.cmpi sgt, %sub3A_5, %sign3A : i32
    %sign3A_7 = arith.extui %sign3A_6 : i1 to i32
    %sign3A_8 = arith.constant 0 : i32
    %sign3A_9 = arith.cmpi slt, %sub3A_5, %sign3A_8 : i32
    %sign3A_10 = arith.extui %sign3A_9 : i1 to i32
    %sign3A_11 = arith.subi %sign3A_7, %sign3A_10 : i32
    %sign3A_12 = arith.constant 0 : i32
    %sign3A_13 = arith.cmpi sgt, %jit3A, %sign3A_12 : i32
    %sign3A_14 = arith.extui %sign3A_13 : i1 to i32
    %sign3A_15 = arith.constant 0 : i32
    %sign3A_16 = arith.cmpi slt, %jit3A, %sign3A_15 : i32
    %sign3A_17 = arith.extui %sign3A_16 : i1 to i32
    %sign3A_18 = arith.subi %sign3A_14, %sign3A_17 : i32
    %ne3A = arith.cmpi ne, %sign3A_11, %sign3A_18 : i32
    %rem3A = arith.remsi %sub3A_5, %jit3A : i32
    %ne3A_19 = arith.constant 0 : i32
    %ne3A_20 = arith.cmpi ne, %rem3A, %ne3A_19 : i32
    %and3A = arith.andi %ne3A, %ne3A_20 : i1
    %sub3A_21 = arith.constant 1 : i32
    %sub3A_22 = arith.subi %div3A, %sub3A_21 : i32
    %select_n3A = arith.select %and3A, %sub3A_22, %div3A : i32
    %add3A_23 = arith.constant 2 : i32
    %add3A_24 = arith.addi %select_n3A, %add3A_23 : i32
    %add3A_25 = arith.constant 1 : i32
    %add3A_26 = arith.addi %add3A_24, %add3A_25 : i32
    %jit3A_27 = arith.constant 2 : i32
    %div3A_28 = arith.divsi %add3A_26, %jit3A_27 : i32
    %sign3A_29 = arith.constant 0 : i32
    %sign3A_30 = arith.cmpi sgt, %add3A_26, %sign3A_29 : i32
    %sign3A_31 = arith.extui %sign3A_30 : i1 to i32
    %sign3A_32 = arith.constant 0 : i32
    %sign3A_33 = arith.cmpi slt, %add3A_26, %sign3A_32 : i32
    %sign3A_34 = arith.extui %sign3A_33 : i1 to i32
    %sign3A_35 = arith.subi %sign3A_31, %sign3A_34 : i32
    %sign3A_36 = arith.constant 0 : i32
    %sign3A_37 = arith.cmpi sgt, %jit3A_27, %sign3A_36 : i32
    %sign3A_38 = arith.extui %sign3A_37 : i1 to i32
    %sign3A_39 = arith.constant 0 : i32
    %sign3A_40 = arith.cmpi slt, %jit3A_27, %sign3A_39 : i32
    %sign3A_41 = arith.extui %sign3A_40 : i1 to i32
    %sign3A_42 = arith.subi %sign3A_38, %sign3A_41 : i32
    %ne3A_43 = arith.cmpi ne, %sign3A_35, %sign3A_42 : i32
    %rem3A_44 = arith.remsi %add3A_26, %jit3A_27 : i32
    %ne3A_45 = arith.constant 0 : i32
    %ne3A_46 = arith.cmpi ne, %rem3A_44, %ne3A_45 : i32
    %and3A_47 = arith.andi %ne3A_43, %ne3A_46 : i1
    %sub3A_48 = arith.constant 1 : i32
    %sub3A_49 = arith.subi %div3A_28, %sub3A_48 : i32
    %select_n3A_50 = arith.select %and3A_47, %sub3A_49, %div3A_28 : i32
    %while3A = arith.constant 0 : i32
    %while3A_51 = arith.constant 0 : i32
    %while3A_52 = arith.subi %select_n3A_50, %while3A_51 : i32
    %while3A_53 = arith.addi %while3A_51, %while3A_52 : i32
    %while3A_54 = arith.constant 1 : i32
    %while3A_55 = arith.divsi %while3A_52, %while3A_54 : i32
    %while3A_56 = arith.muli %while3A_55, %while3A_54 : i32
    %while3A_57 = arith.addi %while3A_51, %while3A_56 : i32
    %while3A_58 = arith.constant 1 : i32
    scf.for %while3A_60 = %while3A_51 to %while3A_57 step %while3A_58  : i32 {
      %mul3A_61 = arith.constant 2 : i32
      %mul3A_62 = arith.muli %while3A_60, %mul3A_61 : i32
      %add3A_63 = arith.constant 0 : i32
      %add3A_64 = arith.addi %mul3A_62, %add3A_63 : i32
      %ge3A = arith.constant 2 : i32
      %ge3A_65 = arith.cmpi sge, %add3A_64, %ge3A : i32
      %sub3A_66 = arith.constant 2 : i32
      %sub3A_67 = arith.subi %add3A_64, %sub3A_66 : i32
      %lt3A = arith.cmpi slt, %sub3A_67, %select_n3A : i32
      %and3A_68 = arith.andi %ge3A_65, %lt3A : i1
      %convert_element_type3A = arith.extui %and3A_68 : i1 to i32
      %cond3A = arith.constant 0 : i32
      %cond3A_69 = arith.cmpi ne, %convert_element_type3A, %cond3A : i32
      scf.if %cond3A_69 {
        %sub3A_109 = arith.constant 2 : i32
        %sub3A_110 = arith.subi %add3A_64, %sub3A_109 : i32
        %mul3A_111 = arith.constant 32 : i32
        %mul3A_112 = arith.muli %sub3A_110, %mul3A_111 : i32
        %add3A_113 = arith.addi %add3A, %mul3A_112 : i32
        %mul3A_114 = arith.constant 80 : i32
        %mul3A_115 = arith.muli %add3A_113, %mul3A_114 : i32
        %dma_wait3A = arith.constant 0 : i32
        %dma_wait3A_116 = tpu.memref_slice %arg5[%mul3A_115, %dma_wait3A] : memref<160000x256xf32, #tpu.memory_space<hbm>> -> memref<80x256xf32, #tpu.memory_space<hbm>>
        %dma_wait3A_117 = arith.constant 0 : i32
        %dma_wait3A_118 = tpu.memref_slice %arg5[%mul3A_115, %dma_wait3A_117] : memref<160000x256xf32, #tpu.memory_space<hbm>> -> memref<80x256xf32, #tpu.memory_space<hbm>>
        tpu.wait_dma2 semaphore(%arg17 : memref<!tpu.dma_semaphore, #tpu.memory_space<semaphore_mem>>) src(%arg11 : memref<80x256xf32, #tpu.memory_space<vmem>>) dst(%dma_wait3A_118 : memref<80x256xf32, #tpu.memory_space<hbm>>)
        %dma_wait3A_119 = arith.constant 0 : i32
        %dma_wait3A_120 = tpu.memref_slice %arg6[%mul3A_115, %dma_wait3A_119] : memref<160000x256xf32, #tpu.memory_space<hbm>> -> memref<80x256xf32, #tpu.memory_space<hbm>>
        %dma_wait3A_121 = arith.constant 0 : i32
        %dma_wait3A_122 = tpu.memref_slice %arg6[%mul3A_115, %dma_wait3A_121] : memref<160000x256xf32, #tpu.memory_space<hbm>> -> memref<80x256xf32, #tpu.memory_space<hbm>>
        tpu.wait_dma2 semaphore(%arg17 : memref<!tpu.dma_semaphore, #tpu.memory_space<semaphore_mem>>) src(%arg13 : memref<80x256xf32, #tpu.memory_space<vmem>>) dst(%dma_wait3A_122 : memref<80x256xf32, #tpu.memory_space<hbm>>)
      } else {
      }
      %lt3A_70 = arith.cmpi slt, %add3A_64, %select_n3A : i32
      %convert_element_type3A_71 = arith.extui %lt3A_70 : i1 to i32
      %cond3A_72 = arith.constant 0 : i32
      %cond3A_73 = arith.cmpi ne, %convert_element_type3A_71, %cond3A_72 : i32
      scf.if %cond3A_73 {
        %mul3A_109 = arith.constant 32 : i32
        %mul3A_110 = arith.muli %add3A_64, %mul3A_109 : i32
        %add3A_111 = arith.addi %add3A, %mul3A_110 : i32
        %mul3A_112 = arith.constant 80 : i32
        %mul3A_113 = arith.muli %add3A_111, %mul3A_112 : i32
        "tpu.region"() ({
          %run_scoped3A = tpu.sem_alloc : memref<!tpu.dma_semaphore, #tpu.memory_space<semaphore_mem>>
          %dma_start3A_119 = tpu.memref_slice %arg3[%mul3A_113] : memref<160000xi32, #tpu.memory_space<hbm>> -> memref<80xi32, #tpu.memory_space<hbm>>
          %dma_start3A_120 = tpu.memref_slice %arg3[%mul3A_113] : memref<160000xi32, #tpu.memory_space<hbm>> -> memref<80xi32, #tpu.memory_space<hbm>>
          tpu.enqueue_dma source(%dma_start3A_120 : memref<80xi32, #tpu.memory_space<hbm>>) target(%arg7 : memref<80xi32, #tpu.memory_space<vmem>>) target_semaphore(%run_scoped3A : memref<!tpu.dma_semaphore, #tpu.memory_space<semaphore_mem>>)
          %dma_wait3A = tpu.memref_slice %arg3[%mul3A_113] : memref<160000xi32, #tpu.memory_space<hbm>> -> memref<80xi32, #tpu.memory_space<hbm>>
          %dma_wait3A_121 = tpu.memref_slice %arg3[%mul3A_113] : memref<160000xi32, #tpu.memory_space<hbm>> -> memref<80xi32, #tpu.memory_space<hbm>>
          tpu.wait_dma2 semaphore(%run_scoped3A : memref<!tpu.dma_semaphore, #tpu.memory_space<semaphore_mem>>) src(%dma_wait3A_121 : memref<80xi32, #tpu.memory_space<hbm>>) dst(%arg7 : memref<80xi32, #tpu.memory_space<vmem>>)
          tpu.yield
        }) : () -> ()
        "tpu.region"() ({
          %run_scoped3A = tpu.sem_alloc : memref<!tpu.dma_semaphore, #tpu.memory_space<semaphore_mem>>
          %dma_start3A_119 = tpu.memref_slice %arg4[%mul3A_113] : memref<160000xi32, #tpu.memory_space<hbm>> -> memref<80xi32, #tpu.memory_space<hbm>>
          %dma_start3A_120 = tpu.memref_slice %arg4[%mul3A_113] : memref<160000xi32, #tpu.memory_space<hbm>> -> memref<80xi32, #tpu.memory_space<hbm>>
          tpu.enqueue_dma source(%dma_start3A_120 : memref<80xi32, #tpu.memory_space<hbm>>) target(%arg9 : memref<80xi32, #tpu.memory_space<vmem>>) target_semaphore(%run_scoped3A : memref<!tpu.dma_semaphore, #tpu.memory_space<semaphore_mem>>)
          %dma_wait3A = tpu.memref_slice %arg4[%mul3A_113] : memref<160000xi32, #tpu.memory_space<hbm>> -> memref<80xi32, #tpu.memory_space<hbm>>
          %dma_wait3A_121 = tpu.memref_slice %arg4[%mul3A_113] : memref<160000xi32, #tpu.memory_space<hbm>> -> memref<80xi32, #tpu.memory_space<hbm>>
          tpu.wait_dma2 semaphore(%run_scoped3A : memref<!tpu.dma_semaphore, #tpu.memory_space<semaphore_mem>>) src(%dma_wait3A_121 : memref<80xi32, #tpu.memory_space<hbm>>) dst(%arg9 : memref<80xi32, #tpu.memory_space<vmem>>)
          tpu.yield
        }) : () -> ()
        %dma_start3A = arith.constant 0 : i32
        %dma_start3A_114 = arith.constant 0 : i32
        %dma_start3A_115 = tpu.memref_slice %arg2[%dma_start3A, %dma_start3A_114] : memref<10000x256xf32, #tpu.memory_space<hbm>> -> memref<10000x256xf32, #tpu.memory_space<hbm>>
        tpu.enqueue_indirect_dma source(%dma_start3A_115 : memref<10000x256xf32, #tpu.memory_space<hbm>>) target(%arg11 : memref<80x256xf32, #tpu.memory_space<vmem>>) offsets(%arg7 : memref<80xi32, #tpu.memory_space<vmem>>) semaphore(%arg15 : memref<!tpu.dma_semaphore, #tpu.memory_space<semaphore_mem>>)
        %dma_start3A_116 = arith.constant 0 : i32
        %dma_start3A_117 = arith.constant 0 : i32
        %dma_start3A_118 = tpu.memref_slice %arg2[%dma_start3A_116, %dma_start3A_117] : memref<10000x256xf32, #tpu.memory_space<hbm>> -> memref<10000x256xf32, #tpu.memory_space<hbm>>
        tpu.enqueue_indirect_dma source(%dma_start3A_118 : memref<10000x256xf32, #tpu.memory_space<hbm>>) target(%arg13 : memref<80x256xf32, #tpu.memory_space<vmem>>) offsets(%arg9 : memref<80xi32, #tpu.memory_space<vmem>>) semaphore(%arg15 : memref<!tpu.dma_semaphore, #tpu.memory_space<semaphore_mem>>)
      } else {
      }
      %ge3A_74 = arith.constant 1 : i32
      %ge3A_75 = arith.cmpi sge, %add3A_64, %ge3A_74 : i32
      %sub3A_76 = arith.constant 1 : i32
      %sub3A_77 = arith.subi %add3A_64, %sub3A_76 : i32
      %lt3A_78 = arith.cmpi slt, %sub3A_77, %select_n3A : i32
      %and3A_79 = arith.andi %ge3A_75, %lt3A_78 : i1
      %convert_element_type3A_80 = arith.extui %and3A_79 : i1 to i32
      %cond3A_81 = arith.constant 0 : i32
      %cond3A_82 = arith.cmpi ne, %convert_element_type3A_80, %cond3A_81 : i32
      scf.if %cond3A_82 {
        %sub3A_109 = arith.constant 1 : i32
        %sub3A_110 = arith.subi %add3A_64, %sub3A_109 : i32
        %mul3A_111 = arith.constant 32 : i32
        %mul3A_112 = arith.muli %sub3A_110, %mul3A_111 : i32
        %add3A_113 = arith.addi %add3A, %mul3A_112 : i32
        %mul3A_114 = arith.constant 80 : i32
        %mul3A_115 = arith.muli %add3A_113, %mul3A_114 : i32
        %dma_wait3A = arith.constant 0 : i32
        %dma_wait3A_116 = arith.constant 0 : i32
        %dma_wait3A_117 = tpu.memref_slice %arg2[%dma_wait3A, %dma_wait3A_116] : memref<10000x256xf32, #tpu.memory_space<hbm>> -> memref<10000x256xf32, #tpu.memory_space<hbm>>
        tpu.wait_indirect_dma semaphore(%arg16 : memref<!tpu.dma_semaphore, #tpu.memory_space<semaphore_mem>>) src(%dma_wait3A_117 : memref<10000x256xf32, #tpu.memory_space<hbm>>) dst(%arg12 : memref<80x256xf32, #tpu.memory_space<vmem>>)
        %dma_wait3A_118 = arith.constant 0 : i32
        %dma_wait3A_119 = arith.constant 0 : i32
        %dma_wait3A_120 = tpu.memref_slice %arg2[%dma_wait3A_118, %dma_wait3A_119] : memref<10000x256xf32, #tpu.memory_space<hbm>> -> memref<10000x256xf32, #tpu.memory_space<hbm>>
        tpu.wait_indirect_dma semaphore(%arg16 : memref<!tpu.dma_semaphore, #tpu.memory_space<semaphore_mem>>) src(%dma_wait3A_120 : memref<10000x256xf32, #tpu.memory_space<hbm>>) dst(%arg14 : memref<80x256xf32, #tpu.memory_space<vmem>>)
        %dma_start3A = arith.constant 0 : i32
        %dma_start3A_121 = tpu.memref_slice %arg5[%mul3A_115, %dma_start3A] : memref<160000x256xf32, #tpu.memory_space<hbm>> -> memref<80x256xf32, #tpu.memory_space<hbm>>
        %dma_start3A_122 = arith.constant 0 : i32
        %dma_start3A_123 = tpu.memref_slice %arg5[%mul3A_115, %dma_start3A_122] : memref<160000x256xf32, #tpu.memory_space<hbm>> -> memref<80x256xf32, #tpu.memory_space<hbm>>
        tpu.enqueue_dma source(%arg12 : memref<80x256xf32, #tpu.memory_space<vmem>>) target(%dma_start3A_123 : memref<80x256xf32, #tpu.memory_space<hbm>>) target_semaphore(%arg18 : memref<!tpu.dma_semaphore, #tpu.memory_space<semaphore_mem>>)
        %dma_start3A_124 = arith.constant 0 : i32
        %dma_start3A_125 = tpu.memref_slice %arg6[%mul3A_115, %dma_start3A_124] : memref<160000x256xf32, #tpu.memory_space<hbm>> -> memref<80x256xf32, #tpu.memory_space<hbm>>
        %dma_start3A_126 = arith.constant 0 : i32
        %dma_start3A_127 = tpu.memref_slice %arg6[%mul3A_115, %dma_start3A_126] : memref<160000x256xf32, #tpu.memory_space<hbm>> -> memref<80x256xf32, #tpu.memory_space<hbm>>
        tpu.enqueue_dma source(%arg14 : memref<80x256xf32, #tpu.memory_space<vmem>>) target(%dma_start3A_127 : memref<80x256xf32, #tpu.memory_space<hbm>>) target_semaphore(%arg18 : memref<!tpu.dma_semaphore, #tpu.memory_space<semaphore_mem>>)
      } else {
      }
      %mul3A_83 = arith.constant 2 : i32
      %mul3A_84 = arith.muli %while3A_60, %mul3A_83 : i32
      %add3A_85 = arith.constant 1 : i32
      %add3A_86 = arith.addi %mul3A_84, %add3A_85 : i32
      %ge3A_87 = arith.constant 2 : i32
      %ge3A_88 = arith.cmpi sge, %add3A_86, %ge3A_87 : i32
      %sub3A_89 = arith.constant 2 : i32
      %sub3A_90 = arith.subi %add3A_86, %sub3A_89 : i32
      %lt3A_91 = arith.cmpi slt, %sub3A_90, %select_n3A : i32
      %and3A_92 = arith.andi %ge3A_88, %lt3A_91 : i1
      %convert_element_type3A_93 = arith.extui %and3A_92 : i1 to i32
      %cond3A_94 = arith.constant 0 : i32
      %cond3A_95 = arith.cmpi ne, %convert_element_type3A_93, %cond3A_94 : i32
      scf.if %cond3A_95 {
        %sub3A_109 = arith.constant 2 : i32
        %sub3A_110 = arith.subi %add3A_86, %sub3A_109 : i32
        %mul3A_111 = arith.constant 32 : i32
        %mul3A_112 = arith.muli %sub3A_110, %mul3A_111 : i32
        %add3A_113 = arith.addi %add3A, %mul3A_112 : i32
        %mul3A_114 = arith.constant 80 : i32
        %mul3A_115 = arith.muli %add3A_113, %mul3A_114 : i32
        %dma_wait3A = arith.constant 0 : i32
        %dma_wait3A_116 = tpu.memref_slice %arg5[%mul3A_115, %dma_wait3A] : memref<160000x256xf32, #tpu.memory_space<hbm>> -> memref<80x256xf32, #tpu.memory_space<hbm>>
        %dma_wait3A_117 = arith.constant 0 : i32
        %dma_wait3A_118 = tpu.memref_slice %arg5[%mul3A_115, %dma_wait3A_117] : memref<160000x256xf32, #tpu.memory_space<hbm>> -> memref<80x256xf32, #tpu.memory_space<hbm>>
        tpu.wait_dma2 semaphore(%arg18 : memref<!tpu.dma_semaphore, #tpu.memory_space<semaphore_mem>>) src(%arg12 : memref<80x256xf32, #tpu.memory_space<vmem>>) dst(%dma_wait3A_118 : memref<80x256xf32, #tpu.memory_space<hbm>>)
        %dma_wait3A_119 = arith.constant 0 : i32
        %dma_wait3A_120 = tpu.memref_slice %arg6[%mul3A_115, %dma_wait3A_119] : memref<160000x256xf32, #tpu.memory_space<hbm>> -> memref<80x256xf32, #tpu.memory_space<hbm>>
        %dma_wait3A_121 = arith.constant 0 : i32
        %dma_wait3A_122 = tpu.memref_slice %arg6[%mul3A_115, %dma_wait3A_121] : memref<160000x256xf32, #tpu.memory_space<hbm>> -> memref<80x256xf32, #tpu.memory_space<hbm>>
        tpu.wait_dma2 semaphore(%arg18 : memref<!tpu.dma_semaphore, #tpu.memory_space<semaphore_mem>>) src(%arg14 : memref<80x256xf32, #tpu.memory_space<vmem>>) dst(%dma_wait3A_122 : memref<80x256xf32, #tpu.memory_space<hbm>>)
      } else {
      }
      %lt3A_96 = arith.cmpi slt, %add3A_86, %select_n3A : i32
      %convert_element_type3A_97 = arith.extui %lt3A_96 : i1 to i32
      %cond3A_98 = arith.constant 0 : i32
      %cond3A_99 = arith.cmpi ne, %convert_element_type3A_97, %cond3A_98 : i32
      scf.if %cond3A_99 {
        %mul3A_109 = arith.constant 32 : i32
        %mul3A_110 = arith.muli %add3A_86, %mul3A_109 : i32
        %add3A_111 = arith.addi %add3A, %mul3A_110 : i32
        %mul3A_112 = arith.constant 80 : i32
        %mul3A_113 = arith.muli %add3A_111, %mul3A_112 : i32
        "tpu.region"() ({
          %run_scoped3A = tpu.sem_alloc : memref<!tpu.dma_semaphore, #tpu.memory_space<semaphore_mem>>
          %dma_start3A_119 = tpu.memref_slice %arg3[%mul3A_113] : memref<160000xi32, #tpu.memory_space<hbm>> -> memref<80xi32, #tpu.memory_space<hbm>>
          %dma_start3A_120 = tpu.memref_slice %arg3[%mul3A_113] : memref<160000xi32, #tpu.memory_space<hbm>> -> memref<80xi32, #tpu.memory_space<hbm>>
          tpu.enqueue_dma source(%dma_start3A_120 : memref<80xi32, #tpu.memory_space<hbm>>) target(%arg8 : memref<80xi32, #tpu.memory_space<vmem>>) target_semaphore(%run_scoped3A : memref<!tpu.dma_semaphore, #tpu.memory_space<semaphore_mem>>)
          %dma_wait3A = tpu.memref_slice %arg3[%mul3A_113] : memref<160000xi32, #tpu.memory_space<hbm>> -> memref<80xi32, #tpu.memory_space<hbm>>
          %dma_wait3A_121 = tpu.memref_slice %arg3[%mul3A_113] : memref<160000xi32, #tpu.memory_space<hbm>> -> memref<80xi32, #tpu.memory_space<hbm>>
          tpu.wait_dma2 semaphore(%run_scoped3A : memref<!tpu.dma_semaphore, #tpu.memory_space<semaphore_mem>>) src(%dma_wait3A_121 : memref<80xi32, #tpu.memory_space<hbm>>) dst(%arg8 : memref<80xi32, #tpu.memory_space<vmem>>)
          tpu.yield
        }) : () -> ()
        "tpu.region"() ({
          %run_scoped3A = tpu.sem_alloc : memref<!tpu.dma_semaphore, #tpu.memory_space<semaphore_mem>>
          %dma_start3A_119 = tpu.memref_slice %arg4[%mul3A_113] : memref<160000xi32, #tpu.memory_space<hbm>> -> memref<80xi32, #tpu.memory_space<hbm>>
          %dma_start3A_120 = tpu.memref_slice %arg4[%mul3A_113] : memref<160000xi32, #tpu.memory_space<hbm>> -> memref<80xi32, #tpu.memory_space<hbm>>
          tpu.enqueue_dma source(%dma_start3A_120 : memref<80xi32, #tpu.memory_space<hbm>>) target(%arg10 : memref<80xi32, #tpu.memory_space<vmem>>) target_semaphore(%run_scoped3A : memref<!tpu.dma_semaphore, #tpu.memory_space<semaphore_mem>>)
          %dma_wait3A = tpu.memref_slice %arg4[%mul3A_113] : memref<160000xi32, #tpu.memory_space<hbm>> -> memref<80xi32, #tpu.memory_space<hbm>>
          %dma_wait3A_121 = tpu.memref_slice %arg4[%mul3A_113] : memref<160000xi32, #tpu.memory_space<hbm>> -> memref<80xi32, #tpu.memory_space<hbm>>
          tpu.wait_dma2 semaphore(%run_scoped3A : memref<!tpu.dma_semaphore, #tpu.memory_space<semaphore_mem>>) src(%dma_wait3A_121 : memref<80xi32, #tpu.memory_space<hbm>>) dst(%arg10 : memref<80xi32, #tpu.memory_space<vmem>>)
          tpu.yield
        }) : () -> ()
        %dma_start3A = arith.constant 0 : i32
        %dma_start3A_114 = arith.constant 0 : i32
        %dma_start3A_115 = tpu.memref_slice %arg2[%dma_start3A, %dma_start3A_114] : memref<10000x256xf32, #tpu.memory_space<hbm>> -> memref<10000x256xf32, #tpu.memory_space<hbm>>
        tpu.enqueue_indirect_dma source(%dma_start3A_115 : memref<10000x256xf32, #tpu.memory_space<hbm>>) target(%arg12 : memref<80x256xf32, #tpu.memory_space<vmem>>) offsets(%arg8 : memref<80xi32, #tpu.memory_space<vmem>>) semaphore(%arg16 : memref<!tpu.dma_semaphore, #tpu.memory_space<semaphore_mem>>)
        %dma_start3A_116 = arith.constant 0 : i32
        %dma_start3A_117 = arith.constant 0 : i32
        %dma_start3A_118 = tpu.memref_slice %arg2[%dma_start3A_116, %dma_start3A_117] : memref<10000x256xf32, #tpu.memory_space<hbm>> -> memref<10000x256xf32, #tpu.memory_space<hbm>>
        tpu.enqueue_indirect_dma source(%dma_start3A_118 : memref<10000x256xf32, #tpu.memory_space<hbm>>) target(%arg14 : memref<80x256xf32, #tpu.memory_space<vmem>>) offsets(%arg10 : memref<80xi32, #tpu.memory_space<vmem>>) semaphore(%arg16 : memref<!tpu.dma_semaphore, #tpu.memory_space<semaphore_mem>>)
      } else {
      }
      %ge3A_100 = arith.constant 1 : i32
      %ge3A_101 = arith.cmpi sge, %add3A_86, %ge3A_100 : i32
      %sub3A_102 = arith.constant 1 : i32
      %sub3A_103 = arith.subi %add3A_86, %sub3A_102 : i32
      %lt3A_104 = arith.cmpi slt, %sub3A_103, %select_n3A : i32
      %and3A_105 = arith.andi %ge3A_101, %lt3A_104 : i1
      %convert_element_type3A_106 = arith.extui %and3A_105 : i1 to i32
      %cond3A_107 = arith.constant 0 : i32
      %cond3A_108 = arith.cmpi ne, %convert_element_type3A_106, %cond3A_107 : i32
      scf.if %cond3A_108 {
        %sub3A_109 = arith.constant 1 : i32
        %sub3A_110 = arith.subi %add3A_86, %sub3A_109 : i32
        %mul3A_111 = arith.constant 32 : i32
        %mul3A_112 = arith.muli %sub3A_110, %mul3A_111 : i32
        %add3A_113 = arith.addi %add3A, %mul3A_112 : i32
        %mul3A_114 = arith.constant 80 : i32
        %mul3A_115 = arith.muli %add3A_113, %mul3A_114 : i32
        %dma_wait3A = arith.constant 0 : i32
        %dma_wait3A_116 = arith.constant 0 : i32
        %dma_wait3A_117 = tpu.memref_slice %arg2[%dma_wait3A, %dma_wait3A_116] : memref<10000x256xf32, #tpu.memory_space<hbm>> -> memref<10000x256xf32, #tpu.memory_space<hbm>>
        tpu.wait_indirect_dma semaphore(%arg15 : memref<!tpu.dma_semaphore, #tpu.memory_space<semaphore_mem>>) src(%dma_wait3A_117 : memref<10000x256xf32, #tpu.memory_space<hbm>>) dst(%arg11 : memref<80x256xf32, #tpu.memory_space<vmem>>)
        %dma_wait3A_118 = arith.constant 0 : i32
        %dma_wait3A_119 = arith.constant 0 : i32
        %dma_wait3A_120 = tpu.memref_slice %arg2[%dma_wait3A_118, %dma_wait3A_119] : memref<10000x256xf32, #tpu.memory_space<hbm>> -> memref<10000x256xf32, #tpu.memory_space<hbm>>
        tpu.wait_indirect_dma semaphore(%arg15 : memref<!tpu.dma_semaphore, #tpu.memory_space<semaphore_mem>>) src(%dma_wait3A_120 : memref<10000x256xf32, #tpu.memory_space<hbm>>) dst(%arg13 : memref<80x256xf32, #tpu.memory_space<vmem>>)
        %dma_start3A = arith.constant 0 : i32
        %dma_start3A_121 = tpu.memref_slice %arg5[%mul3A_115, %dma_start3A] : memref<160000x256xf32, #tpu.memory_space<hbm>> -> memref<80x256xf32, #tpu.memory_space<hbm>>
        %dma_start3A_122 = arith.constant 0 : i32
        %dma_start3A_123 = tpu.memref_slice %arg5[%mul3A_115, %dma_start3A_122] : memref<160000x256xf32, #tpu.memory_space<hbm>> -> memref<80x256xf32, #tpu.memory_space<hbm>>
        tpu.enqueue_dma source(%arg11 : memref<80x256xf32, #tpu.memory_space<vmem>>) target(%dma_start3A_123 : memref<80x256xf32, #tpu.memory_space<hbm>>) target_semaphore(%arg17 : memref<!tpu.dma_semaphore, #tpu.memory_space<semaphore_mem>>)
        %dma_start3A_124 = arith.constant 0 : i32
        %dma_start3A_125 = tpu.memref_slice %arg6[%mul3A_115, %dma_start3A_124] : memref<160000x256xf32, #tpu.memory_space<hbm>> -> memref<80x256xf32, #tpu.memory_space<hbm>>
        %dma_start3A_126 = arith.constant 0 : i32
        %dma_start3A_127 = tpu.memref_slice %arg6[%mul3A_115, %dma_start3A_126] : memref<160000x256xf32, #tpu.memory_space<hbm>> -> memref<80x256xf32, #tpu.memory_space<hbm>>
        tpu.enqueue_dma source(%arg13 : memref<80x256xf32, #tpu.memory_space<vmem>>) target(%dma_start3A_127 : memref<80x256xf32, #tpu.memory_space<hbm>>) target_semaphore(%arg17 : memref<!tpu.dma_semaphore, #tpu.memory_space<semaphore_mem>>)
      } else {
      }
    }
    %while3A_59 = arith.constant 1 : i32
    scf.for %while3A_60 = %while3A_57 to %while3A_53 step %while3A_59  : i32 {
      %mul3A_61 = arith.constant 2 : i32
      %mul3A_62 = arith.muli %while3A_60, %mul3A_61 : i32
      %add3A_63 = arith.constant 0 : i32
      %add3A_64 = arith.addi %mul3A_62, %add3A_63 : i32
      %ge3A = arith.constant 2 : i32
      %ge3A_65 = arith.cmpi sge, %add3A_64, %ge3A : i32
      %sub3A_66 = arith.constant 2 : i32
      %sub3A_67 = arith.subi %add3A_64, %sub3A_66 : i32
      %lt3A = arith.cmpi slt, %sub3A_67, %select_n3A : i32
      %and3A_68 = arith.andi %ge3A_65, %lt3A : i1
      %convert_element_type3A = arith.extui %and3A_68 : i1 to i32
      %cond3A = arith.constant 0 : i32
      %cond3A_69 = arith.cmpi ne, %convert_element_type3A, %cond3A : i32
      scf.if %cond3A_69 {
        %sub3A_109 = arith.constant 2 : i32
        %sub3A_110 = arith.subi %add3A_64, %sub3A_109 : i32
        %mul3A_111 = arith.constant 32 : i32
        %mul3A_112 = arith.muli %sub3A_110, %mul3A_111 : i32
        %add3A_113 = arith.addi %add3A, %mul3A_112 : i32
        %mul3A_114 = arith.constant 80 : i32
        %mul3A_115 = arith.muli %add3A_113, %mul3A_114 : i32
        %dma_wait3A = arith.constant 0 : i32
        %dma_wait3A_116 = tpu.memref_slice %arg5[%mul3A_115, %dma_wait3A] : memref<160000x256xf32, #tpu.memory_space<hbm>> -> memref<80x256xf32, #tpu.memory_space<hbm>>
        %dma_wait3A_117 = arith.constant 0 : i32
        %dma_wait3A_118 = tpu.memref_slice %arg5[%mul3A_115, %dma_wait3A_117] : memref<160000x256xf32, #tpu.memory_space<hbm>> -> memref<80x256xf32, #tpu.memory_space<hbm>>
        tpu.wait_dma2 semaphore(%arg17 : memref<!tpu.dma_semaphore, #tpu.memory_space<semaphore_mem>>) src(%arg11 : memref<80x256xf32, #tpu.memory_space<vmem>>) dst(%dma_wait3A_118 : memref<80x256xf32, #tpu.memory_space<hbm>>)
        %dma_wait3A_119 = arith.constant 0 : i32
        %dma_wait3A_120 = tpu.memref_slice %arg6[%mul3A_115, %dma_wait3A_119] : memref<160000x256xf32, #tpu.memory_space<hbm>> -> memref<80x256xf32, #tpu.memory_space<hbm>>
        %dma_wait3A_121 = arith.constant 0 : i32
        %dma_wait3A_122 = tpu.memref_slice %arg6[%mul3A_115, %dma_wait3A_121] : memref<160000x256xf32, #tpu.memory_space<hbm>> -> memref<80x256xf32, #tpu.memory_space<hbm>>
        tpu.wait_dma2 semaphore(%arg17 : memref<!tpu.dma_semaphore, #tpu.memory_space<semaphore_mem>>) src(%arg13 : memref<80x256xf32, #tpu.memory_space<vmem>>) dst(%dma_wait3A_122 : memref<80x256xf32, #tpu.memory_space<hbm>>)
      } else {
      }
      %lt3A_70 = arith.cmpi slt, %add3A_64, %select_n3A : i32
      %convert_element_type3A_71 = arith.extui %lt3A_70 : i1 to i32
      %cond3A_72 = arith.constant 0 : i32
      %cond3A_73 = arith.cmpi ne, %convert_element_type3A_71, %cond3A_72 : i32
      scf.if %cond3A_73 {
        %mul3A_109 = arith.constant 32 : i32
        %mul3A_110 = arith.muli %add3A_64, %mul3A_109 : i32
        %add3A_111 = arith.addi %add3A, %mul3A_110 : i32
        %mul3A_112 = arith.constant 80 : i32
        %mul3A_113 = arith.muli %add3A_111, %mul3A_112 : i32
        "tpu.region"() ({
          %run_scoped3A = tpu.sem_alloc : memref<!tpu.dma_semaphore, #tpu.memory_space<semaphore_mem>>
          %dma_start3A_119 = tpu.memref_slice %arg3[%mul3A_113] : memref<160000xi32, #tpu.memory_space<hbm>> -> memref<80xi32, #tpu.memory_space<hbm>>
          %dma_start3A_120 = tpu.memref_slice %arg3[%mul3A_113] : memref<160000xi32, #tpu.memory_space<hbm>> -> memref<80xi32, #tpu.memory_space<hbm>>
          tpu.enqueue_dma source(%dma_start3A_120 : memref<80xi32, #tpu.memory_space<hbm>>) target(%arg7 : memref<80xi32, #tpu.memory_space<vmem>>) target_semaphore(%run_scoped3A : memref<!tpu.dma_semaphore, #tpu.memory_space<semaphore_mem>>)
          %dma_wait3A = tpu.memref_slice %arg3[%mul3A_113] : memref<160000xi32, #tpu.memory_space<hbm>> -> memref<80xi32, #tpu.memory_space<hbm>>
          %dma_wait3A_121 = tpu.memref_slice %arg3[%mul3A_113] : memref<160000xi32, #tpu.memory_space<hbm>> -> memref<80xi32, #tpu.memory_space<hbm>>
          tpu.wait_dma2 semaphore(%run_scoped3A : memref<!tpu.dma_semaphore, #tpu.memory_space<semaphore_mem>>) src(%dma_wait3A_121 : memref<80xi32, #tpu.memory_space<hbm>>) dst(%arg7 : memref<80xi32, #tpu.memory_space<vmem>>)
          tpu.yield
        }) : () -> ()
        "tpu.region"() ({
          %run_scoped3A = tpu.sem_alloc : memref<!tpu.dma_semaphore, #tpu.memory_space<semaphore_mem>>
          %dma_start3A_119 = tpu.memref_slice %arg4[%mul3A_113] : memref<160000xi32, #tpu.memory_space<hbm>> -> memref<80xi32, #tpu.memory_space<hbm>>
          %dma_start3A_120 = tpu.memref_slice %arg4[%mul3A_113] : memref<160000xi32, #tpu.memory_space<hbm>> -> memref<80xi32, #tpu.memory_space<hbm>>
          tpu.enqueue_dma source(%dma_start3A_120 : memref<80xi32, #tpu.memory_space<hbm>>) target(%arg9 : memref<80xi32, #tpu.memory_space<vmem>>) target_semaphore(%run_scoped3A : memref<!tpu.dma_semaphore, #tpu.memory_space<semaphore_mem>>)
          %dma_wait3A = tpu.memref_slice %arg4[%mul3A_113] : memref<160000xi32, #tpu.memory_space<hbm>> -> memref<80xi32, #tpu.memory_space<hbm>>
          %dma_wait3A_121 = tpu.memref_slice %arg4[%mul3A_113] : memref<160000xi32, #tpu.memory_space<hbm>> -> memref<80xi32, #tpu.memory_space<hbm>>
          tpu.wait_dma2 semaphore(%run_scoped3A : memref<!tpu.dma_semaphore, #tpu.memory_space<semaphore_mem>>) src(%dma_wait3A_121 : memref<80xi32, #tpu.memory_space<hbm>>) dst(%arg9 : memref<80xi32, #tpu.memory_space<vmem>>)
          tpu.yield
        }) : () -> ()
        %dma_start3A = arith.constant 0 : i32
        %dma_start3A_114 = arith.constant 0 : i32
        %dma_start3A_115 = tpu.memref_slice %arg2[%dma_start3A, %dma_start3A_114] : memref<10000x256xf32, #tpu.memory_space<hbm>> -> memref<10000x256xf32, #tpu.memory_space<hbm>>
        tpu.enqueue_indirect_dma source(%dma_start3A_115 : memref<10000x256xf32, #tpu.memory_space<hbm>>) target(%arg11 : memref<80x256xf32, #tpu.memory_space<vmem>>) offsets(%arg7 : memref<80xi32, #tpu.memory_space<vmem>>) semaphore(%arg15 : memref<!tpu.dma_semaphore, #tpu.memory_space<semaphore_mem>>)
        %dma_start3A_116 = arith.constant 0 : i32
        %dma_start3A_117 = arith.constant 0 : i32
        %dma_start3A_118 = tpu.memref_slice %arg2[%dma_start3A_116, %dma_start3A_117] : memref<10000x256xf32, #tpu.memory_space<hbm>> -> memref<10000x256xf32, #tpu.memory_space<hbm>>
        tpu.enqueue_indirect_dma source(%dma_start3A_118 : memref<10000x256xf32, #tpu.memory_space<hbm>>) target(%arg13 : memref<80x256xf32, #tpu.memory_space<vmem>>) offsets(%arg9 : memref<80xi32, #tpu.memory_space<vmem>>) semaphore(%arg15 : memref<!tpu.dma_semaphore, #tpu.memory_space<semaphore_mem>>)
      } else {
      }
      %ge3A_74 = arith.constant 1 : i32
      %ge3A_75 = arith.cmpi sge, %add3A_64, %ge3A_74 : i32
      %sub3A_76 = arith.constant 1 : i32
      %sub3A_77 = arith.subi %add3A_64, %sub3A_76 : i32
      %lt3A_78 = arith.cmpi slt, %sub3A_77, %select_n3A : i32
      %and3A_79 = arith.andi %ge3A_75, %lt3A_78 : i1
      %convert_element_type3A_80 = arith.extui %and3A_79 : i1 to i32
      %cond3A_81 = arith.constant 0 : i32
      %cond3A_82 = arith.cmpi ne, %convert_element_type3A_80, %cond3A_81 : i32
      scf.if %cond3A_82 {
        %sub3A_109 = arith.constant 1 : i32
        %sub3A_110 = arith.subi %add3A_64, %sub3A_109 : i32
        %mul3A_111 = arith.constant 32 : i32
        %mul3A_112 = arith.muli %sub3A_110, %mul3A_111 : i32
        %add3A_113 = arith.addi %add3A, %mul3A_112 : i32
        %mul3A_114 = arith.constant 80 : i32
        %mul3A_115 = arith.muli %add3A_113, %mul3A_114 : i32
        %dma_wait3A = arith.constant 0 : i32
        %dma_wait3A_116 = arith.constant 0 : i32
        %dma_wait3A_117 = tpu.memref_slice %arg2[%dma_wait3A, %dma_wait3A_116] : memref<10000x256xf32, #tpu.memory_space<hbm>> -> memref<10000x256xf32, #tpu.memory_space<hbm>>
        tpu.wait_indirect_dma semaphore(%arg16 : memref<!tpu.dma_semaphore, #tpu.memory_space<semaphore_mem>>) src(%dma_wait3A_117 : memref<10000x256xf32, #tpu.memory_space<hbm>>) dst(%arg12 : memref<80x256xf32, #tpu.memory_space<vmem>>)
        %dma_wait3A_118 = arith.constant 0 : i32
        %dma_wait3A_119 = arith.constant 0 : i32
        %dma_wait3A_120 = tpu.memref_slice %arg2[%dma_wait3A_118, %dma_wait3A_119] : memref<10000x256xf32, #tpu.memory_space<hbm>> -> memref<10000x256xf32, #tpu.memory_space<hbm>>
        tpu.wait_indirect_dma semaphore(%arg16 : memref<!tpu.dma_semaphore, #tpu.memory_space<semaphore_mem>>) src(%dma_wait3A_120 : memref<10000x256xf32, #tpu.memory_space<hbm>>) dst(%arg14 : memref<80x256xf32, #tpu.memory_space<vmem>>)
        %dma_start3A = arith.constant 0 : i32
        %dma_start3A_121 = tpu.memref_slice %arg5[%mul3A_115, %dma_start3A] : memref<160000x256xf32, #tpu.memory_space<hbm>> -> memref<80x256xf32, #tpu.memory_space<hbm>>
        %dma_start3A_122 = arith.constant 0 : i32
        %dma_start3A_123 = tpu.memref_slice %arg5[%mul3A_115, %dma_start3A_122] : memref<160000x256xf32, #tpu.memory_space<hbm>> -> memref<80x256xf32, #tpu.memory_space<hbm>>
        tpu.enqueue_dma source(%arg12 : memref<80x256xf32, #tpu.memory_space<vmem>>) target(%dma_start3A_123 : memref<80x256xf32, #tpu.memory_space<hbm>>) target_semaphore(%arg18 : memref<!tpu.dma_semaphore, #tpu.memory_space<semaphore_mem>>)
        %dma_start3A_124 = arith.constant 0 : i32
        %dma_start3A_125 = tpu.memref_slice %arg6[%mul3A_115, %dma_start3A_124] : memref<160000x256xf32, #tpu.memory_space<hbm>> -> memref<80x256xf32, #tpu.memory_space<hbm>>
        %dma_start3A_126 = arith.constant 0 : i32
        %dma_start3A_127 = tpu.memref_slice %arg6[%mul3A_115, %dma_start3A_126] : memref<160000x256xf32, #tpu.memory_space<hbm>> -> memref<80x256xf32, #tpu.memory_space<hbm>>
        tpu.enqueue_dma source(%arg14 : memref<80x256xf32, #tpu.memory_space<vmem>>) target(%dma_start3A_127 : memref<80x256xf32, #tpu.memory_space<hbm>>) target_semaphore(%arg18 : memref<!tpu.dma_semaphore, #tpu.memory_space<semaphore_mem>>)
      } else {
      }
      %mul3A_83 = arith.constant 2 : i32
      %mul3A_84 = arith.muli %while3A_60, %mul3A_83 : i32
      %add3A_85 = arith.constant 1 : i32
      %add3A_86 = arith.addi %mul3A_84, %add3A_85 : i32
      %ge3A_87 = arith.constant 2 : i32
      %ge3A_88 = arith.cmpi sge, %add3A_86, %ge3A_87 : i32
      %sub3A_89 = arith.constant 2 : i32
      %sub3A_90 = arith.subi %add3A_86, %sub3A_89 : i32
      %lt3A_91 = arith.cmpi slt, %sub3A_90, %select_n3A : i32
      %and3A_92 = arith.andi %ge3A_88, %lt3A_91 : i1
      %convert_element_type3A_93 = arith.extui %and3A_92 : i1 to i32
      %cond3A_94 = arith.constant 0 : i32
      %cond3A_95 = arith.cmpi ne, %convert_element_type3A_93, %cond3A_94 : i32
      scf.if %cond3A_95 {
        %sub3A_109 = arith.constant 2 : i32
        %sub3A_110 = arith.subi %add3A_86, %sub3A_109 : i32
        %mul3A_111 = arith.constant 32 : i32
        %mul3A_112 = arith.muli %sub3A_110, %mul3A_111 : i32
        %add3A_113 = arith.addi %add3A, %mul3A_112 : i32
        %mul3A_114 = arith.constant 80 : i32
        %mul3A_115 = arith.muli %add3A_113, %mul3A_114 : i32
        %dma_wait3A = arith.constant 0 : i32
        %dma_wait3A_116 = tpu.memref_slice %arg5[%mul3A_115, %dma_wait3A] : memref<160000x256xf32, #tpu.memory_space<hbm>> -> memref<80x256xf32, #tpu.memory_space<hbm>>
        %dma_wait3A_117 = arith.constant 0 : i32
        %dma_wait3A_118 = tpu.memref_slice %arg5[%mul3A_115, %dma_wait3A_117] : memref<160000x256xf32, #tpu.memory_space<hbm>> -> memref<80x256xf32, #tpu.memory_space<hbm>>
        tpu.wait_dma2 semaphore(%arg18 : memref<!tpu.dma_semaphore, #tpu.memory_space<semaphore_mem>>) src(%arg12 : memref<80x256xf32, #tpu.memory_space<vmem>>) dst(%dma_wait3A_118 : memref<80x256xf32, #tpu.memory_space<hbm>>)
        %dma_wait3A_119 = arith.constant 0 : i32
        %dma_wait3A_120 = tpu.memref_slice %arg6[%mul3A_115, %dma_wait3A_119] : memref<160000x256xf32, #tpu.memory_space<hbm>> -> memref<80x256xf32, #tpu.memory_space<hbm>>
        %dma_wait3A_121 = arith.constant 0 : i32
        %dma_wait3A_122 = tpu.memref_slice %arg6[%mul3A_115, %dma_wait3A_121] : memref<160000x256xf32, #tpu.memory_space<hbm>> -> memref<80x256xf32, #tpu.memory_space<hbm>>
        tpu.wait_dma2 semaphore(%arg18 : memref<!tpu.dma_semaphore, #tpu.memory_space<semaphore_mem>>) src(%arg14 : memref<80x256xf32, #tpu.memory_space<vmem>>) dst(%dma_wait3A_122 : memref<80x256xf32, #tpu.memory_space<hbm>>)
      } else {
      }
      %lt3A_96 = arith.cmpi slt, %add3A_86, %select_n3A : i32
      %convert_element_type3A_97 = arith.extui %lt3A_96 : i1 to i32
      %cond3A_98 = arith.constant 0 : i32
      %cond3A_99 = arith.cmpi ne, %convert_element_type3A_97, %cond3A_98 : i32
      scf.if %cond3A_99 {
        %mul3A_109 = arith.constant 32 : i32
        %mul3A_110 = arith.muli %add3A_86, %mul3A_109 : i32
        %add3A_111 = arith.addi %add3A, %mul3A_110 : i32
        %mul3A_112 = arith.constant 80 : i32
        %mul3A_113 = arith.muli %add3A_111, %mul3A_112 : i32
        "tpu.region"() ({
          %run_scoped3A = tpu.sem_alloc : memref<!tpu.dma_semaphore, #tpu.memory_space<semaphore_mem>>
          %dma_start3A_119 = tpu.memref_slice %arg3[%mul3A_113] : memref<160000xi32, #tpu.memory_space<hbm>> -> memref<80xi32, #tpu.memory_space<hbm>>
          %dma_start3A_120 = tpu.memref_slice %arg3[%mul3A_113] : memref<160000xi32, #tpu.memory_space<hbm>> -> memref<80xi32, #tpu.memory_space<hbm>>
          tpu.enqueue_dma source(%dma_start3A_120 : memref<80xi32, #tpu.memory_space<hbm>>) target(%arg8 : memref<80xi32, #tpu.memory_space<vmem>>) target_semaphore(%run_scoped3A : memref<!tpu.dma_semaphore, #tpu.memory_space<semaphore_mem>>)
          %dma_wait3A = tpu.memref_slice %arg3[%mul3A_113] : memref<160000xi32, #tpu.memory_space<hbm>> -> memref<80xi32, #tpu.memory_space<hbm>>
          %dma_wait3A_121 = tpu.memref_slice %arg3[%mul3A_113] : memref<160000xi32, #tpu.memory_space<hbm>> -> memref<80xi32, #tpu.memory_space<hbm>>
          tpu.wait_dma2 semaphore(%run_scoped3A : memref<!tpu.dma_semaphore, #tpu.memory_space<semaphore_mem>>) src(%dma_wait3A_121 : memref<80xi32, #tpu.memory_space<hbm>>) dst(%arg8 : memref<80xi32, #tpu.memory_space<vmem>>)
          tpu.yield
        }) : () -> ()
        "tpu.region"() ({
          %run_scoped3A = tpu.sem_alloc : memref<!tpu.dma_semaphore, #tpu.memory_space<semaphore_mem>>
          %dma_start3A_119 = tpu.memref_slice %arg4[%mul3A_113] : memref<160000xi32, #tpu.memory_space<hbm>> -> memref<80xi32, #tpu.memory_space<hbm>>
          %dma_start3A_120 = tpu.memref_slice %arg4[%mul3A_113] : memref<160000xi32, #tpu.memory_space<hbm>> -> memref<80xi32, #tpu.memory_space<hbm>>
          tpu.enqueue_dma source(%dma_start3A_120 : memref<80xi32, #tpu.memory_space<hbm>>) target(%arg10 : memref<80xi32, #tpu.memory_space<vmem>>) target_semaphore(%run_scoped3A : memref<!tpu.dma_semaphore, #tpu.memory_space<semaphore_mem>>)
          %dma_wait3A = tpu.memref_slice %arg4[%mul3A_113] : memref<160000xi32, #tpu.memory_space<hbm>> -> memref<80xi32, #tpu.memory_space<hbm>>
          %dma_wait3A_121 = tpu.memref_slice %arg4[%mul3A_113] : memref<160000xi32, #tpu.memory_space<hbm>> -> memref<80xi32, #tpu.memory_space<hbm>>
          tpu.wait_dma2 semaphore(%run_scoped3A : memref<!tpu.dma_semaphore, #tpu.memory_space<semaphore_mem>>) src(%dma_wait3A_121 : memref<80xi32, #tpu.memory_space<hbm>>) dst(%arg10 : memref<80xi32, #tpu.memory_space<vmem>>)
          tpu.yield
        }) : () -> ()
        %dma_start3A = arith.constant 0 : i32
        %dma_start3A_114 = arith.constant 0 : i32
        %dma_start3A_115 = tpu.memref_slice %arg2[%dma_start3A, %dma_start3A_114] : memref<10000x256xf32, #tpu.memory_space<hbm>> -> memref<10000x256xf32, #tpu.memory_space<hbm>>
        tpu.enqueue_indirect_dma source(%dma_start3A_115 : memref<10000x256xf32, #tpu.memory_space<hbm>>) target(%arg12 : memref<80x256xf32, #tpu.memory_space<vmem>>) offsets(%arg8 : memref<80xi32, #tpu.memory_space<vmem>>) semaphore(%arg16 : memref<!tpu.dma_semaphore, #tpu.memory_space<semaphore_mem>>)
        %dma_start3A_116 = arith.constant 0 : i32
        %dma_start3A_117 = arith.constant 0 : i32
        %dma_start3A_118 = tpu.memref_slice %arg2[%dma_start3A_116, %dma_start3A_117] : memref<10000x256xf32, #tpu.memory_space<hbm>> -> memref<10000x256xf32, #tpu.memory_space<hbm>>
        tpu.enqueue_indirect_dma source(%dma_start3A_118 : memref<10000x256xf32, #tpu.memory_space<hbm>>) target(%arg14 : memref<80x256xf32, #tpu.memory_space<vmem>>) offsets(%arg10 : memref<80xi32, #tpu.memory_space<vmem>>) semaphore(%arg16 : memref<!tpu.dma_semaphore, #tpu.memory_space<semaphore_mem>>)
      } else {
      }
      %ge3A_100 = arith.constant 1 : i32
      %ge3A_101 = arith.cmpi sge, %add3A_86, %ge3A_100 : i32
      %sub3A_102 = arith.constant 1 : i32
      %sub3A_103 = arith.subi %add3A_86, %sub3A_102 : i32
      %lt3A_104 = arith.cmpi slt, %sub3A_103, %select_n3A : i32
      %and3A_105 = arith.andi %ge3A_101, %lt3A_104 : i1
      %convert_element_type3A_106 = arith.extui %and3A_105 : i1 to i32
      %cond3A_107 = arith.constant 0 : i32
      %cond3A_108 = arith.cmpi ne, %convert_element_type3A_106, %cond3A_107 : i32
      scf.if %cond3A_108 {
        %sub3A_109 = arith.constant 1 : i32
        %sub3A_110 = arith.subi %add3A_86, %sub3A_109 : i32
        %mul3A_111 = arith.constant 32 : i32
        %mul3A_112 = arith.muli %sub3A_110, %mul3A_111 : i32
        %add3A_113 = arith.addi %add3A, %mul3A_112 : i32
        %mul3A_114 = arith.constant 80 : i32
        %mul3A_115 = arith.muli %add3A_113, %mul3A_114 : i32
        %dma_wait3A = arith.constant 0 : i32
        %dma_wait3A_116 = arith.constant 0 : i32
        %dma_wait3A_117 = tpu.memref_slice %arg2[%dma_wait3A, %dma_wait3A_116] : memref<10000x256xf32, #tpu.memory_space<hbm>> -> memref<10000x256xf32, #tpu.memory_space<hbm>>
        tpu.wait_indirect_dma semaphore(%arg15 : memref<!tpu.dma_semaphore, #tpu.memory_space<semaphore_mem>>) src(%dma_wait3A_117 : memref<10000x256xf32, #tpu.memory_space<hbm>>) dst(%arg11 : memref<80x256xf32, #tpu.memory_space<vmem>>)
        %dma_wait3A_118 = arith.constant 0 : i32
        %dma_wait3A_119 = arith.constant 0 : i32
        %dma_wait3A_120 = tpu.memref_slice %arg2[%dma_wait3A_118, %dma_wait3A_119] : memref<10000x256xf32, #tpu.memory_space<hbm>> -> memref<10000x256xf32, #tpu.memory_space<hbm>>
        tpu.wait_indirect_dma semaphore(%arg15 : memref<!tpu.dma_semaphore, #tpu.memory_space<semaphore_mem>>) src(%dma_wait3A_120 : memref<10000x256xf32, #tpu.memory_space<hbm>>) dst(%arg13 : memref<80x256xf32, #tpu.memory_space<vmem>>)
        %dma_start3A = arith.constant 0 : i32
        %dma_start3A_121 = tpu.memref_slice %arg5[%mul3A_115, %dma_start3A] : memref<160000x256xf32, #tpu.memory_space<hbm>> -> memref<80x256xf32, #tpu.memory_space<hbm>>
        %dma_start3A_122 = arith.constant 0 : i32
        %dma_start3A_123 = tpu.memref_slice %arg5[%mul3A_115, %dma_start3A_122] : memref<160000x256xf32, #tpu.memory_space<hbm>> -> memref<80x256xf32, #tpu.memory_space<hbm>>
        tpu.enqueue_dma source(%arg11 : memref<80x256xf32, #tpu.memory_space<vmem>>) target(%dma_start3A_123 : memref<80x256xf32, #tpu.memory_space<hbm>>) target_semaphore(%arg17 : memref<!tpu.dma_semaphore, #tpu.memory_space<semaphore_mem>>)
        %dma_start3A_124 = arith.constant 0 : i32
        %dma_start3A_125 = tpu.memref_slice %arg6[%mul3A_115, %dma_start3A_124] : memref<160000x256xf32, #tpu.memory_space<hbm>> -> memref<80x256xf32, #tpu.memory_space<hbm>>
        %dma_start3A_126 = arith.constant 0 : i32
        %dma_start3A_127 = tpu.memref_slice %arg6[%mul3A_115, %dma_start3A_126] : memref<160000x256xf32, #tpu.memory_space<hbm>> -> memref<80x256xf32, #tpu.memory_space<hbm>>
        tpu.enqueue_dma source(%arg13 : memref<80x256xf32, #tpu.memory_space<vmem>>) target(%dma_start3A_127 : memref<80x256xf32, #tpu.memory_space<hbm>>) target_semaphore(%arg17 : memref<!tpu.dma_semaphore, #tpu.memory_space<semaphore_mem>>)
      } else {
      }
    }
    return
  }
}

#map = affine_map<(d0, d1) -> (0, 0)>
#map1 = affine_map<(d0, d1) -> (0)>
#map2 = affine_map<(d0, d1) -> (0, 0, 0)>
module attributes {stable_mosaic.version = 14 : i64} {
  func.func @_scatter_body(%arg0: i32, %arg1: i32, %arg2: memref<160000x128xf32, #tpu.memory_space<hbm>>, %arg3: memref<160000x128xf32, #tpu.memory_space<hbm>>, %arg4: memref<160000xi32, #tpu.memory_space<hbm>>, %arg5: memref<160000xi32, #tpu.memory_space<hbm>>, %arg6: memref<64x128xf32, #tpu.memory_space<hbm>>, %arg7: memref<64x16xf32, #tpu.memory_space<hbm>>, %arg8: memref<64x16xf32, #tpu.memory_space<hbm>>, %arg9: memref<16x10x64xi32, #tpu.memory_space<hbm>>, %arg10: memref<10240x128xf32, #tpu.memory_space<hbm>>, %arg11: memref<10240x128xf32, #tpu.memory_space<hbm>>, %arg12: memref<10240x16xf32, #tpu.memory_space<hbm>>, %arg13: memref<10000x128xf32, #tpu.memory_space<vmem_shared>>, %arg14: memref<10000x16xf32, #tpu.memory_space<vmem_shared>>, %arg15: memref<64xi32, #tpu.memory_space<vmem>>, %arg16: memref<64xi32, #tpu.memory_space<vmem>>, %arg17: memref<64xi32, #tpu.memory_space<vmem>>, %arg18: memref<64xi32, #tpu.memory_space<vmem>>, %arg19: memref<64x128xf32, #tpu.memory_space<vmem>>, %arg20: memref<64x128xf32, #tpu.memory_space<vmem>>, %arg21: memref<64x16xf32, #tpu.memory_space<vmem>>, %arg22: memref<64x16xf32, #tpu.memory_space<vmem>>, %arg23: memref<10x64xi32, #tpu.memory_space<vmem>>, %arg24: memref<!tpu.dma_semaphore, #tpu.memory_space<semaphore_mem>>, %arg25: memref<!tpu.dma_semaphore, #tpu.memory_space<semaphore_mem>>, %arg26: memref<!tpu.dma_semaphore, #tpu.memory_space<semaphore_mem>>, %arg27: memref<!tpu.dma_semaphore, #tpu.memory_space<semaphore_mem>>, %arg28: memref<!tpu.dma_semaphore, #tpu.memory_space<semaphore_mem>>, %arg29: memref<!tpu.dma_semaphore, #tpu.memory_space<semaphore_mem>>, %arg30: memref<!tpu.dma_semaphore, #tpu.memory_space<semaphore_mem>>, %arg31: memref<!tpu.dma_semaphore, #tpu.memory_space<semaphore_mem>>) attributes {dimension_semantics = [#tpu.dimension_semantics<core_parallel>, #tpu.dimension_semantics<subcore_parallel>], iteration_bounds = array<i64: 2, 16>, scalar_prefetch = 0 : i64, scratch_operands = 19 : i64, tpu.core_type = #tpu.core_type<sc_vector_subcore>, window_params = [{transform_indices = #map}, {transform_indices = #map}, {transform_indices = #map1}, {transform_indices = #map1}, {transform_indices = #map}, {transform_indices = #map}, {transform_indices = #map}, {transform_indices = #map2}, {transform_indices = #map}, {transform_indices = #map}, {transform_indices = #map}]} {
    %mul3A = arith.constant 640 : i32
    %mul3A_0 = arith.muli %arg1, %mul3A : i32
    "tpu.region"() ({
      %run_scoped3A = tpu.sem_alloc : memref<!tpu.dma_semaphore, #tpu.memory_space<semaphore_mem>>
      tpu.enqueue_dma source(%arg6 : memref<64x128xf32, #tpu.memory_space<hbm>>) target(%arg19 : memref<64x128xf32, #tpu.memory_space<vmem>>) target_semaphore(%run_scoped3A : memref<!tpu.dma_semaphore, #tpu.memory_space<semaphore_mem>>)
      tpu.wait_dma2 semaphore(%run_scoped3A : memref<!tpu.dma_semaphore, #tpu.memory_space<semaphore_mem>>) src(%arg6 : memref<64x128xf32, #tpu.memory_space<hbm>>) dst(%arg19 : memref<64x128xf32, #tpu.memory_space<vmem>>)
      tpu.yield
    }) : () -> ()
    "tpu.region"() ({
      %run_scoped3A = tpu.sem_alloc : memref<!tpu.dma_semaphore, #tpu.memory_space<semaphore_mem>>
      tpu.enqueue_dma source(%arg7 : memref<64x16xf32, #tpu.memory_space<hbm>>) target(%arg21 : memref<64x16xf32, #tpu.memory_space<vmem>>) target_semaphore(%run_scoped3A : memref<!tpu.dma_semaphore, #tpu.memory_space<semaphore_mem>>)
      tpu.wait_dma2 semaphore(%run_scoped3A : memref<!tpu.dma_semaphore, #tpu.memory_space<semaphore_mem>>) src(%arg7 : memref<64x16xf32, #tpu.memory_space<hbm>>) dst(%arg21 : memref<64x16xf32, #tpu.memory_space<vmem>>)
      tpu.yield
    }) : () -> ()
    "tpu.region"() ({
      %run_scoped3A = tpu.sem_alloc : memref<!tpu.dma_semaphore, #tpu.memory_space<semaphore_mem>>
      tpu.enqueue_dma source(%arg8 : memref<64x16xf32, #tpu.memory_space<hbm>>) target(%arg22 : memref<64x16xf32, #tpu.memory_space<vmem>>) target_semaphore(%run_scoped3A : memref<!tpu.dma_semaphore, #tpu.memory_space<semaphore_mem>>)
      tpu.wait_dma2 semaphore(%run_scoped3A : memref<!tpu.dma_semaphore, #tpu.memory_space<semaphore_mem>>) src(%arg8 : memref<64x16xf32, #tpu.memory_space<hbm>>) dst(%arg22 : memref<64x16xf32, #tpu.memory_space<vmem>>)
      tpu.yield
    }) : () -> ()
    "tpu.region"() ({
      %run_scoped3A = tpu.sem_alloc : memref<!tpu.dma_semaphore, #tpu.memory_space<semaphore_mem>>
      %dma_start3A = arith.constant 0 : i32
      %dma_start3A_73 = arith.constant 0 : i32
      %dma_start3A_74 = tpu.memref_slice %arg9[%arg1, %dma_start3A, %dma_start3A_73] : memref<16x10x64xi32, #tpu.memory_space<hbm>> -> memref<1x10x64xi32, #tpu.memory_space<hbm>>
      %dma_start3A_75 = tpu.memref_squeeze %dma_start3A_74 : memref<1x10x64xi32, #tpu.memory_space<hbm>> -> memref<10x64xi32, #tpu.memory_space<hbm>>
      %dma_start3A_76 = arith.constant 0 : i32
      %dma_start3A_77 = arith.constant 0 : i32
      %dma_start3A_78 = tpu.memref_slice %arg9[%arg1, %dma_start3A_76, %dma_start3A_77] : memref<16x10x64xi32, #tpu.memory_space<hbm>> -> memref<1x10x64xi32, #tpu.memory_space<hbm>>
      %dma_start3A_79 = tpu.memref_squeeze %dma_start3A_78 : memref<1x10x64xi32, #tpu.memory_space<hbm>> -> memref<10x64xi32, #tpu.memory_space<hbm>>
      tpu.enqueue_dma source(%dma_start3A_79 : memref<10x64xi32, #tpu.memory_space<hbm>>) target(%arg23 : memref<10x64xi32, #tpu.memory_space<vmem>>) target_semaphore(%run_scoped3A : memref<!tpu.dma_semaphore, #tpu.memory_space<semaphore_mem>>)
      %dma_wait3A = arith.constant 0 : i32
      %dma_wait3A_80 = arith.constant 0 : i32
      %dma_wait3A_81 = tpu.memref_slice %arg9[%arg1, %dma_wait3A, %dma_wait3A_80] : memref<16x10x64xi32, #tpu.memory_space<hbm>> -> memref<1x10x64xi32, #tpu.memory_space<hbm>>
      %dma_wait3A_82 = tpu.memref_squeeze %dma_wait3A_81 : memref<1x10x64xi32, #tpu.memory_space<hbm>> -> memref<10x64xi32, #tpu.memory_space<hbm>>
      %dma_wait3A_83 = arith.constant 0 : i32
      %dma_wait3A_84 = arith.constant 0 : i32
      %dma_wait3A_85 = tpu.memref_slice %arg9[%arg1, %dma_wait3A_83, %dma_wait3A_84] : memref<16x10x64xi32, #tpu.memory_space<hbm>> -> memref<1x10x64xi32, #tpu.memory_space<hbm>>
      %dma_wait3A_86 = tpu.memref_squeeze %dma_wait3A_85 : memref<1x10x64xi32, #tpu.memory_space<hbm>> -> memref<10x64xi32, #tpu.memory_space<hbm>>
      tpu.wait_dma2 semaphore(%run_scoped3A : memref<!tpu.dma_semaphore, #tpu.memory_space<semaphore_mem>>) src(%dma_wait3A_86 : memref<10x64xi32, #tpu.memory_space<hbm>>) dst(%arg23 : memref<10x64xi32, #tpu.memory_space<vmem>>)
      tpu.yield
    }) : () -> ()
    %scan3A = arith.constant 0 : i32
    %scan3A_1 = arith.constant 0 : i32
    %scan3A_2 = arith.constant 10 : i32
    %scan3A_3 = arith.addi %scan3A_1, %scan3A_2 : i32
    %scan3A_4 = arith.constant 1 : i32
    scf.for %scan3A_73 = %scan3A_1 to %scan3A_3 step %scan3A_4  : i32 {
      "tpu.region"() ({
        %run_scoped3A = tpu.sem_alloc : memref<!tpu.dma_semaphore, #tpu.memory_space<semaphore_mem>>
        %dma_start3A = arith.constant 0 : i32
        %dma_start3A_74 = tpu.memref_slice %arg23[%scan3A_73, %dma_start3A] : memref<10x64xi32, #tpu.memory_space<vmem>> -> memref<1x64xi32, #tpu.memory_space<vmem>>
        %dma_start3A_75 = tpu.memref_squeeze %dma_start3A_74 : memref<1x64xi32, #tpu.memory_space<vmem>> -> memref<64xi32, #tpu.memory_space<vmem>>
        %dma_start3A_76 = arith.constant 0 : i32
        %dma_start3A_77 = arith.constant 0 : i32
        %dma_start3A_78 = tpu.memref_slice %arg13[%dma_start3A_76, %dma_start3A_77] : memref<10000x128xf32, #tpu.memory_space<vmem_shared>> -> memref<10000x128xf32, #tpu.memory_space<vmem_shared>>
        tpu.enqueue_indirect_dma source(%arg19 : memref<64x128xf32, #tpu.memory_space<vmem>>) target(%dma_start3A_78 : memref<10000x128xf32, #tpu.memory_space<vmem_shared>>) offsets(%dma_start3A_75 : memref<64xi32, #tpu.memory_space<vmem>>) semaphore(%run_scoped3A : memref<!tpu.dma_semaphore, #tpu.memory_space<semaphore_mem>>)
        %dma_wait3A = arith.constant 0 : i32
        %dma_wait3A_79 = tpu.memref_slice %arg23[%scan3A_73, %dma_wait3A] : memref<10x64xi32, #tpu.memory_space<vmem>> -> memref<1x64xi32, #tpu.memory_space<vmem>>
        %dma_wait3A_80 = tpu.memref_squeeze %dma_wait3A_79 : memref<1x64xi32, #tpu.memory_space<vmem>> -> memref<64xi32, #tpu.memory_space<vmem>>
        %dma_wait3A_81 = arith.constant 0 : i32
        %dma_wait3A_82 = arith.constant 0 : i32
        %dma_wait3A_83 = tpu.memref_slice %arg13[%dma_wait3A_81, %dma_wait3A_82] : memref<10000x128xf32, #tpu.memory_space<vmem_shared>> -> memref<10000x128xf32, #tpu.memory_space<vmem_shared>>
        tpu.wait_indirect_dma semaphore(%run_scoped3A : memref<!tpu.dma_semaphore, #tpu.memory_space<semaphore_mem>>) src(%arg19 : memref<64x128xf32, #tpu.memory_space<vmem>>) dst(%dma_wait3A_83 : memref<10000x128xf32, #tpu.memory_space<vmem_shared>>)
        tpu.yield
      }) : () -> ()
      "tpu.region"() ({
        %run_scoped3A = tpu.sem_alloc : memref<!tpu.dma_semaphore, #tpu.memory_space<semaphore_mem>>
        %dma_start3A = arith.constant 0 : i32
        %dma_start3A_74 = tpu.memref_slice %arg23[%scan3A_73, %dma_start3A] : memref<10x64xi32, #tpu.memory_space<vmem>> -> memref<1x64xi32, #tpu.memory_space<vmem>>
        %dma_start3A_75 = tpu.memref_squeeze %dma_start3A_74 : memref<1x64xi32, #tpu.memory_space<vmem>> -> memref<64xi32, #tpu.memory_space<vmem>>
        %dma_start3A_76 = arith.constant 0 : i32
        %dma_start3A_77 = arith.constant 0 : i32
        %dma_start3A_78 = tpu.memref_slice %arg14[%dma_start3A_76, %dma_start3A_77] : memref<10000x16xf32, #tpu.memory_space<vmem_shared>> -> memref<10000x16xf32, #tpu.memory_space<vmem_shared>>
        tpu.enqueue_indirect_dma source(%arg21 : memref<64x16xf32, #tpu.memory_space<vmem>>) target(%dma_start3A_78 : memref<10000x16xf32, #tpu.memory_space<vmem_shared>>) offsets(%dma_start3A_75 : memref<64xi32, #tpu.memory_space<vmem>>) semaphore(%run_scoped3A : memref<!tpu.dma_semaphore, #tpu.memory_space<semaphore_mem>>)
        %dma_wait3A = arith.constant 0 : i32
        %dma_wait3A_79 = tpu.memref_slice %arg23[%scan3A_73, %dma_wait3A] : memref<10x64xi32, #tpu.memory_space<vmem>> -> memref<1x64xi32, #tpu.memory_space<vmem>>
        %dma_wait3A_80 = tpu.memref_squeeze %dma_wait3A_79 : memref<1x64xi32, #tpu.memory_space<vmem>> -> memref<64xi32, #tpu.memory_space<vmem>>
        %dma_wait3A_81 = arith.constant 0 : i32
        %dma_wait3A_82 = arith.constant 0 : i32
        %dma_wait3A_83 = tpu.memref_slice %arg14[%dma_wait3A_81, %dma_wait3A_82] : memref<10000x16xf32, #tpu.memory_space<vmem_shared>> -> memref<10000x16xf32, #tpu.memory_space<vmem_shared>>
        tpu.wait_indirect_dma semaphore(%run_scoped3A : memref<!tpu.dma_semaphore, #tpu.memory_space<semaphore_mem>>) src(%arg21 : memref<64x16xf32, #tpu.memory_space<vmem>>) dst(%dma_wait3A_83 : memref<10000x16xf32, #tpu.memory_space<vmem_shared>>)
        tpu.yield
      }) : () -> ()
    }
    %scan3A_5 = arith.constant 10 : i32
    %barrier3A = arith.constant 0 : index
    tpu.barrier barrier_id(%barrier3A)
    %sub3A = arith.constant 2500 : i32
    %sub3A_6 = arith.subi %sub3A, %arg1 : i32
    %add3A = arith.constant 16 : i32
    %add3A_7 = arith.addi %sub3A_6, %add3A : i32
    %sub3A_8 = arith.constant 1 : i32
    %sub3A_9 = arith.subi %add3A_7, %sub3A_8 : i32
    %jit3A = arith.constant 16 : i32
    %div3A = arith.divsi %sub3A_9, %jit3A : i32
    %sign3A = arith.constant 0 : i32
    %sign3A_10 = arith.cmpi sgt, %sub3A_9, %sign3A : i32
    %sign3A_11 = arith.extui %sign3A_10 : i1 to i32
    %sign3A_12 = arith.constant 0 : i32
    %sign3A_13 = arith.cmpi slt, %sub3A_9, %sign3A_12 : i32
    %sign3A_14 = arith.extui %sign3A_13 : i1 to i32
    %sign3A_15 = arith.subi %sign3A_11, %sign3A_14 : i32
    %sign3A_16 = arith.constant 0 : i32
    %sign3A_17 = arith.cmpi sgt, %jit3A, %sign3A_16 : i32
    %sign3A_18 = arith.extui %sign3A_17 : i1 to i32
    %sign3A_19 = arith.constant 0 : i32
    %sign3A_20 = arith.cmpi slt, %jit3A, %sign3A_19 : i32
    %sign3A_21 = arith.extui %sign3A_20 : i1 to i32
    %sign3A_22 = arith.subi %sign3A_18, %sign3A_21 : i32
    %ne3A = arith.cmpi ne, %sign3A_15, %sign3A_22 : i32
    %rem3A = arith.remsi %sub3A_9, %jit3A : i32
    %ne3A_23 = arith.constant 0 : i32
    %ne3A_24 = arith.cmpi ne, %rem3A, %ne3A_23 : i32
    %and3A = arith.andi %ne3A, %ne3A_24 : i1
    %sub3A_25 = arith.constant 1 : i32
    %sub3A_26 = arith.subi %div3A, %sub3A_25 : i32
    %select_n3A = arith.select %and3A, %sub3A_26, %div3A : i32
    %add3A_27 = arith.constant 2 : i32
    %add3A_28 = arith.addi %select_n3A, %add3A_27 : i32
    %add3A_29 = arith.constant 1 : i32
    %add3A_30 = arith.addi %add3A_28, %add3A_29 : i32
    %jit3A_31 = arith.constant 2 : i32
    %div3A_32 = arith.divsi %add3A_30, %jit3A_31 : i32
    %sign3A_33 = arith.constant 0 : i32
    %sign3A_34 = arith.cmpi sgt, %add3A_30, %sign3A_33 : i32
    %sign3A_35 = arith.extui %sign3A_34 : i1 to i32
    %sign3A_36 = arith.constant 0 : i32
    %sign3A_37 = arith.cmpi slt, %add3A_30, %sign3A_36 : i32
    %sign3A_38 = arith.extui %sign3A_37 : i1 to i32
    %sign3A_39 = arith.subi %sign3A_35, %sign3A_38 : i32
    %sign3A_40 = arith.constant 0 : i32
    %sign3A_41 = arith.cmpi sgt, %jit3A_31, %sign3A_40 : i32
    %sign3A_42 = arith.extui %sign3A_41 : i1 to i32
    %sign3A_43 = arith.constant 0 : i32
    %sign3A_44 = arith.cmpi slt, %jit3A_31, %sign3A_43 : i32
    %sign3A_45 = arith.extui %sign3A_44 : i1 to i32
    %sign3A_46 = arith.subi %sign3A_42, %sign3A_45 : i32
    %ne3A_47 = arith.cmpi ne, %sign3A_39, %sign3A_46 : i32
    %rem3A_48 = arith.remsi %add3A_30, %jit3A_31 : i32
    %ne3A_49 = arith.constant 0 : i32
    %ne3A_50 = arith.cmpi ne, %rem3A_48, %ne3A_49 : i32
    %and3A_51 = arith.andi %ne3A_47, %ne3A_50 : i1
    %sub3A_52 = arith.constant 1 : i32
    %sub3A_53 = arith.subi %div3A_32, %sub3A_52 : i32
    %select_n3A_54 = arith.select %and3A_51, %sub3A_53, %div3A_32 : i32
    %while3A = arith.constant 0 : i32
    %while3A_55 = arith.constant 0 : i32
    %while3A_56 = arith.subi %select_n3A_54, %while3A_55 : i32
    %while3A_57 = arith.addi %while3A_55, %while3A_56 : i32
    %while3A_58 = arith.constant 1 : i32
    %while3A_59 = arith.divsi %while3A_56, %while3A_58 : i32
    %while3A_60 = arith.muli %while3A_59, %while3A_58 : i32
    %while3A_61 = arith.addi %while3A_55, %while3A_60 : i32
    %while3A_62 = arith.constant 1 : i32
    scf.for %while3A_73 = %while3A_55 to %while3A_61 step %while3A_62  : i32 {
      %mul3A_74 = arith.constant 2 : i32
      %mul3A_75 = arith.muli %while3A_73, %mul3A_74 : i32
      %add3A_76 = arith.constant 0 : i32
      %add3A_77 = arith.addi %mul3A_75, %add3A_76 : i32
      %ge3A = arith.constant 2 : i32
      %ge3A_78 = arith.cmpi sge, %add3A_77, %ge3A : i32
      %sub3A_79 = arith.constant 2 : i32
      %sub3A_80 = arith.subi %add3A_77, %sub3A_79 : i32
      %lt3A = arith.cmpi slt, %sub3A_80, %select_n3A : i32
      %and3A_81 = arith.andi %ge3A_78, %lt3A : i1
      %convert_element_type3A_82 = arith.extui %and3A_81 : i1 to i32
      %cond3A_83 = arith.constant 0 : i32
      %cond3A_84 = arith.cmpi ne, %convert_element_type3A_82, %cond3A_83 : i32
      scf.if %cond3A_84 {
        %dma_wait3A = arith.constant 0 : i32
        %dma_wait3A_124 = arith.constant 0 : i32
        %dma_wait3A_125 = tpu.memref_slice %arg13[%dma_wait3A, %dma_wait3A_124] : memref<10000x128xf32, #tpu.memory_space<vmem_shared>> -> memref<10000x128xf32, #tpu.memory_space<vmem_shared>>
        tpu.wait_indirect_dma semaphore(%arg26 : memref<!tpu.dma_semaphore, #tpu.memory_space<semaphore_mem>>) src(%arg19 : memref<64x128xf32, #tpu.memory_space<vmem>>) dst(%dma_wait3A_125 : memref<10000x128xf32, #tpu.memory_space<vmem_shared>>)
        %eq3A_126 = arith.constant 0 : i32
        %eq3A_127 = arith.cmpi eq, %arg0, %eq3A_126 : i32
        %convert_element_type3A_128 = arith.extui %eq3A_127 : i1 to i32
        %cond3A_129 = arith.constant 0 : i32
        %cond3A_130 = arith.cmpi ne, %convert_element_type3A_128, %cond3A_129 : i32
        scf.if %cond3A_130 {
          %dma_wait3A_131 = arith.constant 0 : i32
          %dma_wait3A_132 = arith.constant 0 : i32
          %dma_wait3A_133 = tpu.memref_slice %arg14[%dma_wait3A_131, %dma_wait3A_132] : memref<10000x16xf32, #tpu.memory_space<vmem_shared>> -> memref<10000x16xf32, #tpu.memory_space<vmem_shared>>
          tpu.wait_indirect_dma semaphore(%arg26 : memref<!tpu.dma_semaphore, #tpu.memory_space<semaphore_mem>>) src(%arg22 : memref<64x16xf32, #tpu.memory_space<vmem>>) dst(%dma_wait3A_133 : memref<10000x16xf32, #tpu.memory_space<vmem_shared>>)
        } else {
        }
      } else {
      }
      %lt3A_85 = arith.cmpi slt, %add3A_77, %select_n3A : i32
      %convert_element_type3A_86 = arith.extui %lt3A_85 : i1 to i32
      %cond3A_87 = arith.constant 0 : i32
      %cond3A_88 = arith.cmpi ne, %convert_element_type3A_86, %cond3A_87 : i32
      scf.if %cond3A_88 {
        %mul3A_124 = arith.constant 16 : i32
        %mul3A_125 = arith.muli %add3A_77, %mul3A_124 : i32
        %add3A_126 = arith.addi %arg1, %mul3A_125 : i32
        %mul3A_127 = arith.constant 64 : i32
        %mul3A_128 = arith.muli %add3A_126, %mul3A_127 : i32
        %dma_start3A = tpu.memref_slice %arg5[%mul3A_128] : memref<160000xi32, #tpu.memory_space<hbm>> -> memref<64xi32, #tpu.memory_space<hbm>>
        %dma_start3A_129 = tpu.memref_slice %arg5[%mul3A_128] : memref<160000xi32, #tpu.memory_space<hbm>> -> memref<64xi32, #tpu.memory_space<hbm>>
        tpu.enqueue_dma source(%dma_start3A_129 : memref<64xi32, #tpu.memory_space<hbm>>) target(%arg15 : memref<64xi32, #tpu.memory_space<vmem>>) target_semaphore(%arg24 : memref<!tpu.dma_semaphore, #tpu.memory_space<semaphore_mem>>)
        %eq3A_130 = arith.constant 0 : i32
        %eq3A_131 = arith.cmpi eq, %arg0, %eq3A_130 : i32
        %convert_element_type3A_132 = arith.extui %eq3A_131 : i1 to i32
        %cond3A_133 = arith.constant 0 : i32
        %cond3A_134 = arith.cmpi ne, %convert_element_type3A_132, %cond3A_133 : i32
        scf.if %cond3A_134 {
          %dma_start3A_140 = arith.constant 0 : i32
          %dma_start3A_141 = tpu.memref_slice %arg2[%mul3A_128, %dma_start3A_140] : memref<160000x128xf32, #tpu.memory_space<hbm>> -> memref<64x128xf32, #tpu.memory_space<hbm>>
          %dma_start3A_142 = arith.constant 0 : i32
          %dma_start3A_143 = tpu.memref_slice %arg2[%mul3A_128, %dma_start3A_142] : memref<160000x128xf32, #tpu.memory_space<hbm>> -> memref<64x128xf32, #tpu.memory_space<hbm>>
          tpu.enqueue_dma source(%dma_start3A_143 : memref<64x128xf32, #tpu.memory_space<hbm>>) target(%arg19 : memref<64x128xf32, #tpu.memory_space<vmem>>) target_semaphore(%arg24 : memref<!tpu.dma_semaphore, #tpu.memory_space<semaphore_mem>>)
          %dma_start3A_144 = tpu.memref_slice %arg4[%mul3A_128] : memref<160000xi32, #tpu.memory_space<hbm>> -> memref<64xi32, #tpu.memory_space<hbm>>
          %dma_start3A_145 = tpu.memref_slice %arg4[%mul3A_128] : memref<160000xi32, #tpu.memory_space<hbm>> -> memref<64xi32, #tpu.memory_space<hbm>>
          tpu.enqueue_dma source(%dma_start3A_145 : memref<64xi32, #tpu.memory_space<hbm>>) target(%arg17 : memref<64xi32, #tpu.memory_space<vmem>>) target_semaphore(%arg24 : memref<!tpu.dma_semaphore, #tpu.memory_space<semaphore_mem>>)
        } else {
        }
        %eq3A_135 = arith.constant 1 : i32
        %eq3A_136 = arith.cmpi eq, %arg0, %eq3A_135 : i32
        %convert_element_type3A_137 = arith.extui %eq3A_136 : i1 to i32
        %cond3A_138 = arith.constant 0 : i32
        %cond3A_139 = arith.cmpi ne, %convert_element_type3A_137, %cond3A_138 : i32
        scf.if %cond3A_139 {
          %dma_start3A_140 = arith.constant 0 : i32
          %dma_start3A_141 = tpu.memref_slice %arg3[%mul3A_128, %dma_start3A_140] : memref<160000x128xf32, #tpu.memory_space<hbm>> -> memref<64x128xf32, #tpu.memory_space<hbm>>
          %dma_start3A_142 = arith.constant 0 : i32
          %dma_start3A_143 = tpu.memref_slice %arg3[%mul3A_128, %dma_start3A_142] : memref<160000x128xf32, #tpu.memory_space<hbm>> -> memref<64x128xf32, #tpu.memory_space<hbm>>
          tpu.enqueue_dma source(%dma_start3A_143 : memref<64x128xf32, #tpu.memory_space<hbm>>) target(%arg19 : memref<64x128xf32, #tpu.memory_space<vmem>>) target_semaphore(%arg24 : memref<!tpu.dma_semaphore, #tpu.memory_space<semaphore_mem>>)
        } else {
        }
      } else {
      }
      %ge3A_89 = arith.constant 1 : i32
      %ge3A_90 = arith.cmpi sge, %add3A_77, %ge3A_89 : i32
      %sub3A_91 = arith.constant 1 : i32
      %sub3A_92 = arith.subi %add3A_77, %sub3A_91 : i32
      %lt3A_93 = arith.cmpi slt, %sub3A_92, %select_n3A : i32
      %and3A_94 = arith.andi %ge3A_90, %lt3A_93 : i1
      %convert_element_type3A_95 = arith.extui %and3A_94 : i1 to i32
      %cond3A_96 = arith.constant 0 : i32
      %cond3A_97 = arith.cmpi ne, %convert_element_type3A_95, %cond3A_96 : i32
      scf.if %cond3A_97 {
        %sub3A_124 = arith.constant 1 : i32
        %sub3A_125 = arith.subi %add3A_77, %sub3A_124 : i32
        %mul3A_126 = arith.constant 16 : i32
        %mul3A_127 = arith.muli %sub3A_125, %mul3A_126 : i32
        %add3A_128 = arith.addi %arg1, %mul3A_127 : i32
        %mul3A_129 = arith.constant 64 : i32
        %mul3A_130 = arith.muli %add3A_128, %mul3A_129 : i32
        %dma_wait3A = tpu.memref_slice %arg5[%mul3A_130] : memref<160000xi32, #tpu.memory_space<hbm>> -> memref<64xi32, #tpu.memory_space<hbm>>
        %dma_wait3A_131 = tpu.memref_slice %arg5[%mul3A_130] : memref<160000xi32, #tpu.memory_space<hbm>> -> memref<64xi32, #tpu.memory_space<hbm>>
        tpu.wait_dma2 semaphore(%arg25 : memref<!tpu.dma_semaphore, #tpu.memory_space<semaphore_mem>>) src(%dma_wait3A_131 : memref<64xi32, #tpu.memory_space<hbm>>) dst(%arg16 : memref<64xi32, #tpu.memory_space<vmem>>)
        %eq3A_132 = arith.constant 0 : i32
        %eq3A_133 = arith.cmpi eq, %arg0, %eq3A_132 : i32
        %convert_element_type3A_134 = arith.extui %eq3A_133 : i1 to i32
        %cond3A_135 = arith.constant 0 : i32
        %cond3A_136 = arith.cmpi ne, %convert_element_type3A_134, %cond3A_135 : i32
        scf.if %cond3A_136 {
          %dma_wait3A_144 = arith.constant 0 : i32
          %dma_wait3A_145 = tpu.memref_slice %arg2[%mul3A_130, %dma_wait3A_144] : memref<160000x128xf32, #tpu.memory_space<hbm>> -> memref<64x128xf32, #tpu.memory_space<hbm>>
          %dma_wait3A_146 = arith.constant 0 : i32
          %dma_wait3A_147 = tpu.memref_slice %arg2[%mul3A_130, %dma_wait3A_146] : memref<160000x128xf32, #tpu.memory_space<hbm>> -> memref<64x128xf32, #tpu.memory_space<hbm>>
          tpu.wait_dma2 semaphore(%arg25 : memref<!tpu.dma_semaphore, #tpu.memory_space<semaphore_mem>>) src(%dma_wait3A_147 : memref<64x128xf32, #tpu.memory_space<hbm>>) dst(%arg20 : memref<64x128xf32, #tpu.memory_space<vmem>>)
          %dma_wait3A_148 = tpu.memref_slice %arg4[%mul3A_130] : memref<160000xi32, #tpu.memory_space<hbm>> -> memref<64xi32, #tpu.memory_space<hbm>>
          %dma_wait3A_149 = tpu.memref_slice %arg4[%mul3A_130] : memref<160000xi32, #tpu.memory_space<hbm>> -> memref<64xi32, #tpu.memory_space<hbm>>
          tpu.wait_dma2 semaphore(%arg25 : memref<!tpu.dma_semaphore, #tpu.memory_space<semaphore_mem>>) src(%dma_wait3A_149 : memref<64xi32, #tpu.memory_space<hbm>>) dst(%arg18 : memref<64xi32, #tpu.memory_space<vmem>>)
          %dma_start3A_150 = arith.constant 0 : i32
          %dma_start3A_151 = arith.constant 0 : i32
          %dma_start3A_152 = tpu.memref_slice %arg14[%dma_start3A_150, %dma_start3A_151] : memref<10000x16xf32, #tpu.memory_space<vmem_shared>> -> memref<10000x16xf32, #tpu.memory_space<vmem_shared>>
          tpu.enqueue_indirect_dma source(%arg22 : memref<64x16xf32, #tpu.memory_space<vmem>>) target(%dma_start3A_152 : memref<10000x16xf32, #tpu.memory_space<vmem_shared>>) offsets(%arg18 : memref<64xi32, #tpu.memory_space<vmem>>) semaphore(%arg27 : memref<!tpu.dma_semaphore, #tpu.memory_space<semaphore_mem>>) {add = true}
        } else {
        }
        %eq3A_137 = arith.constant 1 : i32
        %eq3A_138 = arith.cmpi eq, %arg0, %eq3A_137 : i32
        %convert_element_type3A_139 = arith.extui %eq3A_138 : i1 to i32
        %cond3A_140 = arith.constant 0 : i32
        %cond3A_141 = arith.cmpi ne, %convert_element_type3A_139, %cond3A_140 : i32
        scf.if %cond3A_141 {
          %dma_wait3A_144 = arith.constant 0 : i32
          %dma_wait3A_145 = tpu.memref_slice %arg3[%mul3A_130, %dma_wait3A_144] : memref<160000x128xf32, #tpu.memory_space<hbm>> -> memref<64x128xf32, #tpu.memory_space<hbm>>
          %dma_wait3A_146 = arith.constant 0 : i32
          %dma_wait3A_147 = tpu.memref_slice %arg3[%mul3A_130, %dma_wait3A_146] : memref<160000x128xf32, #tpu.memory_space<hbm>> -> memref<64x128xf32, #tpu.memory_space<hbm>>
          tpu.wait_dma2 semaphore(%arg25 : memref<!tpu.dma_semaphore, #tpu.memory_space<semaphore_mem>>) src(%dma_wait3A_147 : memref<64x128xf32, #tpu.memory_space<hbm>>) dst(%arg20 : memref<64x128xf32, #tpu.memory_space<vmem>>)
        } else {
        }
        %dma_start3A = arith.constant 0 : i32
        %dma_start3A_142 = arith.constant 0 : i32
        %dma_start3A_143 = tpu.memref_slice %arg13[%dma_start3A, %dma_start3A_142] : memref<10000x128xf32, #tpu.memory_space<vmem_shared>> -> memref<10000x128xf32, #tpu.memory_space<vmem_shared>>
        tpu.enqueue_indirect_dma source(%arg20 : memref<64x128xf32, #tpu.memory_space<vmem>>) target(%dma_start3A_143 : memref<10000x128xf32, #tpu.memory_space<vmem_shared>>) offsets(%arg16 : memref<64xi32, #tpu.memory_space<vmem>>) semaphore(%arg27 : memref<!tpu.dma_semaphore, #tpu.memory_space<semaphore_mem>>) {add = true}
      } else {
      }
      %mul3A_98 = arith.constant 2 : i32
      %mul3A_99 = arith.muli %while3A_73, %mul3A_98 : i32
      %add3A_100 = arith.constant 1 : i32
      %add3A_101 = arith.addi %mul3A_99, %add3A_100 : i32
      %ge3A_102 = arith.constant 2 : i32
      %ge3A_103 = arith.cmpi sge, %add3A_101, %ge3A_102 : i32
      %sub3A_104 = arith.constant 2 : i32
      %sub3A_105 = arith.subi %add3A_101, %sub3A_104 : i32
      %lt3A_106 = arith.cmpi slt, %sub3A_105, %select_n3A : i32
      %and3A_107 = arith.andi %ge3A_103, %lt3A_106 : i1
      %convert_element_type3A_108 = arith.extui %and3A_107 : i1 to i32
      %cond3A_109 = arith.constant 0 : i32
      %cond3A_110 = arith.cmpi ne, %convert_element_type3A_108, %cond3A_109 : i32
      scf.if %cond3A_110 {
        %dma_wait3A = arith.constant 0 : i32
        %dma_wait3A_124 = arith.constant 0 : i32
        %dma_wait3A_125 = tpu.memref_slice %arg13[%dma_wait3A, %dma_wait3A_124] : memref<10000x128xf32, #tpu.memory_space<vmem_shared>> -> memref<10000x128xf32, #tpu.memory_space<vmem_shared>>
        tpu.wait_indirect_dma semaphore(%arg27 : memref<!tpu.dma_semaphore, #tpu.memory_space<semaphore_mem>>) src(%arg20 : memref<64x128xf32, #tpu.memory_space<vmem>>) dst(%dma_wait3A_125 : memref<10000x128xf32, #tpu.memory_space<vmem_shared>>)
        %eq3A_126 = arith.constant 0 : i32
        %eq3A_127 = arith.cmpi eq, %arg0, %eq3A_126 : i32
        %convert_element_type3A_128 = arith.extui %eq3A_127 : i1 to i32
        %cond3A_129 = arith.constant 0 : i32
        %cond3A_130 = arith.cmpi ne, %convert_element_type3A_128, %cond3A_129 : i32
        scf.if %cond3A_130 {
          %dma_wait3A_131 = arith.constant 0 : i32
          %dma_wait3A_132 = arith.constant 0 : i32
          %dma_wait3A_133 = tpu.memref_slice %arg14[%dma_wait3A_131, %dma_wait3A_132] : memref<10000x16xf32, #tpu.memory_space<vmem_shared>> -> memref<10000x16xf32, #tpu.memory_space<vmem_shared>>
          tpu.wait_indirect_dma semaphore(%arg27 : memref<!tpu.dma_semaphore, #tpu.memory_space<semaphore_mem>>) src(%arg22 : memref<64x16xf32, #tpu.memory_space<vmem>>) dst(%dma_wait3A_133 : memref<10000x16xf32, #tpu.memory_space<vmem_shared>>)
        } else {
        }
      } else {
      }
      %lt3A_111 = arith.cmpi slt, %add3A_101, %select_n3A : i32
      %convert_element_type3A_112 = arith.extui %lt3A_111 : i1 to i32
      %cond3A_113 = arith.constant 0 : i32
      %cond3A_114 = arith.cmpi ne, %convert_element_type3A_112, %cond3A_113 : i32
      scf.if %cond3A_114 {
        %mul3A_124 = arith.constant 16 : i32
        %mul3A_125 = arith.muli %add3A_101, %mul3A_124 : i32
        %add3A_126 = arith.addi %arg1, %mul3A_125 : i32
        %mul3A_127 = arith.constant 64 : i32
        %mul3A_128 = arith.muli %add3A_126, %mul3A_127 : i32
        %dma_start3A = tpu.memref_slice %arg5[%mul3A_128] : memref<160000xi32, #tpu.memory_space<hbm>> -> memref<64xi32, #tpu.memory_space<hbm>>
        %dma_start3A_129 = tpu.memref_slice %arg5[%mul3A_128] : memref<160000xi32, #tpu.memory_space<hbm>> -> memref<64xi32, #tpu.memory_space<hbm>>
        tpu.enqueue_dma source(%dma_start3A_129 : memref<64xi32, #tpu.memory_space<hbm>>) target(%arg16 : memref<64xi32, #tpu.memory_space<vmem>>) target_semaphore(%arg25 : memref<!tpu.dma_semaphore, #tpu.memory_space<semaphore_mem>>)
        %eq3A_130 = arith.constant 0 : i32
        %eq3A_131 = arith.cmpi eq, %arg0, %eq3A_130 : i32
        %convert_element_type3A_132 = arith.extui %eq3A_131 : i1 to i32
        %cond3A_133 = arith.constant 0 : i32
        %cond3A_134 = arith.cmpi ne, %convert_element_type3A_132, %cond3A_133 : i32
        scf.if %cond3A_134 {
          %dma_start3A_140 = arith.constant 0 : i32
          %dma_start3A_141 = tpu.memref_slice %arg2[%mul3A_128, %dma_start3A_140] : memref<160000x128xf32, #tpu.memory_space<hbm>> -> memref<64x128xf32, #tpu.memory_space<hbm>>
          %dma_start3A_142 = arith.constant 0 : i32
          %dma_start3A_143 = tpu.memref_slice %arg2[%mul3A_128, %dma_start3A_142] : memref<160000x128xf32, #tpu.memory_space<hbm>> -> memref<64x128xf32, #tpu.memory_space<hbm>>
          tpu.enqueue_dma source(%dma_start3A_143 : memref<64x128xf32, #tpu.memory_space<hbm>>) target(%arg20 : memref<64x128xf32, #tpu.memory_space<vmem>>) target_semaphore(%arg25 : memref<!tpu.dma_semaphore, #tpu.memory_space<semaphore_mem>>)
          %dma_start3A_144 = tpu.memref_slice %arg4[%mul3A_128] : memref<160000xi32, #tpu.memory_space<hbm>> -> memref<64xi32, #tpu.memory_space<hbm>>
          %dma_start3A_145 = tpu.memref_slice %arg4[%mul3A_128] : memref<160000xi32, #tpu.memory_space<hbm>> -> memref<64xi32, #tpu.memory_space<hbm>>
          tpu.enqueue_dma source(%dma_start3A_145 : memref<64xi32, #tpu.memory_space<hbm>>) target(%arg18 : memref<64xi32, #tpu.memory_space<vmem>>) target_semaphore(%arg25 : memref<!tpu.dma_semaphore, #tpu.memory_space<semaphore_mem>>)
        } else {
        }
        %eq3A_135 = arith.constant 1 : i32
        %eq3A_136 = arith.cmpi eq, %arg0, %eq3A_135 : i32
        %convert_element_type3A_137 = arith.extui %eq3A_136 : i1 to i32
        %cond3A_138 = arith.constant 0 : i32
        %cond3A_139 = arith.cmpi ne, %convert_element_type3A_137, %cond3A_138 : i32
        scf.if %cond3A_139 {
          %dma_start3A_140 = arith.constant 0 : i32
          %dma_start3A_141 = tpu.memref_slice %arg3[%mul3A_128, %dma_start3A_140] : memref<160000x128xf32, #tpu.memory_space<hbm>> -> memref<64x128xf32, #tpu.memory_space<hbm>>
          %dma_start3A_142 = arith.constant 0 : i32
          %dma_start3A_143 = tpu.memref_slice %arg3[%mul3A_128, %dma_start3A_142] : memref<160000x128xf32, #tpu.memory_space<hbm>> -> memref<64x128xf32, #tpu.memory_space<hbm>>
          tpu.enqueue_dma source(%dma_start3A_143 : memref<64x128xf32, #tpu.memory_space<hbm>>) target(%arg20 : memref<64x128xf32, #tpu.memory_space<vmem>>) target_semaphore(%arg25 : memref<!tpu.dma_semaphore, #tpu.memory_space<semaphore_mem>>)
        } else {
        }
      } else {
      }
      %ge3A_115 = arith.constant 1 : i32
      %ge3A_116 = arith.cmpi sge, %add3A_101, %ge3A_115 : i32
      %sub3A_117 = arith.constant 1 : i32
      %sub3A_118 = arith.subi %add3A_101, %sub3A_117 : i32
      %lt3A_119 = arith.cmpi slt, %sub3A_118, %select_n3A : i32
      %and3A_120 = arith.andi %ge3A_116, %lt3A_119 : i1
      %convert_element_type3A_121 = arith.extui %and3A_120 : i1 to i32
      %cond3A_122 = arith.constant 0 : i32
      %cond3A_123 = arith.cmpi ne, %convert_element_type3A_121, %cond3A_122 : i32
      scf.if %cond3A_123 {
        %sub3A_124 = arith.constant 1 : i32
        %sub3A_125 = arith.subi %add3A_101, %sub3A_124 : i32
        %mul3A_126 = arith.constant 16 : i32
        %mul3A_127 = arith.muli %sub3A_125, %mul3A_126 : i32
        %add3A_128 = arith.addi %arg1, %mul3A_127 : i32
        %mul3A_129 = arith.constant 64 : i32
        %mul3A_130 = arith.muli %add3A_128, %mul3A_129 : i32
        %dma_wait3A = tpu.memref_slice %arg5[%mul3A_130] : memref<160000xi32, #tpu.memory_space<hbm>> -> memref<64xi32, #tpu.memory_space<hbm>>
        %dma_wait3A_131 = tpu.memref_slice %arg5[%mul3A_130] : memref<160000xi32, #tpu.memory_space<hbm>> -> memref<64xi32, #tpu.memory_space<hbm>>
        tpu.wait_dma2 semaphore(%arg24 : memref<!tpu.dma_semaphore, #tpu.memory_space<semaphore_mem>>) src(%dma_wait3A_131 : memref<64xi32, #tpu.memory_space<hbm>>) dst(%arg15 : memref<64xi32, #tpu.memory_space<vmem>>)
        %eq3A_132 = arith.constant 0 : i32
        %eq3A_133 = arith.cmpi eq, %arg0, %eq3A_132 : i32
        %convert_element_type3A_134 = arith.extui %eq3A_133 : i1 to i32
        %cond3A_135 = arith.constant 0 : i32
        %cond3A_136 = arith.cmpi ne, %convert_element_type3A_134, %cond3A_135 : i32
        scf.if %cond3A_136 {
          %dma_wait3A_144 = arith.constant 0 : i32
          %dma_wait3A_145 = tpu.memref_slice %arg2[%mul3A_130, %dma_wait3A_144] : memref<160000x128xf32, #tpu.memory_space<hbm>> -> memref<64x128xf32, #tpu.memory_space<hbm>>
          %dma_wait3A_146 = arith.constant 0 : i32
          %dma_wait3A_147 = tpu.memref_slice %arg2[%mul3A_130, %dma_wait3A_146] : memref<160000x128xf32, #tpu.memory_space<hbm>> -> memref<64x128xf32, #tpu.memory_space<hbm>>
          tpu.wait_dma2 semaphore(%arg24 : memref<!tpu.dma_semaphore, #tpu.memory_space<semaphore_mem>>) src(%dma_wait3A_147 : memref<64x128xf32, #tpu.memory_space<hbm>>) dst(%arg19 : memref<64x128xf32, #tpu.memory_space<vmem>>)
          %dma_wait3A_148 = tpu.memref_slice %arg4[%mul3A_130] : memref<160000xi32, #tpu.memory_space<hbm>> -> memref<64xi32, #tpu.memory_space<hbm>>
          %dma_wait3A_149 = tpu.memref_slice %arg4[%mul3A_130] : memref<160000xi32, #tpu.memory_space<hbm>> -> memref<64xi32, #tpu.memory_space<hbm>>
          tpu.wait_dma2 semaphore(%arg24 : memref<!tpu.dma_semaphore, #tpu.memory_space<semaphore_mem>>) src(%dma_wait3A_149 : memref<64xi32, #tpu.memory_space<hbm>>) dst(%arg17 : memref<64xi32, #tpu.memory_space<vmem>>)
          %dma_start3A_150 = arith.constant 0 : i32
          %dma_start3A_151 = arith.constant 0 : i32
          %dma_start3A_152 = tpu.memref_slice %arg14[%dma_start3A_150, %dma_start3A_151] : memref<10000x16xf32, #tpu.memory_space<vmem_shared>> -> memref<10000x16xf32, #tpu.memory_space<vmem_shared>>
          tpu.enqueue_indirect_dma source(%arg22 : memref<64x16xf32, #tpu.memory_space<vmem>>) target(%dma_start3A_152 : memref<10000x16xf32, #tpu.memory_space<vmem_shared>>) offsets(%arg17 : memref<64xi32, #tpu.memory_space<vmem>>) semaphore(%arg26 : memref<!tpu.dma_semaphore, #tpu.memory_space<semaphore_mem>>) {add = true}
        } else {
        }
        %eq3A_137 = arith.constant 1 : i32
        %eq3A_138 = arith.cmpi eq, %arg0, %eq3A_137 : i32
        %convert_element_type3A_139 = arith.extui %eq3A_138 : i1 to i32
        %cond3A_140 = arith.constant 0 : i32
        %cond3A_141 = arith.cmpi ne, %convert_element_type3A_139, %cond3A_140 : i32
        scf.if %cond3A_141 {
          %dma_wait3A_144 = arith.constant 0 : i32
          %dma_wait3A_145 = tpu.memref_slice %arg3[%mul3A_130, %dma_wait3A_144] : memref<160000x128xf32, #tpu.memory_space<hbm>> -> memref<64x128xf32, #tpu.memory_space<hbm>>
          %dma_wait3A_146 = arith.constant 0 : i32
          %dma_wait3A_147 = tpu.memref_slice %arg3[%mul3A_130, %dma_wait3A_146] : memref<160000x128xf32, #tpu.memory_space<hbm>> -> memref<64x128xf32, #tpu.memory_space<hbm>>
          tpu.wait_dma2 semaphore(%arg24 : memref<!tpu.dma_semaphore, #tpu.memory_space<semaphore_mem>>) src(%dma_wait3A_147 : memref<64x128xf32, #tpu.memory_space<hbm>>) dst(%arg19 : memref<64x128xf32, #tpu.memory_space<vmem>>)
        } else {
        }
        %dma_start3A = arith.constant 0 : i32
        %dma_start3A_142 = arith.constant 0 : i32
        %dma_start3A_143 = tpu.memref_slice %arg13[%dma_start3A, %dma_start3A_142] : memref<10000x128xf32, #tpu.memory_space<vmem_shared>> -> memref<10000x128xf32, #tpu.memory_space<vmem_shared>>
        tpu.enqueue_indirect_dma source(%arg19 : memref<64x128xf32, #tpu.memory_space<vmem>>) target(%dma_start3A_143 : memref<10000x128xf32, #tpu.memory_space<vmem_shared>>) offsets(%arg15 : memref<64xi32, #tpu.memory_space<vmem>>) semaphore(%arg26 : memref<!tpu.dma_semaphore, #tpu.memory_space<semaphore_mem>>) {add = true}
      } else {
      }
    }
    %while3A_63 = arith.constant 1 : i32
    scf.for %while3A_73 = %while3A_61 to %while3A_57 step %while3A_63  : i32 {
      %mul3A_74 = arith.constant 2 : i32
      %mul3A_75 = arith.muli %while3A_73, %mul3A_74 : i32
      %add3A_76 = arith.constant 0 : i32
      %add3A_77 = arith.addi %mul3A_75, %add3A_76 : i32
      %ge3A = arith.constant 2 : i32
      %ge3A_78 = arith.cmpi sge, %add3A_77, %ge3A : i32
      %sub3A_79 = arith.constant 2 : i32
      %sub3A_80 = arith.subi %add3A_77, %sub3A_79 : i32
      %lt3A = arith.cmpi slt, %sub3A_80, %select_n3A : i32
      %and3A_81 = arith.andi %ge3A_78, %lt3A : i1
      %convert_element_type3A_82 = arith.extui %and3A_81 : i1 to i32
      %cond3A_83 = arith.constant 0 : i32
      %cond3A_84 = arith.cmpi ne, %convert_element_type3A_82, %cond3A_83 : i32
      scf.if %cond3A_84 {
        %dma_wait3A = arith.constant 0 : i32
        %dma_wait3A_124 = arith.constant 0 : i32
        %dma_wait3A_125 = tpu.memref_slice %arg13[%dma_wait3A, %dma_wait3A_124] : memref<10000x128xf32, #tpu.memory_space<vmem_shared>> -> memref<10000x128xf32, #tpu.memory_space<vmem_shared>>
        tpu.wait_indirect_dma semaphore(%arg26 : memref<!tpu.dma_semaphore, #tpu.memory_space<semaphore_mem>>) src(%arg19 : memref<64x128xf32, #tpu.memory_space<vmem>>) dst(%dma_wait3A_125 : memref<10000x128xf32, #tpu.memory_space<vmem_shared>>)
        %eq3A_126 = arith.constant 0 : i32
        %eq3A_127 = arith.cmpi eq, %arg0, %eq3A_126 : i32
        %convert_element_type3A_128 = arith.extui %eq3A_127 : i1 to i32
        %cond3A_129 = arith.constant 0 : i32
        %cond3A_130 = arith.cmpi ne, %convert_element_type3A_128, %cond3A_129 : i32
        scf.if %cond3A_130 {
          %dma_wait3A_131 = arith.constant 0 : i32
          %dma_wait3A_132 = arith.constant 0 : i32
          %dma_wait3A_133 = tpu.memref_slice %arg14[%dma_wait3A_131, %dma_wait3A_132] : memref<10000x16xf32, #tpu.memory_space<vmem_shared>> -> memref<10000x16xf32, #tpu.memory_space<vmem_shared>>
          tpu.wait_indirect_dma semaphore(%arg26 : memref<!tpu.dma_semaphore, #tpu.memory_space<semaphore_mem>>) src(%arg22 : memref<64x16xf32, #tpu.memory_space<vmem>>) dst(%dma_wait3A_133 : memref<10000x16xf32, #tpu.memory_space<vmem_shared>>)
        } else {
        }
      } else {
      }
      %lt3A_85 = arith.cmpi slt, %add3A_77, %select_n3A : i32
      %convert_element_type3A_86 = arith.extui %lt3A_85 : i1 to i32
      %cond3A_87 = arith.constant 0 : i32
      %cond3A_88 = arith.cmpi ne, %convert_element_type3A_86, %cond3A_87 : i32
      scf.if %cond3A_88 {
        %mul3A_124 = arith.constant 16 : i32
        %mul3A_125 = arith.muli %add3A_77, %mul3A_124 : i32
        %add3A_126 = arith.addi %arg1, %mul3A_125 : i32
        %mul3A_127 = arith.constant 64 : i32
        %mul3A_128 = arith.muli %add3A_126, %mul3A_127 : i32
        %dma_start3A = tpu.memref_slice %arg5[%mul3A_128] : memref<160000xi32, #tpu.memory_space<hbm>> -> memref<64xi32, #tpu.memory_space<hbm>>
        %dma_start3A_129 = tpu.memref_slice %arg5[%mul3A_128] : memref<160000xi32, #tpu.memory_space<hbm>> -> memref<64xi32, #tpu.memory_space<hbm>>
        tpu.enqueue_dma source(%dma_start3A_129 : memref<64xi32, #tpu.memory_space<hbm>>) target(%arg15 : memref<64xi32, #tpu.memory_space<vmem>>) target_semaphore(%arg24 : memref<!tpu.dma_semaphore, #tpu.memory_space<semaphore_mem>>)
        %eq3A_130 = arith.constant 0 : i32
        %eq3A_131 = arith.cmpi eq, %arg0, %eq3A_130 : i32
        %convert_element_type3A_132 = arith.extui %eq3A_131 : i1 to i32
        %cond3A_133 = arith.constant 0 : i32
        %cond3A_134 = arith.cmpi ne, %convert_element_type3A_132, %cond3A_133 : i32
        scf.if %cond3A_134 {
          %dma_start3A_140 = arith.constant 0 : i32
          %dma_start3A_141 = tpu.memref_slice %arg2[%mul3A_128, %dma_start3A_140] : memref<160000x128xf32, #tpu.memory_space<hbm>> -> memref<64x128xf32, #tpu.memory_space<hbm>>
          %dma_start3A_142 = arith.constant 0 : i32
          %dma_start3A_143 = tpu.memref_slice %arg2[%mul3A_128, %dma_start3A_142] : memref<160000x128xf32, #tpu.memory_space<hbm>> -> memref<64x128xf32, #tpu.memory_space<hbm>>
          tpu.enqueue_dma source(%dma_start3A_143 : memref<64x128xf32, #tpu.memory_space<hbm>>) target(%arg19 : memref<64x128xf32, #tpu.memory_space<vmem>>) target_semaphore(%arg24 : memref<!tpu.dma_semaphore, #tpu.memory_space<semaphore_mem>>)
          %dma_start3A_144 = tpu.memref_slice %arg4[%mul3A_128] : memref<160000xi32, #tpu.memory_space<hbm>> -> memref<64xi32, #tpu.memory_space<hbm>>
          %dma_start3A_145 = tpu.memref_slice %arg4[%mul3A_128] : memref<160000xi32, #tpu.memory_space<hbm>> -> memref<64xi32, #tpu.memory_space<hbm>>
          tpu.enqueue_dma source(%dma_start3A_145 : memref<64xi32, #tpu.memory_space<hbm>>) target(%arg17 : memref<64xi32, #tpu.memory_space<vmem>>) target_semaphore(%arg24 : memref<!tpu.dma_semaphore, #tpu.memory_space<semaphore_mem>>)
        } else {
        }
        %eq3A_135 = arith.constant 1 : i32
        %eq3A_136 = arith.cmpi eq, %arg0, %eq3A_135 : i32
        %convert_element_type3A_137 = arith.extui %eq3A_136 : i1 to i32
        %cond3A_138 = arith.constant 0 : i32
        %cond3A_139 = arith.cmpi ne, %convert_element_type3A_137, %cond3A_138 : i32
        scf.if %cond3A_139 {
          %dma_start3A_140 = arith.constant 0 : i32
          %dma_start3A_141 = tpu.memref_slice %arg3[%mul3A_128, %dma_start3A_140] : memref<160000x128xf32, #tpu.memory_space<hbm>> -> memref<64x128xf32, #tpu.memory_space<hbm>>
          %dma_start3A_142 = arith.constant 0 : i32
          %dma_start3A_143 = tpu.memref_slice %arg3[%mul3A_128, %dma_start3A_142] : memref<160000x128xf32, #tpu.memory_space<hbm>> -> memref<64x128xf32, #tpu.memory_space<hbm>>
          tpu.enqueue_dma source(%dma_start3A_143 : memref<64x128xf32, #tpu.memory_space<hbm>>) target(%arg19 : memref<64x128xf32, #tpu.memory_space<vmem>>) target_semaphore(%arg24 : memref<!tpu.dma_semaphore, #tpu.memory_space<semaphore_mem>>)
        } else {
        }
      } else {
      }
      %ge3A_89 = arith.constant 1 : i32
      %ge3A_90 = arith.cmpi sge, %add3A_77, %ge3A_89 : i32
      %sub3A_91 = arith.constant 1 : i32
      %sub3A_92 = arith.subi %add3A_77, %sub3A_91 : i32
      %lt3A_93 = arith.cmpi slt, %sub3A_92, %select_n3A : i32
      %and3A_94 = arith.andi %ge3A_90, %lt3A_93 : i1
      %convert_element_type3A_95 = arith.extui %and3A_94 : i1 to i32
      %cond3A_96 = arith.constant 0 : i32
      %cond3A_97 = arith.cmpi ne, %convert_element_type3A_95, %cond3A_96 : i32
      scf.if %cond3A_97 {
        %sub3A_124 = arith.constant 1 : i32
        %sub3A_125 = arith.subi %add3A_77, %sub3A_124 : i32
        %mul3A_126 = arith.constant 16 : i32
        %mul3A_127 = arith.muli %sub3A_125, %mul3A_126 : i32
        %add3A_128 = arith.addi %arg1, %mul3A_127 : i32
        %mul3A_129 = arith.constant 64 : i32
        %mul3A_130 = arith.muli %add3A_128, %mul3A_129 : i32
        %dma_wait3A = tpu.memref_slice %arg5[%mul3A_130] : memref<160000xi32, #tpu.memory_space<hbm>> -> memref<64xi32, #tpu.memory_space<hbm>>
        %dma_wait3A_131 = tpu.memref_slice %arg5[%mul3A_130] : memref<160000xi32, #tpu.memory_space<hbm>> -> memref<64xi32, #tpu.memory_space<hbm>>
        tpu.wait_dma2 semaphore(%arg25 : memref<!tpu.dma_semaphore, #tpu.memory_space<semaphore_mem>>) src(%dma_wait3A_131 : memref<64xi32, #tpu.memory_space<hbm>>) dst(%arg16 : memref<64xi32, #tpu.memory_space<vmem>>)
        %eq3A_132 = arith.constant 0 : i32
        %eq3A_133 = arith.cmpi eq, %arg0, %eq3A_132 : i32
        %convert_element_type3A_134 = arith.extui %eq3A_133 : i1 to i32
        %cond3A_135 = arith.constant 0 : i32
        %cond3A_136 = arith.cmpi ne, %convert_element_type3A_134, %cond3A_135 : i32
        scf.if %cond3A_136 {
          %dma_wait3A_144 = arith.constant 0 : i32
          %dma_wait3A_145 = tpu.memref_slice %arg2[%mul3A_130, %dma_wait3A_144] : memref<160000x128xf32, #tpu.memory_space<hbm>> -> memref<64x128xf32, #tpu.memory_space<hbm>>
          %dma_wait3A_146 = arith.constant 0 : i32
          %dma_wait3A_147 = tpu.memref_slice %arg2[%mul3A_130, %dma_wait3A_146] : memref<160000x128xf32, #tpu.memory_space<hbm>> -> memref<64x128xf32, #tpu.memory_space<hbm>>
          tpu.wait_dma2 semaphore(%arg25 : memref<!tpu.dma_semaphore, #tpu.memory_space<semaphore_mem>>) src(%dma_wait3A_147 : memref<64x128xf32, #tpu.memory_space<hbm>>) dst(%arg20 : memref<64x128xf32, #tpu.memory_space<vmem>>)
          %dma_wait3A_148 = tpu.memref_slice %arg4[%mul3A_130] : memref<160000xi32, #tpu.memory_space<hbm>> -> memref<64xi32, #tpu.memory_space<hbm>>
          %dma_wait3A_149 = tpu.memref_slice %arg4[%mul3A_130] : memref<160000xi32, #tpu.memory_space<hbm>> -> memref<64xi32, #tpu.memory_space<hbm>>
          tpu.wait_dma2 semaphore(%arg25 : memref<!tpu.dma_semaphore, #tpu.memory_space<semaphore_mem>>) src(%dma_wait3A_149 : memref<64xi32, #tpu.memory_space<hbm>>) dst(%arg18 : memref<64xi32, #tpu.memory_space<vmem>>)
          %dma_start3A_150 = arith.constant 0 : i32
          %dma_start3A_151 = arith.constant 0 : i32
          %dma_start3A_152 = tpu.memref_slice %arg14[%dma_start3A_150, %dma_start3A_151] : memref<10000x16xf32, #tpu.memory_space<vmem_shared>> -> memref<10000x16xf32, #tpu.memory_space<vmem_shared>>
          tpu.enqueue_indirect_dma source(%arg22 : memref<64x16xf32, #tpu.memory_space<vmem>>) target(%dma_start3A_152 : memref<10000x16xf32, #tpu.memory_space<vmem_shared>>) offsets(%arg18 : memref<64xi32, #tpu.memory_space<vmem>>) semaphore(%arg27 : memref<!tpu.dma_semaphore, #tpu.memory_space<semaphore_mem>>) {add = true}
        } else {
        }
        %eq3A_137 = arith.constant 1 : i32
        %eq3A_138 = arith.cmpi eq, %arg0, %eq3A_137 : i32
        %convert_element_type3A_139 = arith.extui %eq3A_138 : i1 to i32
        %cond3A_140 = arith.constant 0 : i32
        %cond3A_141 = arith.cmpi ne, %convert_element_type3A_139, %cond3A_140 : i32
        scf.if %cond3A_141 {
          %dma_wait3A_144 = arith.constant 0 : i32
          %dma_wait3A_145 = tpu.memref_slice %arg3[%mul3A_130, %dma_wait3A_144] : memref<160000x128xf32, #tpu.memory_space<hbm>> -> memref<64x128xf32, #tpu.memory_space<hbm>>
          %dma_wait3A_146 = arith.constant 0 : i32
          %dma_wait3A_147 = tpu.memref_slice %arg3[%mul3A_130, %dma_wait3A_146] : memref<160000x128xf32, #tpu.memory_space<hbm>> -> memref<64x128xf32, #tpu.memory_space<hbm>>
          tpu.wait_dma2 semaphore(%arg25 : memref<!tpu.dma_semaphore, #tpu.memory_space<semaphore_mem>>) src(%dma_wait3A_147 : memref<64x128xf32, #tpu.memory_space<hbm>>) dst(%arg20 : memref<64x128xf32, #tpu.memory_space<vmem>>)
        } else {
        }
        %dma_start3A = arith.constant 0 : i32
        %dma_start3A_142 = arith.constant 0 : i32
        %dma_start3A_143 = tpu.memref_slice %arg13[%dma_start3A, %dma_start3A_142] : memref<10000x128xf32, #tpu.memory_space<vmem_shared>> -> memref<10000x128xf32, #tpu.memory_space<vmem_shared>>
        tpu.enqueue_indirect_dma source(%arg20 : memref<64x128xf32, #tpu.memory_space<vmem>>) target(%dma_start3A_143 : memref<10000x128xf32, #tpu.memory_space<vmem_shared>>) offsets(%arg16 : memref<64xi32, #tpu.memory_space<vmem>>) semaphore(%arg27 : memref<!tpu.dma_semaphore, #tpu.memory_space<semaphore_mem>>) {add = true}
      } else {
      }
      %mul3A_98 = arith.constant 2 : i32
      %mul3A_99 = arith.muli %while3A_73, %mul3A_98 : i32
      %add3A_100 = arith.constant 1 : i32
      %add3A_101 = arith.addi %mul3A_99, %add3A_100 : i32
      %ge3A_102 = arith.constant 2 : i32
      %ge3A_103 = arith.cmpi sge, %add3A_101, %ge3A_102 : i32
      %sub3A_104 = arith.constant 2 : i32
      %sub3A_105 = arith.subi %add3A_101, %sub3A_104 : i32
      %lt3A_106 = arith.cmpi slt, %sub3A_105, %select_n3A : i32
      %and3A_107 = arith.andi %ge3A_103, %lt3A_106 : i1
      %convert_element_type3A_108 = arith.extui %and3A_107 : i1 to i32
      %cond3A_109 = arith.constant 0 : i32
      %cond3A_110 = arith.cmpi ne, %convert_element_type3A_108, %cond3A_109 : i32
      scf.if %cond3A_110 {
        %dma_wait3A = arith.constant 0 : i32
        %dma_wait3A_124 = arith.constant 0 : i32
        %dma_wait3A_125 = tpu.memref_slice %arg13[%dma_wait3A, %dma_wait3A_124] : memref<10000x128xf32, #tpu.memory_space<vmem_shared>> -> memref<10000x128xf32, #tpu.memory_space<vmem_shared>>
        tpu.wait_indirect_dma semaphore(%arg27 : memref<!tpu.dma_semaphore, #tpu.memory_space<semaphore_mem>>) src(%arg20 : memref<64x128xf32, #tpu.memory_space<vmem>>) dst(%dma_wait3A_125 : memref<10000x128xf32, #tpu.memory_space<vmem_shared>>)
        %eq3A_126 = arith.constant 0 : i32
        %eq3A_127 = arith.cmpi eq, %arg0, %eq3A_126 : i32
        %convert_element_type3A_128 = arith.extui %eq3A_127 : i1 to i32
        %cond3A_129 = arith.constant 0 : i32
        %cond3A_130 = arith.cmpi ne, %convert_element_type3A_128, %cond3A_129 : i32
        scf.if %cond3A_130 {
          %dma_wait3A_131 = arith.constant 0 : i32
          %dma_wait3A_132 = arith.constant 0 : i32
          %dma_wait3A_133 = tpu.memref_slice %arg14[%dma_wait3A_131, %dma_wait3A_132] : memref<10000x16xf32, #tpu.memory_space<vmem_shared>> -> memref<10000x16xf32, #tpu.memory_space<vmem_shared>>
          tpu.wait_indirect_dma semaphore(%arg27 : memref<!tpu.dma_semaphore, #tpu.memory_space<semaphore_mem>>) src(%arg22 : memref<64x16xf32, #tpu.memory_space<vmem>>) dst(%dma_wait3A_133 : memref<10000x16xf32, #tpu.memory_space<vmem_shared>>)
        } else {
        }
      } else {
      }
      %lt3A_111 = arith.cmpi slt, %add3A_101, %select_n3A : i32
      %convert_element_type3A_112 = arith.extui %lt3A_111 : i1 to i32
      %cond3A_113 = arith.constant 0 : i32
      %cond3A_114 = arith.cmpi ne, %convert_element_type3A_112, %cond3A_113 : i32
      scf.if %cond3A_114 {
        %mul3A_124 = arith.constant 16 : i32
        %mul3A_125 = arith.muli %add3A_101, %mul3A_124 : i32
        %add3A_126 = arith.addi %arg1, %mul3A_125 : i32
        %mul3A_127 = arith.constant 64 : i32
        %mul3A_128 = arith.muli %add3A_126, %mul3A_127 : i32
        %dma_start3A = tpu.memref_slice %arg5[%mul3A_128] : memref<160000xi32, #tpu.memory_space<hbm>> -> memref<64xi32, #tpu.memory_space<hbm>>
        %dma_start3A_129 = tpu.memref_slice %arg5[%mul3A_128] : memref<160000xi32, #tpu.memory_space<hbm>> -> memref<64xi32, #tpu.memory_space<hbm>>
        tpu.enqueue_dma source(%dma_start3A_129 : memref<64xi32, #tpu.memory_space<hbm>>) target(%arg16 : memref<64xi32, #tpu.memory_space<vmem>>) target_semaphore(%arg25 : memref<!tpu.dma_semaphore, #tpu.memory_space<semaphore_mem>>)
        %eq3A_130 = arith.constant 0 : i32
        %eq3A_131 = arith.cmpi eq, %arg0, %eq3A_130 : i32
        %convert_element_type3A_132 = arith.extui %eq3A_131 : i1 to i32
        %cond3A_133 = arith.constant 0 : i32
        %cond3A_134 = arith.cmpi ne, %convert_element_type3A_132, %cond3A_133 : i32
        scf.if %cond3A_134 {
          %dma_start3A_140 = arith.constant 0 : i32
          %dma_start3A_141 = tpu.memref_slice %arg2[%mul3A_128, %dma_start3A_140] : memref<160000x128xf32, #tpu.memory_space<hbm>> -> memref<64x128xf32, #tpu.memory_space<hbm>>
          %dma_start3A_142 = arith.constant 0 : i32
          %dma_start3A_143 = tpu.memref_slice %arg2[%mul3A_128, %dma_start3A_142] : memref<160000x128xf32, #tpu.memory_space<hbm>> -> memref<64x128xf32, #tpu.memory_space<hbm>>
          tpu.enqueue_dma source(%dma_start3A_143 : memref<64x128xf32, #tpu.memory_space<hbm>>) target(%arg20 : memref<64x128xf32, #tpu.memory_space<vmem>>) target_semaphore(%arg25 : memref<!tpu.dma_semaphore, #tpu.memory_space<semaphore_mem>>)
          %dma_start3A_144 = tpu.memref_slice %arg4[%mul3A_128] : memref<160000xi32, #tpu.memory_space<hbm>> -> memref<64xi32, #tpu.memory_space<hbm>>
          %dma_start3A_145 = tpu.memref_slice %arg4[%mul3A_128] : memref<160000xi32, #tpu.memory_space<hbm>> -> memref<64xi32, #tpu.memory_space<hbm>>
          tpu.enqueue_dma source(%dma_start3A_145 : memref<64xi32, #tpu.memory_space<hbm>>) target(%arg18 : memref<64xi32, #tpu.memory_space<vmem>>) target_semaphore(%arg25 : memref<!tpu.dma_semaphore, #tpu.memory_space<semaphore_mem>>)
        } else {
        }
        %eq3A_135 = arith.constant 1 : i32
        %eq3A_136 = arith.cmpi eq, %arg0, %eq3A_135 : i32
        %convert_element_type3A_137 = arith.extui %eq3A_136 : i1 to i32
        %cond3A_138 = arith.constant 0 : i32
        %cond3A_139 = arith.cmpi ne, %convert_element_type3A_137, %cond3A_138 : i32
        scf.if %cond3A_139 {
          %dma_start3A_140 = arith.constant 0 : i32
          %dma_start3A_141 = tpu.memref_slice %arg3[%mul3A_128, %dma_start3A_140] : memref<160000x128xf32, #tpu.memory_space<hbm>> -> memref<64x128xf32, #tpu.memory_space<hbm>>
          %dma_start3A_142 = arith.constant 0 : i32
          %dma_start3A_143 = tpu.memref_slice %arg3[%mul3A_128, %dma_start3A_142] : memref<160000x128xf32, #tpu.memory_space<hbm>> -> memref<64x128xf32, #tpu.memory_space<hbm>>
          tpu.enqueue_dma source(%dma_start3A_143 : memref<64x128xf32, #tpu.memory_space<hbm>>) target(%arg20 : memref<64x128xf32, #tpu.memory_space<vmem>>) target_semaphore(%arg25 : memref<!tpu.dma_semaphore, #tpu.memory_space<semaphore_mem>>)
        } else {
        }
      } else {
      }
      %ge3A_115 = arith.constant 1 : i32
      %ge3A_116 = arith.cmpi sge, %add3A_101, %ge3A_115 : i32
      %sub3A_117 = arith.constant 1 : i32
      %sub3A_118 = arith.subi %add3A_101, %sub3A_117 : i32
      %lt3A_119 = arith.cmpi slt, %sub3A_118, %select_n3A : i32
      %and3A_120 = arith.andi %ge3A_116, %lt3A_119 : i1
      %convert_element_type3A_121 = arith.extui %and3A_120 : i1 to i32
      %cond3A_122 = arith.constant 0 : i32
      %cond3A_123 = arith.cmpi ne, %convert_element_type3A_121, %cond3A_122 : i32
      scf.if %cond3A_123 {
        %sub3A_124 = arith.constant 1 : i32
        %sub3A_125 = arith.subi %add3A_101, %sub3A_124 : i32
        %mul3A_126 = arith.constant 16 : i32
        %mul3A_127 = arith.muli %sub3A_125, %mul3A_126 : i32
        %add3A_128 = arith.addi %arg1, %mul3A_127 : i32
        %mul3A_129 = arith.constant 64 : i32
        %mul3A_130 = arith.muli %add3A_128, %mul3A_129 : i32
        %dma_wait3A = tpu.memref_slice %arg5[%mul3A_130] : memref<160000xi32, #tpu.memory_space<hbm>> -> memref<64xi32, #tpu.memory_space<hbm>>
        %dma_wait3A_131 = tpu.memref_slice %arg5[%mul3A_130] : memref<160000xi32, #tpu.memory_space<hbm>> -> memref<64xi32, #tpu.memory_space<hbm>>
        tpu.wait_dma2 semaphore(%arg24 : memref<!tpu.dma_semaphore, #tpu.memory_space<semaphore_mem>>) src(%dma_wait3A_131 : memref<64xi32, #tpu.memory_space<hbm>>) dst(%arg15 : memref<64xi32, #tpu.memory_space<vmem>>)
        %eq3A_132 = arith.constant 0 : i32
        %eq3A_133 = arith.cmpi eq, %arg0, %eq3A_132 : i32
        %convert_element_type3A_134 = arith.extui %eq3A_133 : i1 to i32
        %cond3A_135 = arith.constant 0 : i32
        %cond3A_136 = arith.cmpi ne, %convert_element_type3A_134, %cond3A_135 : i32
        scf.if %cond3A_136 {
          %dma_wait3A_144 = arith.constant 0 : i32
          %dma_wait3A_145 = tpu.memref_slice %arg2[%mul3A_130, %dma_wait3A_144] : memref<160000x128xf32, #tpu.memory_space<hbm>> -> memref<64x128xf32, #tpu.memory_space<hbm>>
          %dma_wait3A_146 = arith.constant 0 : i32
          %dma_wait3A_147 = tpu.memref_slice %arg2[%mul3A_130, %dma_wait3A_146] : memref<160000x128xf32, #tpu.memory_space<hbm>> -> memref<64x128xf32, #tpu.memory_space<hbm>>
          tpu.wait_dma2 semaphore(%arg24 : memref<!tpu.dma_semaphore, #tpu.memory_space<semaphore_mem>>) src(%dma_wait3A_147 : memref<64x128xf32, #tpu.memory_space<hbm>>) dst(%arg19 : memref<64x128xf32, #tpu.memory_space<vmem>>)
          %dma_wait3A_148 = tpu.memref_slice %arg4[%mul3A_130] : memref<160000xi32, #tpu.memory_space<hbm>> -> memref<64xi32, #tpu.memory_space<hbm>>
          %dma_wait3A_149 = tpu.memref_slice %arg4[%mul3A_130] : memref<160000xi32, #tpu.memory_space<hbm>> -> memref<64xi32, #tpu.memory_space<hbm>>
          tpu.wait_dma2 semaphore(%arg24 : memref<!tpu.dma_semaphore, #tpu.memory_space<semaphore_mem>>) src(%dma_wait3A_149 : memref<64xi32, #tpu.memory_space<hbm>>) dst(%arg17 : memref<64xi32, #tpu.memory_space<vmem>>)
          %dma_start3A_150 = arith.constant 0 : i32
          %dma_start3A_151 = arith.constant 0 : i32
          %dma_start3A_152 = tpu.memref_slice %arg14[%dma_start3A_150, %dma_start3A_151] : memref<10000x16xf32, #tpu.memory_space<vmem_shared>> -> memref<10000x16xf32, #tpu.memory_space<vmem_shared>>
          tpu.enqueue_indirect_dma source(%arg22 : memref<64x16xf32, #tpu.memory_space<vmem>>) target(%dma_start3A_152 : memref<10000x16xf32, #tpu.memory_space<vmem_shared>>) offsets(%arg17 : memref<64xi32, #tpu.memory_space<vmem>>) semaphore(%arg26 : memref<!tpu.dma_semaphore, #tpu.memory_space<semaphore_mem>>) {add = true}
        } else {
        }
        %eq3A_137 = arith.constant 1 : i32
        %eq3A_138 = arith.cmpi eq, %arg0, %eq3A_137 : i32
        %convert_element_type3A_139 = arith.extui %eq3A_138 : i1 to i32
        %cond3A_140 = arith.constant 0 : i32
        %cond3A_141 = arith.cmpi ne, %convert_element_type3A_139, %cond3A_140 : i32
        scf.if %cond3A_141 {
          %dma_wait3A_144 = arith.constant 0 : i32
          %dma_wait3A_145 = tpu.memref_slice %arg3[%mul3A_130, %dma_wait3A_144] : memref<160000x128xf32, #tpu.memory_space<hbm>> -> memref<64x128xf32, #tpu.memory_space<hbm>>
          %dma_wait3A_146 = arith.constant 0 : i32
          %dma_wait3A_147 = tpu.memref_slice %arg3[%mul3A_130, %dma_wait3A_146] : memref<160000x128xf32, #tpu.memory_space<hbm>> -> memref<64x128xf32, #tpu.memory_space<hbm>>
          tpu.wait_dma2 semaphore(%arg24 : memref<!tpu.dma_semaphore, #tpu.memory_space<semaphore_mem>>) src(%dma_wait3A_147 : memref<64x128xf32, #tpu.memory_space<hbm>>) dst(%arg19 : memref<64x128xf32, #tpu.memory_space<vmem>>)
        } else {
        }
        %dma_start3A = arith.constant 0 : i32
        %dma_start3A_142 = arith.constant 0 : i32
        %dma_start3A_143 = tpu.memref_slice %arg13[%dma_start3A, %dma_start3A_142] : memref<10000x128xf32, #tpu.memory_space<vmem_shared>> -> memref<10000x128xf32, #tpu.memory_space<vmem_shared>>
        tpu.enqueue_indirect_dma source(%arg19 : memref<64x128xf32, #tpu.memory_space<vmem>>) target(%dma_start3A_143 : memref<10000x128xf32, #tpu.memory_space<vmem_shared>>) offsets(%arg15 : memref<64xi32, #tpu.memory_space<vmem>>) semaphore(%arg26 : memref<!tpu.dma_semaphore, #tpu.memory_space<semaphore_mem>>) {add = true}
      } else {
      }
    }
    %barrier3A_64 = arith.constant 0 : index
    tpu.barrier barrier_id(%barrier3A_64)
    %scan3A_65 = arith.constant 0 : i32
    %scan3A_66 = arith.constant 0 : i32
    %scan3A_67 = arith.constant 6 : i32
    %scan3A_68 = arith.addi %scan3A_66, %scan3A_67 : i32
    %scan3A_69 = arith.constant 1 : i32
    scf.for %scan3A_73 = %scan3A_66 to %scan3A_68 step %scan3A_69  : i32 {
      %mul3A_74 = arith.constant 2 : i32
      %mul3A_75 = arith.muli %scan3A_73, %mul3A_74 : i32
      %add3A_76 = arith.constant 0 : i32
      %add3A_77 = arith.addi %mul3A_75, %add3A_76 : i32
      %ge3A = arith.constant 2 : i32
      %ge3A_78 = arith.cmpi sge, %add3A_77, %ge3A : i32
      %sub3A_79 = arith.constant 2 : i32
      %sub3A_80 = arith.subi %add3A_77, %sub3A_79 : i32
      %lt3A = arith.constant 10 : i32
      %lt3A_81 = arith.cmpi slt, %sub3A_80, %lt3A : i32
      %and3A_82 = arith.andi %ge3A_78, %lt3A_81 : i1
      %convert_element_type3A_83 = arith.extui %and3A_82 : i1 to i32
      %cond3A_84 = arith.constant 0 : i32
      %cond3A_85 = arith.cmpi ne, %convert_element_type3A_83, %cond3A_84 : i32
      scf.if %cond3A_85 {
        %sub3A_130 = arith.constant 2 : i32
        %sub3A_131 = arith.subi %add3A_77, %sub3A_130 : i32
        %mul3A_132 = arith.constant 64 : i32
        %mul3A_133 = arith.muli %sub3A_131, %mul3A_132 : i32
        %add3A_134 = arith.addi %mul3A_0, %mul3A_133 : i32
        %eq3A_135 = arith.constant 0 : i32
        %eq3A_136 = arith.cmpi eq, %arg0, %eq3A_135 : i32
        %convert_element_type3A_137 = arith.extui %eq3A_136 : i1 to i32
        %cond3A_138 = arith.constant 0 : i32
        %cond3A_139 = arith.cmpi ne, %convert_element_type3A_137, %cond3A_138 : i32
        scf.if %cond3A_139 {
          %dma_wait3A = arith.constant 0 : i32
          %dma_wait3A_145 = tpu.memref_slice %arg10[%add3A_134, %dma_wait3A] : memref<10240x128xf32, #tpu.memory_space<hbm>> -> memref<64x128xf32, #tpu.memory_space<hbm>>
          %dma_wait3A_146 = arith.constant 0 : i32
          %dma_wait3A_147 = tpu.memref_slice %arg10[%add3A_134, %dma_wait3A_146] : memref<10240x128xf32, #tpu.memory_space<hbm>> -> memref<64x128xf32, #tpu.memory_space<hbm>>
          tpu.wait_dma2 semaphore(%arg30 : memref<!tpu.dma_semaphore, #tpu.memory_space<semaphore_mem>>) src(%arg19 : memref<64x128xf32, #tpu.memory_space<vmem>>) dst(%dma_wait3A_147 : memref<64x128xf32, #tpu.memory_space<hbm>>)
        } else {
        }
        %eq3A_140 = arith.constant 1 : i32
        %eq3A_141 = arith.cmpi eq, %arg0, %eq3A_140 : i32
        %convert_element_type3A_142 = arith.extui %eq3A_141 : i1 to i32
        %cond3A_143 = arith.constant 0 : i32
        %cond3A_144 = arith.cmpi ne, %convert_element_type3A_142, %cond3A_143 : i32
        scf.if %cond3A_144 {
          %dma_wait3A = arith.constant 0 : i32
          %dma_wait3A_145 = tpu.memref_slice %arg11[%add3A_134, %dma_wait3A] : memref<10240x128xf32, #tpu.memory_space<hbm>> -> memref<64x128xf32, #tpu.memory_space<hbm>>
          %dma_wait3A_146 = arith.constant 0 : i32
          %dma_wait3A_147 = tpu.memref_slice %arg11[%add3A_134, %dma_wait3A_146] : memref<10240x128xf32, #tpu.memory_space<hbm>> -> memref<64x128xf32, #tpu.memory_space<hbm>>
          tpu.wait_dma2 semaphore(%arg30 : memref<!tpu.dma_semaphore, #tpu.memory_space<semaphore_mem>>) src(%arg19 : memref<64x128xf32, #tpu.memory_space<vmem>>) dst(%dma_wait3A_147 : memref<64x128xf32, #tpu.memory_space<hbm>>)
        } else {
        }
      } else {
      }
      %lt3A_86 = arith.constant 10 : i32
      %lt3A_87 = arith.cmpi slt, %add3A_77, %lt3A_86 : i32
      %convert_element_type3A_88 = arith.extui %lt3A_87 : i1 to i32
      %cond3A_89 = arith.constant 0 : i32
      %cond3A_90 = arith.cmpi ne, %convert_element_type3A_88, %cond3A_89 : i32
      scf.if %cond3A_90 {
        %dma_start3A = arith.constant 0 : i32
        %dma_start3A_130 = tpu.memref_slice %arg23[%add3A_77, %dma_start3A] : memref<10x64xi32, #tpu.memory_space<vmem>> -> memref<1x64xi32, #tpu.memory_space<vmem>>
        %dma_start3A_131 = tpu.memref_squeeze %dma_start3A_130 : memref<1x64xi32, #tpu.memory_space<vmem>> -> memref<64xi32, #tpu.memory_space<vmem>>
        %dma_start3A_132 = arith.constant 0 : i32
        %dma_start3A_133 = arith.constant 0 : i32
        %dma_start3A_134 = tpu.memref_slice %arg13[%dma_start3A_132, %dma_start3A_133] : memref<10000x128xf32, #tpu.memory_space<vmem_shared>> -> memref<10000x128xf32, #tpu.memory_space<vmem_shared>>
        tpu.enqueue_indirect_dma source(%dma_start3A_134 : memref<10000x128xf32, #tpu.memory_space<vmem_shared>>) target(%arg19 : memref<64x128xf32, #tpu.memory_space<vmem>>) offsets(%dma_start3A_131 : memref<64xi32, #tpu.memory_space<vmem>>) semaphore(%arg28 : memref<!tpu.dma_semaphore, #tpu.memory_space<semaphore_mem>>)
      } else {
      }
      %ge3A_91 = arith.constant 1 : i32
      %ge3A_92 = arith.cmpi sge, %add3A_77, %ge3A_91 : i32
      %sub3A_93 = arith.constant 1 : i32
      %sub3A_94 = arith.subi %add3A_77, %sub3A_93 : i32
      %lt3A_95 = arith.constant 10 : i32
      %lt3A_96 = arith.cmpi slt, %sub3A_94, %lt3A_95 : i32
      %and3A_97 = arith.andi %ge3A_92, %lt3A_96 : i1
      %convert_element_type3A_98 = arith.extui %and3A_97 : i1 to i32
      %cond3A_99 = arith.constant 0 : i32
      %cond3A_100 = arith.cmpi ne, %convert_element_type3A_98, %cond3A_99 : i32
      scf.if %cond3A_100 {
        %sub3A_130 = arith.constant 1 : i32
        %sub3A_131 = arith.subi %add3A_77, %sub3A_130 : i32
        %mul3A_132 = arith.constant 64 : i32
        %mul3A_133 = arith.muli %sub3A_131, %mul3A_132 : i32
        %add3A_134 = arith.addi %mul3A_0, %mul3A_133 : i32
        %sub3A_135 = arith.constant 1 : i32
        %sub3A_136 = arith.subi %add3A_77, %sub3A_135 : i32
        %dma_wait3A = arith.constant 0 : i32
        %dma_wait3A_137 = tpu.memref_slice %arg23[%sub3A_136, %dma_wait3A] : memref<10x64xi32, #tpu.memory_space<vmem>> -> memref<1x64xi32, #tpu.memory_space<vmem>>
        %dma_wait3A_138 = tpu.memref_squeeze %dma_wait3A_137 : memref<1x64xi32, #tpu.memory_space<vmem>> -> memref<64xi32, #tpu.memory_space<vmem>>
        %dma_wait3A_139 = arith.constant 0 : i32
        %dma_wait3A_140 = arith.constant 0 : i32
        %dma_wait3A_141 = tpu.memref_slice %arg13[%dma_wait3A_139, %dma_wait3A_140] : memref<10000x128xf32, #tpu.memory_space<vmem_shared>> -> memref<10000x128xf32, #tpu.memory_space<vmem_shared>>
        tpu.wait_indirect_dma semaphore(%arg29 : memref<!tpu.dma_semaphore, #tpu.memory_space<semaphore_mem>>) src(%dma_wait3A_141 : memref<10000x128xf32, #tpu.memory_space<vmem_shared>>) dst(%arg20 : memref<64x128xf32, #tpu.memory_space<vmem>>)
        %eq3A_142 = arith.constant 0 : i32
        %eq3A_143 = arith.cmpi eq, %arg0, %eq3A_142 : i32
        %convert_element_type3A_144 = arith.extui %eq3A_143 : i1 to i32
        %cond3A_145 = arith.constant 0 : i32
        %cond3A_146 = arith.cmpi ne, %convert_element_type3A_144, %cond3A_145 : i32
        scf.if %cond3A_146 {
          %dma_start3A = arith.constant 0 : i32
          %dma_start3A_152 = tpu.memref_slice %arg10[%add3A_134, %dma_start3A] : memref<10240x128xf32, #tpu.memory_space<hbm>> -> memref<64x128xf32, #tpu.memory_space<hbm>>
          %dma_start3A_153 = arith.constant 0 : i32
          %dma_start3A_154 = tpu.memref_slice %arg10[%add3A_134, %dma_start3A_153] : memref<10240x128xf32, #tpu.memory_space<hbm>> -> memref<64x128xf32, #tpu.memory_space<hbm>>
          tpu.enqueue_dma source(%arg20 : memref<64x128xf32, #tpu.memory_space<vmem>>) target(%dma_start3A_154 : memref<64x128xf32, #tpu.memory_space<hbm>>) target_semaphore(%arg31 : memref<!tpu.dma_semaphore, #tpu.memory_space<semaphore_mem>>)
        } else {
        }
        %eq3A_147 = arith.constant 1 : i32
        %eq3A_148 = arith.cmpi eq, %arg0, %eq3A_147 : i32
        %convert_element_type3A_149 = arith.extui %eq3A_148 : i1 to i32
        %cond3A_150 = arith.constant 0 : i32
        %cond3A_151 = arith.cmpi ne, %convert_element_type3A_149, %cond3A_150 : i32
        scf.if %cond3A_151 {
          %dma_start3A = arith.constant 0 : i32
          %dma_start3A_152 = tpu.memref_slice %arg11[%add3A_134, %dma_start3A] : memref<10240x128xf32, #tpu.memory_space<hbm>> -> memref<64x128xf32, #tpu.memory_space<hbm>>
          %dma_start3A_153 = arith.constant 0 : i32
          %dma_start3A_154 = tpu.memref_slice %arg11[%add3A_134, %dma_start3A_153] : memref<10240x128xf32, #tpu.memory_space<hbm>> -> memref<64x128xf32, #tpu.memory_space<hbm>>
          tpu.enqueue_dma source(%arg20 : memref<64x128xf32, #tpu.memory_space<vmem>>) target(%dma_start3A_154 : memref<64x128xf32, #tpu.memory_space<hbm>>) target_semaphore(%arg31 : memref<!tpu.dma_semaphore, #tpu.memory_space<semaphore_mem>>)
        } else {
        }
      } else {
      }
      %mul3A_101 = arith.constant 2 : i32
      %mul3A_102 = arith.muli %scan3A_73, %mul3A_101 : i32
      %add3A_103 = arith.constant 1 : i32
      %add3A_104 = arith.addi %mul3A_102, %add3A_103 : i32
      %ge3A_105 = arith.constant 2 : i32
      %ge3A_106 = arith.cmpi sge, %add3A_104, %ge3A_105 : i32
      %sub3A_107 = arith.constant 2 : i32
      %sub3A_108 = arith.subi %add3A_104, %sub3A_107 : i32
      %lt3A_109 = arith.constant 10 : i32
      %lt3A_110 = arith.cmpi slt, %sub3A_108, %lt3A_109 : i32
      %and3A_111 = arith.andi %ge3A_106, %lt3A_110 : i1
      %convert_element_type3A_112 = arith.extui %and3A_111 : i1 to i32
      %cond3A_113 = arith.constant 0 : i32
      %cond3A_114 = arith.cmpi ne, %convert_element_type3A_112, %cond3A_113 : i32
      scf.if %cond3A_114 {
        %sub3A_130 = arith.constant 2 : i32
        %sub3A_131 = arith.subi %add3A_104, %sub3A_130 : i32
        %mul3A_132 = arith.constant 64 : i32
        %mul3A_133 = arith.muli %sub3A_131, %mul3A_132 : i32
        %add3A_134 = arith.addi %mul3A_0, %mul3A_133 : i32
        %eq3A_135 = arith.constant 0 : i32
        %eq3A_136 = arith.cmpi eq, %arg0, %eq3A_135 : i32
        %convert_element_type3A_137 = arith.extui %eq3A_136 : i1 to i32
        %cond3A_138 = arith.constant 0 : i32
        %cond3A_139 = arith.cmpi ne, %convert_element_type3A_137, %cond3A_138 : i32
        scf.if %cond3A_139 {
          %dma_wait3A = arith.constant 0 : i32
          %dma_wait3A_145 = tpu.memref_slice %arg10[%add3A_134, %dma_wait3A] : memref<10240x128xf32, #tpu.memory_space<hbm>> -> memref<64x128xf32, #tpu.memory_space<hbm>>
          %dma_wait3A_146 = arith.constant 0 : i32
          %dma_wait3A_147 = tpu.memref_slice %arg10[%add3A_134, %dma_wait3A_146] : memref<10240x128xf32, #tpu.memory_space<hbm>> -> memref<64x128xf32, #tpu.memory_space<hbm>>
          tpu.wait_dma2 semaphore(%arg31 : memref<!tpu.dma_semaphore, #tpu.memory_space<semaphore_mem>>) src(%arg20 : memref<64x128xf32, #tpu.memory_space<vmem>>) dst(%dma_wait3A_147 : memref<64x128xf32, #tpu.memory_space<hbm>>)
        } else {
        }
        %eq3A_140 = arith.constant 1 : i32
        %eq3A_141 = arith.cmpi eq, %arg0, %eq3A_140 : i32
        %convert_element_type3A_142 = arith.extui %eq3A_141 : i1 to i32
        %cond3A_143 = arith.constant 0 : i32
        %cond3A_144 = arith.cmpi ne, %convert_element_type3A_142, %cond3A_143 : i32
        scf.if %cond3A_144 {
          %dma_wait3A = arith.constant 0 : i32
          %dma_wait3A_145 = tpu.memref_slice %arg11[%add3A_134, %dma_wait3A] : memref<10240x128xf32, #tpu.memory_space<hbm>> -> memref<64x128xf32, #tpu.memory_space<hbm>>
          %dma_wait3A_146 = arith.constant 0 : i32
          %dma_wait3A_147 = tpu.memref_slice %arg11[%add3A_134, %dma_wait3A_146] : memref<10240x128xf32, #tpu.memory_space<hbm>> -> memref<64x128xf32, #tpu.memory_space<hbm>>
          tpu.wait_dma2 semaphore(%arg31 : memref<!tpu.dma_semaphore, #tpu.memory_space<semaphore_mem>>) src(%arg20 : memref<64x128xf32, #tpu.memory_space<vmem>>) dst(%dma_wait3A_147 : memref<64x128xf32, #tpu.memory_space<hbm>>)
        } else {
        }
      } else {
      }
      %lt3A_115 = arith.constant 10 : i32
      %lt3A_116 = arith.cmpi slt, %add3A_104, %lt3A_115 : i32
      %convert_element_type3A_117 = arith.extui %lt3A_116 : i1 to i32
      %cond3A_118 = arith.constant 0 : i32
      %cond3A_119 = arith.cmpi ne, %convert_element_type3A_117, %cond3A_118 : i32
      scf.if %cond3A_119 {
        %dma_start3A = arith.constant 0 : i32
        %dma_start3A_130 = tpu.memref_slice %arg23[%add3A_104, %dma_start3A] : memref<10x64xi32, #tpu.memory_space<vmem>> -> memref<1x64xi32, #tpu.memory_space<vmem>>
        %dma_start3A_131 = tpu.memref_squeeze %dma_start3A_130 : memref<1x64xi32, #tpu.memory_space<vmem>> -> memref<64xi32, #tpu.memory_space<vmem>>
        %dma_start3A_132 = arith.constant 0 : i32
        %dma_start3A_133 = arith.constant 0 : i32
        %dma_start3A_134 = tpu.memref_slice %arg13[%dma_start3A_132, %dma_start3A_133] : memref<10000x128xf32, #tpu.memory_space<vmem_shared>> -> memref<10000x128xf32, #tpu.memory_space<vmem_shared>>
        tpu.enqueue_indirect_dma source(%dma_start3A_134 : memref<10000x128xf32, #tpu.memory_space<vmem_shared>>) target(%arg20 : memref<64x128xf32, #tpu.memory_space<vmem>>) offsets(%dma_start3A_131 : memref<64xi32, #tpu.memory_space<vmem>>) semaphore(%arg29 : memref<!tpu.dma_semaphore, #tpu.memory_space<semaphore_mem>>)
      } else {
      }
      %ge3A_120 = arith.constant 1 : i32
      %ge3A_121 = arith.cmpi sge, %add3A_104, %ge3A_120 : i32
      %sub3A_122 = arith.constant 1 : i32
      %sub3A_123 = arith.subi %add3A_104, %sub3A_122 : i32
      %lt3A_124 = arith.constant 10 : i32
      %lt3A_125 = arith.cmpi slt, %sub3A_123, %lt3A_124 : i32
      %and3A_126 = arith.andi %ge3A_121, %lt3A_125 : i1
      %convert_element_type3A_127 = arith.extui %and3A_126 : i1 to i32
      %cond3A_128 = arith.constant 0 : i32
      %cond3A_129 = arith.cmpi ne, %convert_element_type3A_127, %cond3A_128 : i32
      scf.if %cond3A_129 {
        %sub3A_130 = arith.constant 1 : i32
        %sub3A_131 = arith.subi %add3A_104, %sub3A_130 : i32
        %mul3A_132 = arith.constant 64 : i32
        %mul3A_133 = arith.muli %sub3A_131, %mul3A_132 : i32
        %add3A_134 = arith.addi %mul3A_0, %mul3A_133 : i32
        %sub3A_135 = arith.constant 1 : i32
        %sub3A_136 = arith.subi %add3A_104, %sub3A_135 : i32
        %dma_wait3A = arith.constant 0 : i32
        %dma_wait3A_137 = tpu.memref_slice %arg23[%sub3A_136, %dma_wait3A] : memref<10x64xi32, #tpu.memory_space<vmem>> -> memref<1x64xi32, #tpu.memory_space<vmem>>
        %dma_wait3A_138 = tpu.memref_squeeze %dma_wait3A_137 : memref<1x64xi32, #tpu.memory_space<vmem>> -> memref<64xi32, #tpu.memory_space<vmem>>
        %dma_wait3A_139 = arith.constant 0 : i32
        %dma_wait3A_140 = arith.constant 0 : i32
        %dma_wait3A_141 = tpu.memref_slice %arg13[%dma_wait3A_139, %dma_wait3A_140] : memref<10000x128xf32, #tpu.memory_space<vmem_shared>> -> memref<10000x128xf32, #tpu.memory_space<vmem_shared>>
        tpu.wait_indirect_dma semaphore(%arg28 : memref<!tpu.dma_semaphore, #tpu.memory_space<semaphore_mem>>) src(%dma_wait3A_141 : memref<10000x128xf32, #tpu.memory_space<vmem_shared>>) dst(%arg19 : memref<64x128xf32, #tpu.memory_space<vmem>>)
        %eq3A_142 = arith.constant 0 : i32
        %eq3A_143 = arith.cmpi eq, %arg0, %eq3A_142 : i32
        %convert_element_type3A_144 = arith.extui %eq3A_143 : i1 to i32
        %cond3A_145 = arith.constant 0 : i32
        %cond3A_146 = arith.cmpi ne, %convert_element_type3A_144, %cond3A_145 : i32
        scf.if %cond3A_146 {
          %dma_start3A = arith.constant 0 : i32
          %dma_start3A_152 = tpu.memref_slice %arg10[%add3A_134, %dma_start3A] : memref<10240x128xf32, #tpu.memory_space<hbm>> -> memref<64x128xf32, #tpu.memory_space<hbm>>
          %dma_start3A_153 = arith.constant 0 : i32
          %dma_start3A_154 = tpu.memref_slice %arg10[%add3A_134, %dma_start3A_153] : memref<10240x128xf32, #tpu.memory_space<hbm>> -> memref<64x128xf32, #tpu.memory_space<hbm>>
          tpu.enqueue_dma source(%arg19 : memref<64x128xf32, #tpu.memory_space<vmem>>) target(%dma_start3A_154 : memref<64x128xf32, #tpu.memory_space<hbm>>) target_semaphore(%arg30 : memref<!tpu.dma_semaphore, #tpu.memory_space<semaphore_mem>>)
        } else {
        }
        %eq3A_147 = arith.constant 1 : i32
        %eq3A_148 = arith.cmpi eq, %arg0, %eq3A_147 : i32
        %convert_element_type3A_149 = arith.extui %eq3A_148 : i1 to i32
        %cond3A_150 = arith.constant 0 : i32
        %cond3A_151 = arith.cmpi ne, %convert_element_type3A_149, %cond3A_150 : i32
        scf.if %cond3A_151 {
          %dma_start3A = arith.constant 0 : i32
          %dma_start3A_152 = tpu.memref_slice %arg11[%add3A_134, %dma_start3A] : memref<10240x128xf32, #tpu.memory_space<hbm>> -> memref<64x128xf32, #tpu.memory_space<hbm>>
          %dma_start3A_153 = arith.constant 0 : i32
          %dma_start3A_154 = tpu.memref_slice %arg11[%add3A_134, %dma_start3A_153] : memref<10240x128xf32, #tpu.memory_space<hbm>> -> memref<64x128xf32, #tpu.memory_space<hbm>>
          tpu.enqueue_dma source(%arg19 : memref<64x128xf32, #tpu.memory_space<vmem>>) target(%dma_start3A_154 : memref<64x128xf32, #tpu.memory_space<hbm>>) target_semaphore(%arg30 : memref<!tpu.dma_semaphore, #tpu.memory_space<semaphore_mem>>)
        } else {
        }
      } else {
      }
    }
    %scan3A_70 = arith.constant 6 : i32
    %eq3A = arith.constant 0 : i32
    %eq3A_71 = arith.cmpi eq, %arg0, %eq3A : i32
    %convert_element_type3A = arith.extui %eq3A_71 : i1 to i32
    %cond3A = arith.constant 0 : i32
    %cond3A_72 = arith.cmpi ne, %convert_element_type3A, %cond3A : i32
    scf.if %cond3A_72 {
      %scan3A_73 = arith.constant 0 : i32
      %scan3A_74 = arith.constant 0 : i32
      %scan3A_75 = arith.constant 10 : i32
      %scan3A_76 = arith.addi %scan3A_74, %scan3A_75 : i32
      %scan3A_77 = arith.constant 1 : i32
      scf.for %scan3A_79 = %scan3A_74 to %scan3A_76 step %scan3A_77  : i32 {
        "tpu.region"() ({
          %run_scoped3A = tpu.sem_alloc : memref<!tpu.dma_semaphore, #tpu.memory_space<semaphore_mem>>
          %dma_start3A = arith.constant 0 : i32
          %dma_start3A_83 = tpu.memref_slice %arg23[%scan3A_79, %dma_start3A] : memref<10x64xi32, #tpu.memory_space<vmem>> -> memref<1x64xi32, #tpu.memory_space<vmem>>
          %dma_start3A_84 = tpu.memref_squeeze %dma_start3A_83 : memref<1x64xi32, #tpu.memory_space<vmem>> -> memref<64xi32, #tpu.memory_space<vmem>>
          %dma_start3A_85 = arith.constant 0 : i32
          %dma_start3A_86 = arith.constant 0 : i32
          %dma_start3A_87 = tpu.memref_slice %arg14[%dma_start3A_85, %dma_start3A_86] : memref<10000x16xf32, #tpu.memory_space<vmem_shared>> -> memref<10000x16xf32, #tpu.memory_space<vmem_shared>>
          tpu.enqueue_indirect_dma source(%dma_start3A_87 : memref<10000x16xf32, #tpu.memory_space<vmem_shared>>) target(%arg21 : memref<64x16xf32, #tpu.memory_space<vmem>>) offsets(%dma_start3A_84 : memref<64xi32, #tpu.memory_space<vmem>>) semaphore(%run_scoped3A : memref<!tpu.dma_semaphore, #tpu.memory_space<semaphore_mem>>)
          %dma_wait3A = arith.constant 0 : i32
          %dma_wait3A_88 = tpu.memref_slice %arg23[%scan3A_79, %dma_wait3A] : memref<10x64xi32, #tpu.memory_space<vmem>> -> memref<1x64xi32, #tpu.memory_space<vmem>>
          %dma_wait3A_89 = tpu.memref_squeeze %dma_wait3A_88 : memref<1x64xi32, #tpu.memory_space<vmem>> -> memref<64xi32, #tpu.memory_space<vmem>>
          %dma_wait3A_90 = arith.constant 0 : i32
          %dma_wait3A_91 = arith.constant 0 : i32
          %dma_wait3A_92 = tpu.memref_slice %arg14[%dma_wait3A_90, %dma_wait3A_91] : memref<10000x16xf32, #tpu.memory_space<vmem_shared>> -> memref<10000x16xf32, #tpu.memory_space<vmem_shared>>
          tpu.wait_indirect_dma semaphore(%run_scoped3A : memref<!tpu.dma_semaphore, #tpu.memory_space<semaphore_mem>>) src(%dma_wait3A_92 : memref<10000x16xf32, #tpu.memory_space<vmem_shared>>) dst(%arg21 : memref<64x16xf32, #tpu.memory_space<vmem>>)
          tpu.yield
        }) : () -> ()
        %mul3A_80 = arith.constant 64 : i32
        %mul3A_81 = arith.muli %scan3A_79, %mul3A_80 : i32
        %add3A_82 = arith.addi %mul3A_0, %mul3A_81 : i32
        "tpu.region"() ({
          %run_scoped3A = tpu.sem_alloc : memref<!tpu.dma_semaphore, #tpu.memory_space<semaphore_mem>>
          %dma_start3A = arith.constant 0 : i32
          %dma_start3A_83 = tpu.memref_slice %arg12[%add3A_82, %dma_start3A] : memref<10240x16xf32, #tpu.memory_space<hbm>> -> memref<64x16xf32, #tpu.memory_space<hbm>>
          %dma_start3A_84 = arith.constant 0 : i32
          %dma_start3A_85 = tpu.memref_slice %arg12[%add3A_82, %dma_start3A_84] : memref<10240x16xf32, #tpu.memory_space<hbm>> -> memref<64x16xf32, #tpu.memory_space<hbm>>
          tpu.enqueue_dma source(%arg21 : memref<64x16xf32, #tpu.memory_space<vmem>>) target(%dma_start3A_85 : memref<64x16xf32, #tpu.memory_space<hbm>>) target_semaphore(%run_scoped3A : memref<!tpu.dma_semaphore, #tpu.memory_space<semaphore_mem>>)
          %dma_wait3A = arith.constant 0 : i32
          %dma_wait3A_86 = tpu.memref_slice %arg12[%add3A_82, %dma_wait3A] : memref<10240x16xf32, #tpu.memory_space<hbm>> -> memref<64x16xf32, #tpu.memory_space<hbm>>
          %dma_wait3A_87 = arith.constant 0 : i32
          %dma_wait3A_88 = tpu.memref_slice %arg12[%add3A_82, %dma_wait3A_87] : memref<10240x16xf32, #tpu.memory_space<hbm>> -> memref<64x16xf32, #tpu.memory_space<hbm>>
          tpu.wait_dma2 semaphore(%run_scoped3A : memref<!tpu.dma_semaphore, #tpu.memory_space<semaphore_mem>>) src(%arg21 : memref<64x16xf32, #tpu.memory_space<vmem>>) dst(%dma_wait3A_88 : memref<64x16xf32, #tpu.memory_space<hbm>>)
          tpu.yield
        }) : () -> ()
      }
      %scan3A_78 = arith.constant 10 : i32
    } else {
    }
    return
  }
}

module attributes {stable_mosaic.version = 14 : i64} {
  func.func @_edge_body(%arg0: i32, %arg1: memref<640x256xf32, #tpu.memory_space<vmem>>, %arg2: memref<640x256xf32, #tpu.memory_space<vmem>>, %arg3: memref<128x128xf32, #tpu.memory_space<vmem>>, %arg4: memref<1x128xf32, #tpu.memory_space<vmem>>, %arg5: memref<128x128xf32, #tpu.memory_space<vmem>>, %arg6: memref<128x128xf32, #tpu.memory_space<vmem>>, %arg7: memref<128x128xf32, #tpu.memory_space<vmem>>, %arg8: memref<1x128xf32, #tpu.memory_space<vmem>>, %arg9: memref<128x128xf32, #tpu.memory_space<vmem>>, %arg10: memref<1x128xf32, #tpu.memory_space<vmem>>, %arg11: memref<128x128xf32, #tpu.memory_space<vmem>>, %arg12: memref<1x128xf32, #tpu.memory_space<vmem>>, %arg13: memref<128x128xf32, #tpu.memory_space<vmem>>, %arg14: memref<1x128xf32, #tpu.memory_space<vmem>>, %arg15: memref<640x128xf32, #tpu.memory_space<vmem>>, %arg16: memref<640x128xf32, #tpu.memory_space<vmem>>) attributes {dimension_semantics = [#tpu.dimension_semantics<arbitrary>], iteration_bounds = array<i64: 250>, scalar_prefetch = 0 : i64, scratch_operands = 0 : i64, tpu.core_type = #tpu.core_type<tc>, window_params = [{transform_indices = @transform_0, window_bounds = array<i64: 640, 256>}, {transform_indices = @transform_1, window_bounds = array<i64: 640, 256>}, {pipeline_mode = #tpu.pipeline_mode<synchronous>, transform_indices = @transform_2, window_bounds = array<i64: 128, 128>}, {pipeline_mode = #tpu.pipeline_mode<synchronous>, transform_indices = @transform_3, window_bounds = array<i64: 1, 128>}, {pipeline_mode = #tpu.pipeline_mode<synchronous>, transform_indices = @transform_4, window_bounds = array<i64: 128, 128>}, {pipeline_mode = #tpu.pipeline_mode<synchronous>, transform_indices = @transform_5, window_bounds = array<i64: 128, 128>}, {pipeline_mode = #tpu.pipeline_mode<synchronous>, transform_indices = @transform_6, window_bounds = array<i64: 128, 128>}, {pipeline_mode = #tpu.pipeline_mode<synchronous>, transform_indices = @transform_7, window_bounds = array<i64: 1, 128>}, {pipeline_mode = #tpu.pipeline_mode<synchronous>, transform_indices = @transform_8, window_bounds = array<i64: 128, 128>}, {pipeline_mode = #tpu.pipeline_mode<synchronous>, transform_indices = @transform_9, window_bounds = array<i64: 1, 128>}, {pipeline_mode = #tpu.pipeline_mode<synchronous>, transform_indices = @transform_10, window_bounds = array<i64: 128, 128>}, {pipeline_mode = #tpu.pipeline_mode<synchronous>, transform_indices = @transform_11, window_bounds = array<i64: 1, 128>}, {pipeline_mode = #tpu.pipeline_mode<synchronous>, transform_indices = @transform_12, window_bounds = array<i64: 128, 128>}, {pipeline_mode = #tpu.pipeline_mode<synchronous>, transform_indices = @transform_13, window_bounds = array<i64: 1, 128>}, {transform_indices = @transform_14, window_bounds = array<i64: 640, 128>}, {transform_indices = @transform_15, window_bounds = array<i64: 640, 128>}]} {
    %get3A = arith.constant 0 : index
    %get3A_0 = arith.constant 0 : index
    %get3A_1 = vector.load %arg1[%get3A, %get3A_0] : memref<640x256xf32, #tpu.memory_space<vmem>>, vector<640x128xf32>
    %get3A_2 = arith.constant 0 : index
    %get3A_3 = arith.constant 128 : index
    %get3A_4 = vector.load %arg1[%get3A_2, %get3A_3] : memref<640x256xf32, #tpu.memory_space<vmem>>, vector<640x128xf32>
    %get3A_5 = arith.constant 0 : index
    %get3A_6 = arith.constant 0 : index
    %get3A_7 = vector.load %arg2[%get3A_5, %get3A_6] : memref<640x256xf32, #tpu.memory_space<vmem>>, vector<640x128xf32>
    %get3A_8 = arith.constant 0 : index
    %get3A_9 = arith.constant 128 : index
    %get3A_10 = vector.load %arg2[%get3A_8, %get3A_9] : memref<640x256xf32, #tpu.memory_space<vmem>>, vector<640x128xf32>
    %sub3A = arith.subf %get3A_10, %get3A_4 : vector<640x128xf32>
    %get3A_11 = arith.constant 0 : index
    %get3A_12 = arith.constant 0 : index
    %get3A_13 = vector.load %arg3[%get3A_11, %get3A_12] : memref<128x128xf32, #tpu.memory_space<vmem>>, vector<128x128xf32>
    %dot_general3A = arith.constant dense<0.000000e+00> : vector<640x128xf32>
    %dot_general3A_14 = tpu.matmul %sub3A, %get3A_13, %dot_general3A {dimension_numbers = #tpu.dot_dimension_numbers<[1], [0], [0], [1], [0, 0, 1, 1], [], []>, transpose_lhs_hint = false} : vector<640x128xf32>, vector<128x128xf32>, vector<640x128xf32> -> vector<640x128xf32>
    %get3A_15 = arith.constant 0 : index
    %get3A_16 = arith.constant 0 : index
    %get3A_17 = vector.load %arg4[%get3A_15, %get3A_16] : memref<1x128xf32, #tpu.memory_space<vmem>>, vector<1x128xf32>
    %add3A = vector.broadcast %get3A_17 : vector<1x128xf32> to vector<640x128xf32>
    %add3A_18 = arith.addf %dot_general3A_14, %add3A : vector<640x128xf32>
    %get3A_19 = arith.constant 0 : index
    %get3A_20 = arith.constant 0 : index
    %get3A_21 = vector.load %arg5[%get3A_19, %get3A_20] : memref<128x128xf32, #tpu.memory_space<vmem>>, vector<128x128xf32>
    %dot_general3A_22 = arith.constant dense<0.000000e+00> : vector<640x128xf32>
    %dot_general3A_23 = tpu.matmul %get3A_1, %get3A_21, %dot_general3A_22 {dimension_numbers = #tpu.dot_dimension_numbers<[1], [0], [0], [1], [0, 0, 1, 1], [], []>, transpose_lhs_hint = false} : vector<640x128xf32>, vector<128x128xf32>, vector<640x128xf32> -> vector<640x128xf32>
    %get3A_24 = arith.constant 0 : index
    %get3A_25 = arith.constant 0 : index
    %get3A_26 = vector.load %arg6[%get3A_24, %get3A_25] : memref<128x128xf32, #tpu.memory_space<vmem>>, vector<128x128xf32>
    %dot_general3A_27 = arith.constant dense<0.000000e+00> : vector<640x128xf32>
    %dot_general3A_28 = tpu.matmul %get3A_7, %get3A_26, %dot_general3A_27 {dimension_numbers = #tpu.dot_dimension_numbers<[1], [0], [0], [1], [0, 0, 1, 1], [], []>, transpose_lhs_hint = false} : vector<640x128xf32>, vector<128x128xf32>, vector<640x128xf32> -> vector<640x128xf32>
    %add3A_29 = arith.addf %dot_general3A_23, %dot_general3A_28 : vector<640x128xf32>
    %mul3A = arith.mulf %add3A_18, %add3A_18 : vector<640x128xf32>
    %get3A_30 = arith.constant 0 : index
    %get3A_31 = arith.constant 0 : index
    %get3A_32 = vector.load %arg7[%get3A_30, %get3A_31] : memref<128x128xf32, #tpu.memory_space<vmem>>, vector<128x128xf32>
    %dot_general3A_33 = arith.constant dense<0.000000e+00> : vector<640x128xf32>
    %dot_general3A_34 = tpu.matmul %mul3A, %get3A_32, %dot_general3A_33 {dimension_numbers = #tpu.dot_dimension_numbers<[1], [0], [0], [1], [0, 0, 1, 1], [], []>, transpose_lhs_hint = false} : vector<640x128xf32>, vector<128x128xf32>, vector<640x128xf32> -> vector<640x128xf32>
    %add3A_35 = arith.addf %add3A_29, %dot_general3A_34 : vector<640x128xf32>
    %get3A_36 = arith.constant 0 : index
    %get3A_37 = arith.constant 0 : index
    %get3A_38 = vector.load %arg8[%get3A_36, %get3A_37] : memref<1x128xf32, #tpu.memory_space<vmem>>, vector<1x128xf32>
    %add3A_39 = vector.broadcast %get3A_38 : vector<1x128xf32> to vector<640x128xf32>
    %add3A_40 = arith.addf %add3A_35, %add3A_39 : vector<640x128xf32>
    %max3A = arith.constant 0.000000e+00 : f32
    %max3A_41 = vector.broadcast %max3A : f32 to vector<640x128xf32>
    %max3A_42 = arith.maximumf %add3A_40, %max3A_41 : vector<640x128xf32>
    %get3A_43 = arith.constant 0 : index
    %get3A_44 = arith.constant 0 : index
    %get3A_45 = vector.load %arg9[%get3A_43, %get3A_44] : memref<128x128xf32, #tpu.memory_space<vmem>>, vector<128x128xf32>
    %dot_general3A_46 = arith.constant dense<0.000000e+00> : vector<640x128xf32>
    %dot_general3A_47 = tpu.matmul %max3A_42, %get3A_45, %dot_general3A_46 {dimension_numbers = #tpu.dot_dimension_numbers<[1], [0], [0], [1], [0, 0, 1, 1], [], []>, transpose_lhs_hint = false} : vector<640x128xf32>, vector<128x128xf32>, vector<640x128xf32> -> vector<640x128xf32>
    %get3A_48 = arith.constant 0 : index
    %get3A_49 = arith.constant 0 : index
    %get3A_50 = vector.load %arg10[%get3A_48, %get3A_49] : memref<1x128xf32, #tpu.memory_space<vmem>>, vector<1x128xf32>
    %add3A_51 = vector.broadcast %get3A_50 : vector<1x128xf32> to vector<640x128xf32>
    %add3A_52 = arith.addf %dot_general3A_47, %add3A_51 : vector<640x128xf32>
    %get3A_53 = arith.constant 0 : index
    %get3A_54 = arith.constant 0 : index
    %get3A_55 = vector.load %arg11[%get3A_53, %get3A_54] : memref<128x128xf32, #tpu.memory_space<vmem>>, vector<128x128xf32>
    %dot_general3A_56 = arith.constant dense<0.000000e+00> : vector<640x128xf32>
    %dot_general3A_57 = tpu.matmul %add3A_52, %get3A_55, %dot_general3A_56 {dimension_numbers = #tpu.dot_dimension_numbers<[1], [0], [0], [1], [0, 0, 1, 1], [], []>, transpose_lhs_hint = false} : vector<640x128xf32>, vector<128x128xf32>, vector<640x128xf32> -> vector<640x128xf32>
    %get3A_58 = arith.constant 0 : index
    %get3A_59 = arith.constant 0 : index
    %get3A_60 = vector.load %arg12[%get3A_58, %get3A_59] : memref<1x128xf32, #tpu.memory_space<vmem>>, vector<1x128xf32>
    %add3A_61 = vector.broadcast %get3A_60 : vector<1x128xf32> to vector<640x128xf32>
    %add3A_62 = arith.addf %dot_general3A_57, %add3A_61 : vector<640x128xf32>
    %max3A_63 = arith.constant 0.000000e+00 : f32
    %max3A_64 = vector.broadcast %max3A_63 : f32 to vector<640x128xf32>
    %max3A_65 = arith.maximumf %add3A_62, %max3A_64 : vector<640x128xf32>
    %get3A_66 = arith.constant 0 : index
    %get3A_67 = arith.constant 0 : index
    %get3A_68 = vector.load %arg13[%get3A_66, %get3A_67] : memref<128x128xf32, #tpu.memory_space<vmem>>, vector<128x128xf32>
    %dot_general3A_69 = arith.constant dense<0.000000e+00> : vector<640x128xf32>
    %dot_general3A_70 = tpu.matmul %max3A_65, %get3A_68, %dot_general3A_69 {dimension_numbers = #tpu.dot_dimension_numbers<[1], [0], [0], [1], [0, 0, 1, 1], [], []>, transpose_lhs_hint = false} : vector<640x128xf32>, vector<128x128xf32>, vector<640x128xf32> -> vector<640x128xf32>
    %get3A_71 = arith.constant 0 : index
    %get3A_72 = arith.constant 0 : index
    %get3A_73 = vector.load %arg14[%get3A_71, %get3A_72] : memref<1x128xf32, #tpu.memory_space<vmem>>, vector<1x128xf32>
    %add3A_74 = vector.broadcast %get3A_73 : vector<1x128xf32> to vector<640x128xf32>
    %add3A_75 = arith.addf %dot_general3A_70, %add3A_74 : vector<640x128xf32>
    %mul3A_76 = arith.mulf %add3A_18, %add3A_75 : vector<640x128xf32>
    %swap3A = arith.constant 0 : index
    %swap3A_77 = arith.constant 0 : index
    %swap3A_78 = vector.load %arg15[%swap3A, %swap3A_77] : memref<640x128xf32, #tpu.memory_space<vmem>>, vector<640x128xf32>
    tpu.vector_store %arg15[%swap3A, %swap3A_77], %add3A_52 {strides = array<i32>} : memref<640x128xf32, #tpu.memory_space<vmem>>, vector<640x128xf32>,
    %swap3A_79 = arith.constant 0 : index
    %swap3A_80 = arith.constant 0 : index
    %swap3A_81 = vector.load %arg16[%swap3A_79, %swap3A_80] : memref<640x128xf32, #tpu.memory_space<vmem>>, vector<640x128xf32>
    tpu.vector_store %arg16[%swap3A_79, %swap3A_80], %mul3A_76 {strides = array<i32>} : memref<640x128xf32, #tpu.memory_space<vmem>>, vector<640x128xf32>,
    return
  }
  func.func @transform_0(%arg0: i32) -> (i32, i32) {
    %c0_i32 = arith.constant 0 : i32
    %c0_i32_0 = arith.constant 0 : i32
    return %arg0, %c0_i32 : i32, i32
  }
  func.func @transform_1(%arg0: i32) -> (i32, i32) {
    %c0_i32 = arith.constant 0 : i32
    %c0_i32_0 = arith.constant 0 : i32
    return %arg0, %c0_i32 : i32, i32
  }
  func.func @transform_2(%arg0: i32) -> (i32, i32) {
    %c0_i32 = arith.constant 0 : i32
    %c0_i32_0 = arith.constant 0 : i32
    %c0_i32_1 = arith.constant 0 : i32
    return %c0_i32, %c0_i32_0 : i32, i32
  }
  func.func @transform_3(%arg0: i32) -> (i32, i32) {
    %c0_i32 = arith.constant 0 : i32
    %c0_i32_0 = arith.constant 0 : i32
    %c0_i32_1 = arith.constant 0 : i32
    return %c0_i32, %c0_i32_0 : i32, i32
  }
  func.func @transform_4(%arg0: i32) -> (i32, i32) {
    %c0_i32 = arith.constant 0 : i32
    %c0_i32_0 = arith.constant 0 : i32
    %c0_i32_1 = arith.constant 0 : i32
    return %c0_i32, %c0_i32_0 : i32, i32
  }
  func.func @transform_5(%arg0: i32) -> (i32, i32) {
    %c0_i32 = arith.constant 0 : i32
    %c0_i32_0 = arith.constant 0 : i32
    %c0_i32_1 = arith.constant 0 : i32
    return %c0_i32, %c0_i32_0 : i32, i32
  }
  func.func @transform_6(%arg0: i32) -> (i32, i32) {
    %c0_i32 = arith.constant 0 : i32
    %c0_i32_0 = arith.constant 0 : i32
    %c0_i32_1 = arith.constant 0 : i32
    return %c0_i32, %c0_i32_0 : i32, i32
  }
  func.func @transform_7(%arg0: i32) -> (i32, i32) {
    %c0_i32 = arith.constant 0 : i32
    %c0_i32_0 = arith.constant 0 : i32
    %c0_i32_1 = arith.constant 0 : i32
    return %c0_i32, %c0_i32_0 : i32, i32
  }
  func.func @transform_8(%arg0: i32) -> (i32, i32) {
    %c0_i32 = arith.constant 0 : i32
    %c0_i32_0 = arith.constant 0 : i32
    %c0_i32_1 = arith.constant 0 : i32
    return %c0_i32, %c0_i32_0 : i32, i32
  }
  func.func @transform_9(%arg0: i32) -> (i32, i32) {
    %c0_i32 = arith.constant 0 : i32
    %c0_i32_0 = arith.constant 0 : i32
    %c0_i32_1 = arith.constant 0 : i32
    return %c0_i32, %c0_i32_0 : i32, i32
  }
  func.func @transform_10(%arg0: i32) -> (i32, i32) {
    %c0_i32 = arith.constant 0 : i32
    %c0_i32_0 = arith.constant 0 : i32
    %c0_i32_1 = arith.constant 0 : i32
    return %c0_i32, %c0_i32_0 : i32, i32
  }
  func.func @transform_11(%arg0: i32) -> (i32, i32) {
    %c0_i32 = arith.constant 0 : i32
    %c0_i32_0 = arith.constant 0 : i32
    %c0_i32_1 = arith.constant 0 : i32
    return %c0_i32, %c0_i32_0 : i32, i32
  }
  func.func @transform_12(%arg0: i32) -> (i32, i32) {
    %c0_i32 = arith.constant 0 : i32
    %c0_i32_0 = arith.constant 0 : i32
    %c0_i32_1 = arith.constant 0 : i32
    return %c0_i32, %c0_i32_0 : i32, i32
  }
  func.func @transform_13(%arg0: i32) -> (i32, i32) {
    %c0_i32 = arith.constant 0 : i32
    %c0_i32_0 = arith.constant 0 : i32
    %c0_i32_1 = arith.constant 0 : i32
    return %c0_i32, %c0_i32_0 : i32, i32
  }
  func.func @transform_14(%arg0: i32) -> (i32, i32) {
    %c0_i32 = arith.constant 0 : i32
    %c0_i32_0 = arith.constant 0 : i32
    return %arg0, %c0_i32 : i32, i32
  }
  func.func @transform_15(%arg0: i32) -> (i32, i32) {
    %c0_i32 = arith.constant 0 : i32
    %c0_i32_0 = arith.constant 0 : i32
    return %arg0, %c0_i32 : i32, i32
  }
}

module attributes {stable_mosaic.version = 14 : i64} {
  func.func @_node_body(%arg0: i32, %arg1: memref<1000x128xf32, #tpu.memory_space<vmem>>, %arg2: memref<1000x128xf32, #tpu.memory_space<vmem>>, %arg3: memref<1000x128xf32, #tpu.memory_space<vmem>>, %arg4: memref<1000x128xf32, #tpu.memory_space<vmem>>, %arg5: memref<1000x1xf32, #tpu.memory_space<vmem>>, %arg6: memref<128x128xf32, #tpu.memory_space<vmem>>, %arg7: memref<128x128xf32, #tpu.memory_space<vmem>>, %arg8: memref<1x128xf32, #tpu.memory_space<vmem>>, %arg9: memref<128x128xf32, #tpu.memory_space<vmem>>, %arg10: memref<1x128xf32, #tpu.memory_space<vmem>>, %arg11: memref<128x1024xf32, #tpu.memory_space<vmem>>, %arg12: memref<1x1024xf32, #tpu.memory_space<vmem>>, %arg13: memref<128x1024xf32, #tpu.memory_space<vmem>>, %arg14: memref<1x1024xf32, #tpu.memory_space<vmem>>, %arg15: memref<128x128xf32, #tpu.memory_space<vmem>>, %arg16: memref<128x128xf32, #tpu.memory_space<vmem>>, %arg17: memref<1x128xf32, #tpu.memory_space<vmem>>, %arg18: memref<128x16xf32, #tpu.memory_space<vmem>>, %arg19: memref<1x128xf32, #tpu.memory_space<vmem>>, %arg20: memref<1000x128xf32, #tpu.memory_space<vmem>>, %arg21: memref<1000x128xf32, #tpu.memory_space<vmem>>) attributes {dimension_semantics = [#tpu.dimension_semantics<arbitrary>], iteration_bounds = array<i64: 10>, scalar_prefetch = 0 : i64, scratch_operands = 0 : i64, tpu.core_type = #tpu.core_type<tc>, window_params = [{transform_indices = @transform_0, window_bounds = array<i64: 1000, 128>}, {transform_indices = @transform_1, window_bounds = array<i64: 1000, 128>}, {transform_indices = @transform_2, window_bounds = array<i64: 1000, 128>}, {transform_indices = @transform_3, window_bounds = array<i64: 1000, 128>}, {transform_indices = @transform_4, window_bounds = array<i64: 1000, 1>}, {pipeline_mode = #tpu.pipeline_mode<synchronous>, transform_indices = @transform_5, window_bounds = array<i64: 128, 128>}, {pipeline_mode = #tpu.pipeline_mode<synchronous>, transform_indices = @transform_6, window_bounds = array<i64: 128, 128>}, {pipeline_mode = #tpu.pipeline_mode<synchronous>, transform_indices = @transform_7, window_bounds = array<i64: 1, 128>}, {pipeline_mode = #tpu.pipeline_mode<synchronous>, transform_indices = @transform_8, window_bounds = array<i64: 128, 128>}, {pipeline_mode = #tpu.pipeline_mode<synchronous>, transform_indices = @transform_9, window_bounds = array<i64: 1, 128>}, {pipeline_mode = #tpu.pipeline_mode<synchronous>, transform_indices = @transform_10, window_bounds = array<i64: 128, 1024>}, {pipeline_mode = #tpu.pipeline_mode<synchronous>, transform_indices = @transform_11, window_bounds = array<i64: 1, 1024>}, {pipeline_mode = #tpu.pipeline_mode<synchronous>, transform_indices = @transform_12, window_bounds = array<i64: 128, 1024>}, {pipeline_mode = #tpu.pipeline_mode<synchronous>, transform_indices = @transform_13, window_bounds = array<i64: 1, 1024>}, {pipeline_mode = #tpu.pipeline_mode<synchronous>, transform_indices = @transform_14, window_bounds = array<i64: 128, 128>}, {pipeline_mode = #tpu.pipeline_mode<synchronous>, transform_indices = @transform_15, window_bounds = array<i64: 128, 128>}, {pipeline_mode = #tpu.pipeline_mode<synchronous>, transform_indices = @transform_16, window_bounds = array<i64: 1, 128>}, {pipeline_mode = #tpu.pipeline_mode<synchronous>, transform_indices = @transform_17, window_bounds = array<i64: 128, 16>}, {pipeline_mode = #tpu.pipeline_mode<synchronous>, transform_indices = @transform_18, window_bounds = array<i64: 1, 128>}, {transform_indices = @transform_19, window_bounds = array<i64: 1000, 128>}, {transform_indices = @transform_20, window_bounds = array<i64: 1000, 128>}]} {
    %get3A = arith.constant 0 : index
    %get3A_0 = arith.constant 0 : index
    %get3A_1 = vector.load %arg5[%get3A, %get3A_0] : memref<1000x1xf32, #tpu.memory_space<vmem>>, vector<1000x1xf32>
    %rsqrt3A = math.rsqrt %get3A_1 : vector<1000x1xf32>
    %get3A_2 = arith.constant 0 : index
    %get3A_3 = arith.constant 0 : index
    %get3A_4 = vector.load %arg3[%get3A_2, %get3A_3] : memref<1000x128xf32, #tpu.memory_space<vmem>>, vector<1000x128xf32>
    %mul3A = vector.broadcast %rsqrt3A : vector<1000x1xf32> to vector<1000x128xf32>
    %mul3A_5 = arith.mulf %get3A_4, %mul3A : vector<1000x128xf32>
    %get3A_6 = arith.constant 0 : index
    %get3A_7 = arith.constant 0 : index
    %get3A_8 = vector.load %arg4[%get3A_6, %get3A_7] : memref<1000x128xf32, #tpu.memory_space<vmem>>, vector<1000x128xf32>
    %mul3A_9 = vector.broadcast %rsqrt3A : vector<1000x1xf32> to vector<1000x128xf32>
    %mul3A_10 = arith.mulf %get3A_8, %mul3A_9 : vector<1000x128xf32>
    %get3A_11 = arith.constant 0 : index
    %get3A_12 = arith.constant 0 : index
    %get3A_13 = vector.load %arg1[%get3A_11, %get3A_12] : memref<1000x128xf32, #tpu.memory_space<vmem>>, vector<1000x128xf32>
    %get3A_14 = arith.constant 0 : index
    %get3A_15 = arith.constant 0 : index
    %get3A_16 = vector.load %arg6[%get3A_14, %get3A_15] : memref<128x128xf32, #tpu.memory_space<vmem>>, vector<128x128xf32>
    %dot_general3A = arith.constant dense<0.000000e+00> : vector<1000x128xf32>
    %dot_general3A_17 = tpu.matmul %get3A_13, %get3A_16, %dot_general3A {dimension_numbers = #tpu.dot_dimension_numbers<[1], [0], [0], [1], [0, 0, 1, 1], [], []>, transpose_lhs_hint = false} : vector<1000x128xf32>, vector<128x128xf32>, vector<1000x128xf32> -> vector<1000x128xf32>
    %get3A_18 = arith.constant 0 : index
    %get3A_19 = arith.constant 0 : index
    %get3A_20 = vector.load %arg7[%get3A_18, %get3A_19] : memref<128x128xf32, #tpu.memory_space<vmem>>, vector<128x128xf32>
    %dot_general3A_21 = arith.constant dense<0.000000e+00> : vector<1000x128xf32>
    %dot_general3A_22 = tpu.matmul %mul3A_5, %get3A_20, %dot_general3A_21 {dimension_numbers = #tpu.dot_dimension_numbers<[1], [0], [0], [1], [0, 0, 1, 1], [], []>, transpose_lhs_hint = false} : vector<1000x128xf32>, vector<128x128xf32>, vector<1000x128xf32> -> vector<1000x128xf32>
    %add3A = arith.addf %dot_general3A_17, %dot_general3A_22 : vector<1000x128xf32>
    %get3A_23 = arith.constant 0 : index
    %get3A_24 = arith.constant 0 : index
    %get3A_25 = vector.load %arg8[%get3A_23, %get3A_24] : memref<1x128xf32, #tpu.memory_space<vmem>>, vector<1x128xf32>
    %add3A_26 = vector.broadcast %get3A_25 : vector<1x128xf32> to vector<1000x128xf32>
    %add3A_27 = arith.addf %add3A, %add3A_26 : vector<1000x128xf32>
    %max3A = arith.constant 0.000000e+00 : f32
    %max3A_28 = vector.broadcast %max3A : f32 to vector<1000x128xf32>
    %max3A_29 = arith.maximumf %add3A_27, %max3A_28 : vector<1000x128xf32>
    %get3A_30 = arith.constant 0 : index
    %get3A_31 = arith.constant 0 : index
    %get3A_32 = vector.load %arg1[%get3A_30, %get3A_31] : memref<1000x128xf32, #tpu.memory_space<vmem>>, vector<1000x128xf32>
    %get3A_33 = arith.constant 0 : index
    %get3A_34 = arith.constant 0 : index
    %get3A_35 = vector.load %arg9[%get3A_33, %get3A_34] : memref<128x128xf32, #tpu.memory_space<vmem>>, vector<128x128xf32>
    %dot_general3A_36 = arith.constant dense<0.000000e+00> : vector<1000x128xf32>
    %dot_general3A_37 = tpu.matmul %max3A_29, %get3A_35, %dot_general3A_36 {dimension_numbers = #tpu.dot_dimension_numbers<[1], [0], [0], [1], [0, 0, 1, 1], [], []>, transpose_lhs_hint = false} : vector<1000x128xf32>, vector<128x128xf32>, vector<1000x128xf32> -> vector<1000x128xf32>
    %add3A_38 = arith.addf %get3A_32, %dot_general3A_37 : vector<1000x128xf32>
    %get3A_39 = arith.constant 0 : index
    %get3A_40 = arith.constant 0 : index
    %get3A_41 = vector.load %arg10[%get3A_39, %get3A_40] : memref<1x128xf32, #tpu.memory_space<vmem>>, vector<1x128xf32>
    %add3A_42 = vector.broadcast %get3A_41 : vector<1x128xf32> to vector<1000x128xf32>
    %add3A_43 = arith.addf %add3A_38, %add3A_42 : vector<1000x128xf32>
    %swap3A = arith.constant 0 : index
    %swap3A_44 = arith.constant 0 : index
    %swap3A_45 = vector.load %arg20[%swap3A, %swap3A_44] : memref<1000x128xf32, #tpu.memory_space<vmem>>, vector<1000x128xf32>
    tpu.vector_store %arg20[%swap3A, %swap3A_44], %add3A_43 {strides = array<i32>} : memref<1000x128xf32, #tpu.memory_space<vmem>>, vector<1000x128xf32>,
    %get3A_46 = arith.constant 0 : index
    %get3A_47 = arith.constant 0 : index
    %get3A_48 = vector.load %arg11[%get3A_46, %get3A_47] : memref<128x1024xf32, #tpu.memory_space<vmem>>, vector<128x1024xf32>
    %dot_general3A_49 = arith.constant dense<0.000000e+00> : vector<1000x1024xf32>
    %dot_general3A_50 = tpu.matmul %mul3A_10, %get3A_48, %dot_general3A_49 {dimension_numbers = #tpu.dot_dimension_numbers<[1], [0], [0], [1], [0, 0, 1, 1], [], []>, transpose_lhs_hint = false} : vector<1000x128xf32>, vector<128x1024xf32>, vector<1000x1024xf32> -> vector<1000x1024xf32>
    %get3A_51 = arith.constant 0 : index
    %get3A_52 = arith.constant 0 : index
    %get3A_53 = vector.load %arg12[%get3A_51, %get3A_52] : memref<1x1024xf32, #tpu.memory_space<vmem>>, vector<1x1024xf32>
    %add3A_54 = vector.broadcast %get3A_53 : vector<1x1024xf32> to vector<1000x1024xf32>
    %add3A_55 = arith.addf %dot_general3A_50, %add3A_54 : vector<1000x1024xf32>
    %get3A_56 = arith.constant 0 : index
    %get3A_57 = arith.constant 0 : index
    %get3A_58 = vector.load %arg13[%get3A_56, %get3A_57] : memref<128x1024xf32, #tpu.memory_space<vmem>>, vector<128x1024xf32>
    %dot_general3A_59 = arith.constant dense<0.000000e+00> : vector<1000x1024xf32>
    %dot_general3A_60 = tpu.matmul %mul3A_10, %get3A_58, %dot_general3A_59 {dimension_numbers = #tpu.dot_dimension_numbers<[1], [0], [0], [1], [0, 0, 1, 1], [], []>, transpose_lhs_hint = false} : vector<1000x128xf32>, vector<128x1024xf32>, vector<1000x1024xf32> -> vector<1000x1024xf32>
    %get3A_61 = arith.constant 0 : index
    %get3A_62 = arith.constant 0 : index
    %get3A_63 = vector.load %arg14[%get3A_61, %get3A_62] : memref<1x1024xf32, #tpu.memory_space<vmem>>, vector<1x1024xf32>
    %add3A_64 = vector.broadcast %get3A_63 : vector<1x1024xf32> to vector<1000x1024xf32>
    %add3A_65 = arith.addf %dot_general3A_60, %add3A_64 : vector<1000x1024xf32>
    %slice3A = vector.extract_strided_slice %add3A_55 {offsets = [0, 0], sizes = [1000, 128], strides = [1, 1]} : vector<1000x1024xf32> to vector<1000x128xf32>
    %slice3A_66 = vector.extract_strided_slice %add3A_65 {offsets = [0, 0], sizes = [1000, 128], strides = [1, 1]} : vector<1000x1024xf32> to vector<1000x128xf32>
    %mul3A_67 = arith.mulf %slice3A, %slice3A_66 : vector<1000x128xf32>
    %slice3A_68 = vector.extract_strided_slice %add3A_55 {offsets = [0, 128], sizes = [1000, 128], strides = [1, 1]} : vector<1000x1024xf32> to vector<1000x128xf32>
    %slice3A_69 = vector.extract_strided_slice %add3A_65 {offsets = [0, 128], sizes = [1000, 128], strides = [1, 1]} : vector<1000x1024xf32> to vector<1000x128xf32>
    %mul3A_70 = arith.mulf %slice3A_68, %slice3A_69 : vector<1000x128xf32>
    %add3A_71 = arith.addf %mul3A_67, %mul3A_70 : vector<1000x128xf32>
    %slice3A_72 = vector.extract_strided_slice %add3A_55 {offsets = [0, 256], sizes = [1000, 128], strides = [1, 1]} : vector<1000x1024xf32> to vector<1000x128xf32>
    %slice3A_73 = vector.extract_strided_slice %add3A_65 {offsets = [0, 256], sizes = [1000, 128], strides = [1, 1]} : vector<1000x1024xf32> to vector<1000x128xf32>
    %mul3A_74 = arith.mulf %slice3A_72, %slice3A_73 : vector<1000x128xf32>
    %add3A_75 = arith.addf %add3A_71, %mul3A_74 : vector<1000x128xf32>
    %slice3A_76 = vector.extract_strided_slice %add3A_55 {offsets = [0, 384], sizes = [1000, 128], strides = [1, 1]} : vector<1000x1024xf32> to vector<1000x128xf32>
    %slice3A_77 = vector.extract_strided_slice %add3A_65 {offsets = [0, 384], sizes = [1000, 128], strides = [1, 1]} : vector<1000x1024xf32> to vector<1000x128xf32>
    %mul3A_78 = arith.mulf %slice3A_76, %slice3A_77 : vector<1000x128xf32>
    %add3A_79 = arith.addf %add3A_75, %mul3A_78 : vector<1000x128xf32>
    %slice3A_80 = vector.extract_strided_slice %add3A_55 {offsets = [0, 512], sizes = [1000, 128], strides = [1, 1]} : vector<1000x1024xf32> to vector<1000x128xf32>
    %slice3A_81 = vector.extract_strided_slice %add3A_65 {offsets = [0, 512], sizes = [1000, 128], strides = [1, 1]} : vector<1000x1024xf32> to vector<1000x128xf32>
    %mul3A_82 = arith.mulf %slice3A_80, %slice3A_81 : vector<1000x128xf32>
    %add3A_83 = arith.addf %add3A_79, %mul3A_82 : vector<1000x128xf32>
    %slice3A_84 = vector.extract_strided_slice %add3A_55 {offsets = [0, 640], sizes = [1000, 128], strides = [1, 1]} : vector<1000x1024xf32> to vector<1000x128xf32>
    %slice3A_85 = vector.extract_strided_slice %add3A_65 {offsets = [0, 640], sizes = [1000, 128], strides = [1, 1]} : vector<1000x1024xf32> to vector<1000x128xf32>
    %mul3A_86 = arith.mulf %slice3A_84, %slice3A_85 : vector<1000x128xf32>
    %add3A_87 = arith.addf %add3A_83, %mul3A_86 : vector<1000x128xf32>
    %slice3A_88 = vector.extract_strided_slice %add3A_55 {offsets = [0, 768], sizes = [1000, 128], strides = [1, 1]} : vector<1000x1024xf32> to vector<1000x128xf32>
    %slice3A_89 = vector.extract_strided_slice %add3A_65 {offsets = [0, 768], sizes = [1000, 128], strides = [1, 1]} : vector<1000x1024xf32> to vector<1000x128xf32>
    %mul3A_90 = arith.mulf %slice3A_88, %slice3A_89 : vector<1000x128xf32>
    %add3A_91 = arith.addf %add3A_87, %mul3A_90 : vector<1000x128xf32>
    %slice3A_92 = vector.extract_strided_slice %add3A_55 {offsets = [0, 896], sizes = [1000, 128], strides = [1, 1]} : vector<1000x1024xf32> to vector<1000x128xf32>
    %slice3A_93 = vector.extract_strided_slice %add3A_65 {offsets = [0, 896], sizes = [1000, 128], strides = [1, 1]} : vector<1000x1024xf32> to vector<1000x128xf32>
    %mul3A_94 = arith.mulf %slice3A_92, %slice3A_93 : vector<1000x128xf32>
    %add3A_95 = arith.addf %add3A_91, %mul3A_94 : vector<1000x128xf32>
    %get3A_96 = arith.constant 0 : index
    %get3A_97 = arith.constant 0 : index
    %get3A_98 = vector.load %arg15[%get3A_96, %get3A_97] : memref<128x128xf32, #tpu.memory_space<vmem>>, vector<128x128xf32>
    %dot_general3A_99 = arith.constant dense<0.000000e+00> : vector<1000x128xf32>
    %dot_general3A_100 = tpu.matmul %add3A_95, %get3A_98, %dot_general3A_99 {dimension_numbers = #tpu.dot_dimension_numbers<[1], [0], [0], [1], [0, 0, 1, 1], [], []>, transpose_lhs_hint = false} : vector<1000x128xf32>, vector<128x128xf32>, vector<1000x128xf32> -> vector<1000x128xf32>
    %get3A_101 = arith.constant 0 : index
    %get3A_102 = arith.constant 0 : index
    %get3A_103 = vector.load %arg16[%get3A_101, %get3A_102] : memref<128x128xf32, #tpu.memory_space<vmem>>, vector<128x128xf32>
    %dot_general3A_104 = arith.constant dense<0.000000e+00> : vector<1000x128xf32>
    %dot_general3A_105 = tpu.matmul %mul3A_10, %get3A_103, %dot_general3A_104 {dimension_numbers = #tpu.dot_dimension_numbers<[1], [0], [0], [1], [0, 0, 1, 1], [], []>, transpose_lhs_hint = false} : vector<1000x128xf32>, vector<128x128xf32>, vector<1000x128xf32> -> vector<1000x128xf32>
    %add3A_106 = arith.addf %dot_general3A_100, %dot_general3A_105 : vector<1000x128xf32>
    %get3A_107 = arith.constant 0 : index
    %get3A_108 = arith.constant 0 : index
    %get3A_109 = vector.load %arg17[%get3A_107, %get3A_108] : memref<1x128xf32, #tpu.memory_space<vmem>>, vector<1x128xf32>
    %add3A_110 = vector.broadcast %get3A_109 : vector<1x128xf32> to vector<1000x128xf32>
    %add3A_111 = arith.addf %add3A_106, %add3A_110 : vector<1000x128xf32>
    %mul3A_112 = arith.mulf %add3A_111, %add3A_111 : vector<1000x128xf32>
    %get3A_113 = arith.constant 0 : index
    %get3A_114 = arith.constant 0 : index
    %get3A_115 = vector.load %arg18[%get3A_113, %get3A_114] : memref<128x16xf32, #tpu.memory_space<vmem>>, vector<128x16xf32>
    %dot_general3A_116 = arith.constant dense<0.000000e+00> : vector<1000x16xf32>
    %dot_general3A_117 = tpu.matmul %mul3A_112, %get3A_115, %dot_general3A_116 {dimension_numbers = #tpu.dot_dimension_numbers<[1], [0], [0], [1], [0, 0, 1, 1], [], []>, transpose_lhs_hint = false} : vector<1000x128xf32>, vector<128x16xf32>, vector<1000x16xf32> -> vector<1000x16xf32>
    %add3A_118 = arith.constant 9.99999993E-9 : f32
    %add3A_119 = vector.broadcast %add3A_118 : f32 to vector<1000x16xf32>
    %add3A_120 = arith.addf %dot_general3A_117, %add3A_119 : vector<1000x16xf32>
    %sqrt3A = math.sqrt %add3A_120 : vector<1000x16xf32>
    %reduce_sum3A = arith.constant dense<0.000000e+00> : vector<1000xf32>
    %reduce_sum3A_121 = vector.multi_reduction <add>, %sqrt3A, %reduce_sum3A [1] : vector<1000x16xf32> to vector<1000xf32>
    %broadcast_in_dim3A = vector.shape_cast %reduce_sum3A_121 : vector<1000xf32> to vector<1000x1xf32>
    %mul3A_122 = arith.constant 6.250000e-02 : f32
    %mul3A_123 = vector.broadcast %mul3A_122 : f32 to vector<1000x1xf32>
    %mul3A_124 = arith.mulf %broadcast_in_dim3A, %mul3A_123 : vector<1000x1xf32>
    %add3A_125 = arith.constant 9.99999997E-7 : f32
    %add3A_126 = vector.broadcast %add3A_125 : f32 to vector<1000x1xf32>
    %add3A_127 = arith.addf %mul3A_124, %add3A_126 : vector<1000x1xf32>
    %get3A_128 = arith.constant 0 : index
    %get3A_129 = arith.constant 0 : index
    %get3A_130 = vector.load %arg19[%get3A_128, %get3A_129] : memref<1x128xf32, #tpu.memory_space<vmem>>, vector<1x128xf32>
    %mul3A_131 = vector.broadcast %get3A_130 : vector<1x128xf32> to vector<1000x128xf32>
    %mul3A_132 = arith.mulf %mul3A_131, %add3A_111 : vector<1000x128xf32>
    %div3A = vector.broadcast %add3A_127 : vector<1000x1xf32> to vector<1000x128xf32>
    %div3A_133 = arith.divf %mul3A_132, %div3A : vector<1000x128xf32>
    %get3A_134 = arith.constant 0 : index
    %get3A_135 = arith.constant 0 : index
    %get3A_136 = vector.load %arg2[%get3A_134, %get3A_135] : memref<1000x128xf32, #tpu.memory_space<vmem>>, vector<1000x128xf32>
    %add3A_137 = arith.addf %div3A_133, %get3A_136 : vector<1000x128xf32>
    %swap3A_138 = arith.constant 0 : index
    %swap3A_139 = arith.constant 0 : index
    %swap3A_140 = vector.load %arg21[%swap3A_138, %swap3A_139] : memref<1000x128xf32, #tpu.memory_space<vmem>>, vector<1000x128xf32>
    tpu.vector_store %arg21[%swap3A_138, %swap3A_139], %add3A_137 {strides = array<i32>} : memref<1000x128xf32, #tpu.memory_space<vmem>>, vector<1000x128xf32>,
    return
  }
  func.func @transform_0(%arg0: i32) -> (i32, i32) {
    %c0_i32 = arith.constant 0 : i32
    %c0_i32_0 = arith.constant 0 : i32
    return %arg0, %c0_i32 : i32, i32
  }
  func.func @transform_1(%arg0: i32) -> (i32, i32) {
    %c0_i32 = arith.constant 0 : i32
    %c0_i32_0 = arith.constant 0 : i32
    return %arg0, %c0_i32 : i32, i32
  }
  func.func @transform_2(%arg0: i32) -> (i32, i32) {
    %c0_i32 = arith.constant 0 : i32
    %c0_i32_0 = arith.constant 0 : i32
    return %arg0, %c0_i32 : i32, i32
  }
  func.func @transform_3(%arg0: i32) -> (i32, i32) {
    %c0_i32 = arith.constant 0 : i32
    %c0_i32_0 = arith.constant 0 : i32
    return %arg0, %c0_i32 : i32, i32
  }
  func.func @transform_4(%arg0: i32) -> (i32, i32) {
    %c0_i32 = arith.constant 0 : i32
    %c0_i32_0 = arith.constant 0 : i32
    return %arg0, %c0_i32 : i32, i32
  }
  func.func @transform_5(%arg0: i32) -> (i32, i32) {
    %c0_i32 = arith.constant 0 : i32
    %c0_i32_0 = arith.constant 0 : i32
    %c0_i32_1 = arith.constant 0 : i32
    return %c0_i32, %c0_i32_0 : i32, i32
  }
  func.func @transform_6(%arg0: i32) -> (i32, i32) {
    %c0_i32 = arith.constant 0 : i32
    %c0_i32_0 = arith.constant 0 : i32
    %c0_i32_1 = arith.constant 0 : i32
    return %c0_i32, %c0_i32_0 : i32, i32
  }
  func.func @transform_7(%arg0: i32) -> (i32, i32) {
    %c0_i32 = arith.constant 0 : i32
    %c0_i32_0 = arith.constant 0 : i32
    %c0_i32_1 = arith.constant 0 : i32
    return %c0_i32, %c0_i32_0 : i32, i32
  }
  func.func @transform_8(%arg0: i32) -> (i32, i32) {
    %c0_i32 = arith.constant 0 : i32
    %c0_i32_0 = arith.constant 0 : i32
    %c0_i32_1 = arith.constant 0 : i32
    return %c0_i32, %c0_i32_0 : i32, i32
  }
  func.func @transform_9(%arg0: i32) -> (i32, i32) {
    %c0_i32 = arith.constant 0 : i32
    %c0_i32_0 = arith.constant 0 : i32
    %c0_i32_1 = arith.constant 0 : i32
    return %c0_i32, %c0_i32_0 : i32, i32
  }
  func.func @transform_10(%arg0: i32) -> (i32, i32) {
    %c0_i32 = arith.constant 0 : i32
    %c0_i32_0 = arith.constant 0 : i32
    %c0_i32_1 = arith.constant 0 : i32
    return %c0_i32, %c0_i32_0 : i32, i32
  }
  func.func @transform_11(%arg0: i32) -> (i32, i32) {
    %c0_i32 = arith.constant 0 : i32
    %c0_i32_0 = arith.constant 0 : i32
    %c0_i32_1 = arith.constant 0 : i32
    return %c0_i32, %c0_i32_0 : i32, i32
  }
  func.func @transform_12(%arg0: i32) -> (i32, i32) {
    %c0_i32 = arith.constant 0 : i32
    %c0_i32_0 = arith.constant 0 : i32
    %c0_i32_1 = arith.constant 0 : i32
    return %c0_i32, %c0_i32_0 : i32, i32
  }
  func.func @transform_13(%arg0: i32) -> (i32, i32) {
    %c0_i32 = arith.constant 0 : i32
    %c0_i32_0 = arith.constant 0 : i32
    %c0_i32_1 = arith.constant 0 : i32
    return %c0_i32, %c0_i32_0 : i32, i32
  }
  func.func @transform_14(%arg0: i32) -> (i32, i32) {
    %c0_i32 = arith.constant 0 : i32
    %c0_i32_0 = arith.constant 0 : i32
    %c0_i32_1 = arith.constant 0 : i32
    return %c0_i32, %c0_i32_0 : i32, i32
  }
  func.func @transform_15(%arg0: i32) -> (i32, i32) {
    %c0_i32 = arith.constant 0 : i32
    %c0_i32_0 = arith.constant 0 : i32
    %c0_i32_1 = arith.constant 0 : i32
    return %c0_i32, %c0_i32_0 : i32, i32
  }
  func.func @transform_16(%arg0: i32) -> (i32, i32) {
    %c0_i32 = arith.constant 0 : i32
    %c0_i32_0 = arith.constant 0 : i32
    %c0_i32_1 = arith.constant 0 : i32
    return %c0_i32, %c0_i32_0 : i32, i32
  }
  func.func @transform_17(%arg0: i32) -> (i32, i32) {
    %c0_i32 = arith.constant 0 : i32
    %c0_i32_0 = arith.constant 0 : i32
    %c0_i32_1 = arith.constant 0 : i32
    return %c0_i32, %c0_i32_0 : i32, i32
  }
  func.func @transform_18(%arg0: i32) -> (i32, i32) {
    %c0_i32 = arith.constant 0 : i32
    %c0_i32_0 = arith.constant 0 : i32
    %c0_i32_1 = arith.constant 0 : i32
    return %c0_i32, %c0_i32_0 : i32, i32
  }
  func.func @transform_19(%arg0: i32) -> (i32, i32) {
    %c0_i32 = arith.constant 0 : i32
    %c0_i32_0 = arith.constant 0 : i32
    return %arg0, %c0_i32 : i32, i32
  }
  func.func @transform_20(%arg0: i32) -> (i32, i32) {
    %c0_i32 = arith.constant 0 : i32
    %c0_i32_0 = arith.constant 0 : i32
    return %arg0, %c0_i32 : i32, i32
  }
}

</mosaic_0001>

<sc_bundles>
// kernel: kernel.6.cloned.1.call-start
scs
__scs_entry_jumppad:
0x0: {  	(pc) =	sbr.rel $0x88, $3  }
0x1: {  	(tag) =	ssettag $0x0;
	lr =	simm.s32 $0x1  }
0x2: {  	[smem:$0x3F89] =	sst lr;
	_ =	strace $0xD0000000  }
0x3: {  	_ = 	snop  }
0x4: {  	_ = 	snop  }
0x5: {  	_ = 	snop  }
0x6: {  	_ = 	snop  }
0x7: {  	_ = 	snop  }
__scs_overlays_trampoline_lowered:
0x8: {  	[smem:$0x3F98] =	sst s0  }
0x9: {  	[smem:$0x3F99] =	sst s1  }
0xa: {  	[smem:$0x3F9A] =	sst s2  }
0xb: {  	[smem:$0x3F9B] =	sst s3  }
0xc: {  	[smem:$0x3F9C] =	sst s4  }
0xd: {  	[smem:$0x3F9D] =	sst s5  }
0xe: {  	[smem:$0x3F9E] =	sst s6  }
0xf: {  	[smem:$0x3F9F] =	sst s7  }
0x10: {  	[smem:$0x3FA0] =	sst s8  }
0x11: {  	[smem:$0x3FA1] =	sst s9;
	s0 =	simm.s32 @!p0 $0x0  }
0x12: {  	s1 =	sld [smem:$0x3F87];
	s0 =	simm.s32 @p0 $0x1  }
0x13: {  	[smem:$0x3FA2] =	sst s0;
	s0 =	simm.s32 @!p1 $0x0  }
0x14: {  	s2 =	sld [smem:$0x3F86];
	s0 =	simm.s32 @p1 $0x1  }
0x15: {  	[smem:$0x3FA3] =	sst s0;
	s0 =	simm.s32 @!p2 $0x0  }
0x16: {  	s3 =	sld [smem:$0x3FDB];
	s0 =	simm.s32 @p2 $0x1  }
0x17: {  	s4 =	simm.s32 $0x1BF5;
	[smem:$0x3FA5] =	sst s0  }
0x18: {  	s0 =	sld [smem:$0x3F88];
	_ =	swait.ge [sflag:s4], $0x0  }
0x19: {  	s7 =	sld [smem:$0x3F89]  }
0x1a: {  	s8 =	sadd.s32 $0xFFFFE003, lr  }
0x1b: {  	s9 =	sadd.s32 $0xFFFFFEF7, lr;
	s5 =	simm.s32 $0xFFFFFFFF;
	p2 =	slt.u32 s8, $0xFFFFF086  }
0x1c: {  	p1 =	slt.u32 s9, $0xF7A;
	s5 =	simm.s32 @!p2 $0x0  }
0x1d: {  	s5 =	simm.s32 @p1 $0x1;
	p0 =	seq.s32 s7, s2  }
0x1e: {  	s7 =	smul.u32 @!p0 $0xF7A, s2;
	p2 =	seq.s32 @!p0 s5, $0x0  }
0x1f: {  	s9 =	smul.u32 $0xF7A, s1;
	s8 =	simm.s32 @!p0 $0x1BF5;
	p2 =	por !p2, p0  }
0x20: {  	[sflag:s8] =	ssyncset.s32 @!p0 $0xFFFFF086;
	s6 =	sadd.s32 @!p0 s3, s7;
	s7 =	simm.s32 @!p0 $0x108  }
0x21: {  	s3 =	sadd.s32 s3, s9;
	s6 =	sadd.s32 @!p0 $0x88, s6;
	s7 =	simm.s32 @p2 $0x1082  }
0x22: {  	[simem:s7], [sflag:s8] =	dma.local @!p0 [hbm:s6], $0xF7A  }
0x23: {  	s9 =	sor.u32 $0xD0000000, s2;
	s6 =	simm.s32 $0x108;
	_ =	swait.ge @!p0 [sflag:s8], $0x0  }
0x24: {  	s3 =	sadd.s32 $0x88, s3;
	s6 =	simm.s32 @!p1 $0x1082;
	[sflag:s4] =	ssyncset.s32 $0xFFFFF086  }
0x25: {  	[simem:s6], [sflag:s4] =	dma.local [hbm:s3], $0xF7A  }
0x26: {  	[smem:$0x3F89] =	sst s1;
	(tag) =	ssettag s2;
	_ =	strace s9  }
0x27: {  	s1 =	sld [smem:$0x3F99]  }
0x28: {  	s2 =	sld [smem:$0x3F9A]  }
0x29: {  	s4 =	sld [smem:$0x3F9C]  }
0x2a: {  	p0 =	seq.s32 s5, $0x0;
	s5 =	sld [smem:$0x3F9D]  }
0x2b: {  	s6 =	sld [smem:$0x3F9E]  }
0x2c: {  	s7 =	sld [smem:$0x3F9F]  }
0x2d: {  	s3 =	simm.s32 $0x108;
	s8 =	sld [smem:$0x3FA0]  }
0x2e: {  	s3 =	simm.s32 @!p0 $0x1082;
	s9 =	sld [smem:$0x3FA1]  }
0x2f: {  	lr =	sadd.s32 s0, s3;
	s0 =	sld [smem:$0x3F98]  }
0x30: {  	s3 =	sld [smem:$0x3F9B]  }
0x31: {  	[smem:$0x3FA4] =	sst s10  }
0x32: {  	s10 =	sld [smem:$0x3FA2];
	_ =	sdelay $0x3  }
0x33: {  	p0 =	seq.s32 s10, $0x1;
	s10 =	sld [smem:$0x3FA4];
	_ =	sdelay $0x3  }
0x34: {  	[smem:$0x3FA4] =	sst s10  }
0x35: {  	s10 =	sld [smem:$0x3FA3];
	_ =	sdelay $0x3  }
0x36: {  	p1 =	seq.s32 s10, $0x1;
	s10 =	sld [smem:$0x3FA4];
	_ =	sdelay $0x3  }
0x37: {  	[smem:$0x3FA4] =	sst s10  }
0x38: {  	s10 =	sld [smem:$0x3FA5]  }
0x39: {  	_ = 	snop;
	(pc) =	sbr.ind lr, $3  }
0x3a: {  	_ = 	snop  }
0x3b: {  	_ = 	snop  }
0x3c: {  	p2 =	seq.s32 s10, $0x1;
	s10 =	sld [smem:$0x3FA4]  }
0x3d: {  	_ =	shalt  }
0x3e: {  	_ =	shalt  }
0x3f: {  	_ =	shalt  }
0x40: {  	_ =	shalt  }
0x41: {  	_ =	shalt  }
0x42: {  	_ =	shalt  }
0x43: {  	_ =	shalt  }
0x44: {  	_ =	shalt  }
0x45: {  	_ =	shalt  }
0x46: {  	_ =	shalt  }
0x47: {  	_ =	shalt  }
0x48: {  	_ =	shalt  }
0x49: {  	_ =	shalt  }
0x4a: {  	_ =	shalt  }
0x4b: {  	_ =	shalt  }
0x4c: {  	_ =	shalt  }
0x4d: {  	_ =	shalt  }
0x4e: {  	_ =	shalt  }
0x4f: {  	_ =	shalt  }
0x50: {  	_ =	shalt  }
0x51: {  	_ =	shalt  }
0x52: {  	_ =	shalt  }
0x53: {  	_ =	shalt  }
0x54: {  	_ =	shalt  }
0x55: {  	_ =	shalt  }
0x56: {  	_ =	shalt  }
0x57: {  	_ =	shalt  }
0x58: {  	_ =	shalt  }
0x59: {  	_ =	shalt  }
0x5a: {  	_ =	shalt  }
0x5b: {  	_ =	shalt  }
0x5c: {  	_ =	shalt  }
0x5d: {  	_ =	shalt  }
0x5e: {  	_ =	shalt  }
0x5f: {  	_ =	shalt  }
0x60: {  	_ =	shalt  }
0x61: {  	_ =	shalt  }
0x62: {  	_ =	shalt  }
0x63: {  	_ =	shalt  }
0x64: {  	_ =	shalt  }
0x65: {  	_ =	shalt  }
0x66: {  	_ =	shalt  }
0x67: {  	_ =	shalt  }
0x68: {  	_ =	shalt  }
0x69: {  	_ =	shalt  }
0x6a: {  	_ =	shalt  }
0x6b: {  	_ =	shalt  }
0x6c: {  	_ =	shalt  }
0x6d: {  	_ =	shalt  }
0x6e: {  	_ =	shalt  }
0x6f: {  	_ =	shalt  }
0x70: {  	_ =	shalt  }
0x71: {  	_ =	shalt  }
0x72: {  	_ =	shalt  }
0x73: {  	_ =	shalt  }
0x74: {  	_ =	shalt  }
0x75: {  	_ =	shalt  }
0x76: {  	_ =	shalt  }
0x77: {  	_ =	shalt  }
0x78: {  	_ =	shalt  }
0x79: {  	_ =	shalt  }
0x7a: {  	_ =	shalt  }
0x7b: {  	_ =	shalt  }
0x7c: {  	_ =	shalt  }
0x7d: {  	_ =	shalt  }
0x7e: {  	_ =	shalt  }
0x7f: {  	_ =	shalt  }
0x80: {  	_ =	shalt  }
0x81: {  	_ =	shalt  }
0x82: {  	_ =	shalt  }
0x83: {  	_ =	shalt  }
0x84: {  	_ =	shalt  }
0x85: {  	_ =	shalt  }
0x86: {  	_ =	shalt  }
0x87: {  	_ =	shalt  }
.Lfunc_end0:
.L_simem_size_0:
called_computation_lowered:
.L_overlay_start_0:
0x88: {  	s2 =	sld [smem:$0x3FD9]  }
0x89: {  	s3 =	sld [smem:$0x3FFE];
	_ =	sdelay $0x1  }
0x8a: {  	s1 =	srdreg.scid  }
0x8b: {  	s0 =	sand.u32 $0x1, s1  }
0x8c: {  	s14 =	sshll.u32 s0, $0xA;
	s2 =	sadd.s32 s3, s2  }
0x8d: {  	s2 =	sadd.s32 s2, s14  }
0x8e: {  	[smem:$0x3FB0] =	sst s2  }
0x8f: {  	_ = 	snop  }
0x90: {  	s2 =	sld [smem:$0x3FD0];
	_ =	sdelay $0x2  }
0x91: {  	s15 =	simm.s32 $0xA;
	s4 =	simm.s32 $0x10  }
0x92: {  	[smem:s4], [sflag:s15] =	dma.local [hbm:s2], $0x1  }
0x93: {  	_ =	swait.eq [sflag:s15], $0x1  }
0x94: {  	[sflag:s15] =	ssyncset.done $0x0  }
0x95: {  	[sflag:s15] =	ssyncadd.s32 $0xFFFFFFFF  }
0x96: {  	s16 =	sld [smem:$0x11];
	(tm) =	ssettm $0x1  }
0x97: {  	s17 =	sld [smem:$0x3FFB];
	_ =	sdelay $0x3  }
0x98: {  	_ =	strace s17  }
0x99: {  	s3 =	sld [smem:$0x3FFC];
	_ =	sdelay $0x3  }
0x9a: {  	_ =	strace s3  }
0x9b: {  	s3 =	sld [smem:$0x3FFD];
	_ =	sdelay $0x3  }
0x9c: {  	_ =	strace s3  }
0x9d: {  	_ =	strace $0x8FFFFFFF  }
0x9e: {  	s18 =	sld [smem:$0x3FDB];
	_ =	sdelay $0x1  }
0x9f: {  	s19 =	simm.s32 $_scs_section_size  }
0xa0: {  	s5 =	simm.s32 $_size__tile_overlayer_lowered;
	s6 =	simm.s32 $_tile_overlayer_lowered  }
0xa1: {  	s22 =	simm.s32 $0x1BFF;
	s21 =	sshll.u32 s6, $0x1;
	s3 =	sadd.s32 s19, s18  }
0xa2: {  	s7 =	simm.s32 $0x0;
	s20 =	sshll.u32 s5, $0x1;
	s5 =	sadd.s32 s21, s3  }
0xa3: {  	[timem:s7], [sflag:s22] =	dma.local [hbm:s5], s20  }
0xa4: {  	_ =	swait.ge [sflag:s22], s20  }
0xa5: {  	s4 =	ssub.s32 $0x0, s20;
	[sflag:s22] =	ssyncset.done $0x0  }
0xa6: {  	[sflag:s22] =	ssyncadd.s32 s4;
	_ =	sdelay $0x1  }
0xa7: {  	s23 =	simm.s32 $0x1B8B  }
0xa8: {  	_ =	swait.ge [sflag:s23], $0x1  }
0xa9: {  	[sflag:s23] =	ssyncset.done $0x0  }
0xaa: {  	s25 =	simm.s32 $0x1B8E;
	s24 =	sld [smem:$0x3FFE];
	[sflag:s23] =	ssyncadd.s32 $0xFFFFFFFF  }
0xab: {  	s26 =	simm.s32 $execute0_lowered;
	[smem:$0x3FD2] =	sst s25  }
0xac: {  	s5 =	sshll.u32 s26, $0x1;
	_ =	strace $0x80000046;
	[dreg:$0x1] =	wrdreg $0xFFFFFFFF  }
0xad: {  	s28 =	simm.s32 $_size_execute0_lowered;
	s3 =	sadd.s32 s3, s5;
	[dreg:$0x0] =	wrdreg $0x0  }
0xae: {  	s5 =	sshll.u32 s28, $0x1;
	[dreg:$0x2] =	wrdreg s3  }
0xaf: {  	[dreg:$0x3] =	wrdreg s5  }
0xb0: {  	[dreg:$0x4] =	wrdreg $0xC0  }
0xb1: {  	_ =	task [dreg:s7], $0x5FFFF  }
0xb2: {  	[dreg:$0x1] =	wrdreg $0xFFFFFFFF  }
0xb3: {  	[dreg:$0x0] =	wrdreg $0x60  }
0xb4: {  	[dreg:$0x2] =	wrdreg s24  }
0xb5: {  	[dreg:$0x3] =	wrdreg s16  }
0xb6: {  	[dreg:$0x4] =	wrdreg $0x9  }
0xb7: {  	_ =	task.clear_ibuf [dreg:s7], $0x5FFFF;
	_ =	strace $0x90000046  }
0xb8: {  	s29 =	simm.s32 $0x9;
	_ =	strace $0x80000048  }
0xb9: {  	_ =	swait.ge [sflag:s29], $0x1  }
0xba: {  	[sflag:s29] =	ssyncadd.s32 $0xFFFFFFFF  }
0xbb: {  	_ =	strace $0x90000048  }
0xbc: {  	_ =	sfence  }
0xbd: {  	s30 =	sld [smem:$0x0];
	_ =	sdelay $0x2  }
0xbe: {  	s31 =	sshll.u32 s1, $0xD;
	s1 =	sshrl.u32 s1, $0x2  }
0xbf: {  	s3 =	sand.u32 $0x4000, s31;
	s1 =	sadd.s32 s1, s30  }
0xc0: {  	s0 =	sor.u32 s3, s0;
	s1 =	sshll.u32 s1, $0x11  }
0xc1: {  	s0 =	sor.u32 s1, s0  }
0xc2: {  	s0 =	sadd.s32 $0x8F2B, s0  }
0xc3: {  	[sflag:s0] =	ssyncadd.remote.s32 $0x1  }
0xc4: {  	_ =	sfence.sel $0xFFFF  }
0xc5: {  	[dreg:$0x0] =	wrdreg $0xFFFFFFFF;
	(pc) =	sbr.abs _section_cstart, $3  }
0xc6: {  	[dreg:$0x1] =	wrdreg $0xFFFFFFFF  }
0xc7: {  	_ =	task.clear_ibuf [dreg:s7], $0x2FFFF;
	_ =	strace $0x9FFFFFFF  }
0xc8: {  	(tm) =	ssettm $0x7FFFFFFF  }
0xc9: {  	_ =	shalt  }
tec
execute0_lowered:
.L_overlay_start_1:
0x0: {  	(tag) =	ssettag $0x1  }
0x1: {  	s0 =	rddreg [dreg:$0x0]  }
0x2: {  	s12 =	rddreg [dreg:$0x1];
	s2 =	simm.s32 $0x0;
	s1 =	srdreg.scid  }
0x3: {  	s13 =	stileid.u32;
	s16 =	simm.s32 $0x5;
	s28 =	simm.s32 $0x9A00  }
0x4: {  	s29 =	simm.s32 $0xF200;
	s30 =	simm.s32 $0xFA00;
	s31 =	simm.s32 $0x10200  }
0x5: {  	s14 =	simm.s32 $0x13200;
	s15 =	simm.s32 $0x13A00;
	s17 =	simm.s32 $0x0  }
0x6: {  	[smem:$0x7FF] =	sst s2;
	s4 =	sadd.s32 $0xC800, s0;
	s9 =	smul.u32 $0xA000, s13  }
0x7: {  	s5 =	sadd.s32 $0x7800, s0;
	s6 =	sadd.s32 $0x5AA00, s0;
	s20 =	smul.u32 $0xA0, s13  }
0x8: {  	s7 =	sadd.s32 $0x53CA00, s0;
	s18 =	sand.u32 $0x1, s1;
	s21 =	smul.u32 $0x14, s13  }
0x9: {  	s19 =	sshll.u32 s13, $0x1;
	_ =	strace $0x80000047;
	s11 =	smul.u32 $0x5000, s18  }
0xa: {  	s3 =	ssub.s32 $0x2, s18;
	s1 =	sor.u32 s18, s19;
	s23 =	smul.u32 $0xA, s18  }
0xb: {  	s0 =	smul.u32 $0x50, s18;
	s8 =	sshrl.u32 s3, $0x1;
	s1 =	ssub.s32 $0x7EF, s1  }
0xc: {  	s13 =	sadd.s32 s21, s5;
	s3 =	ssub.s32 s3, s8;
	s8 =	sshrl.u32 s1, $0x5  }
0xd: {  	s9 =	sadd.s32 s11, s9;
	s24 =	sadd.s32 s23, s13;
	s0 =	sadd.s32 s0, s20  }
0xe: {  	s11 =	simm.s32 $0x12200;
	s13 =	simm.s32 $0x12A00;
	s3 =	smax.u32 s3, $0x1  }
0xf: {  	s10 =	sadd.s32 $0x2, s8;
	[dreg:$0x4] =	wrdreg s9;
	s22 =	sadd.s32 $0x3, s8  }
.Ltmp0:
0x10: {  	[dreg:$0x5] =	wrdreg s0;
	s25 =	sadd.s32 $0x140, s24;
	(pc) =	sbr.rel .LBB2_1-.Ltmp0, $4  }
0x11: {  	s0 =	simm.s32 $0x10A00;
	[dreg:$0x3] =	wrdreg s3;
	s3 =	sadd.s32 s21, s12  }
0x12: {  	v2 =	vlaneseq.u32;
	s9 =	simm.s32 $0x11A00;
	s12 =	sand.u32 $0x42, s22;
	s3 =	sadd.s32 s23, s3  }
0x13: {  	vm0 =	vmmov $0xffff;
	v1 =	vshrl.u32 v2, $0x3;
	[dreg:$0x6] =	wrdreg s25;
	s25 =	simm.s32 $0x8A00;
	s26 =	sadd.s32 $0x140, s3  }
0x14: {  	v0 =	vand.u32 $0x7, v2;
	v2 =	vor.u32 $0x8, v2;
	v1 =	vmul.u32 $0x8, v1;
	s3 =	simm.s32 $0x11200;
	[dreg:$0x7] =	wrdreg s26;
	s26 =	simm.s32 $0x9200  }
.LBB2_7:
0x15: {  	s17 =	rddreg [dreg:$0x8]  }
0x16: {  	s1 =	rddreg [dreg:$0x3];
	s17 =	sadd.s32 $0x1, s17  }
0x17: {  	p0 =	sne.s32 s17, s1  }
.Ltmp1:
0x18: {  	_ = 	snop;
	(pc) =	sbr.rel @!p0 .LBB2_8-.Ltmp1, $1  }
0x19: {  	_ =	sdelay $0x3  }
.LBB2_1:
.Ltmp2:
0x1a: {  	[dreg:$0x8] =	wrdreg s17;
	(pc) =	sbr.rel .LBB2_2-.Ltmp2, $4  }
0x1b: {  	s1 =	rddreg [dreg:$0x7]  }
0x1c: {  	s17 =	rddreg [dreg:$0x6]  }
0x1d: {  	s18 =	rddreg [dreg:$0x5]  }
0x1e: {  	s19 =	simm.s32 $0x0;
	s20 =	rddreg [dreg:$0x4]  }
.LBB2_6:
0x1f: {  	s21 =	simm.s32 @!p0 $0x1  }
0x20: {  	_ =	swait.ge @!p0 [sflag:s21], $0x5000  }
0x21: {  	[sflag:s21] =	ssyncset.done @!p0 $0x0  }
0x22: {  	[sflag:s21] =	ssyncadd.s32 @!p0 $0xFFFFB000  }
0x23: {  	_ =	swait.ge @!p0 [sflag:s21], $0x5000  }
0x24: {  	[sflag:s21] =	ssyncset.done @!p0 $0x0  }
0x25: {  	[sflag:s21] =	ssyncadd.s32 @!p0 $0xFFFFB000;
	s21 =	sshrl.u32 @!p0 s20, $0x3  }
0x26: {  	s23 =	simm.s32 @!p0 $0x0;
	s24 =	simm.s32 @!p0 $0x200;
	s22 =	sadd.s32 @!p0 s6, s21  }
0x27: {  	[hbm4b:s22+s23] =	stream.linear.scatter @!p0 [tilespmem:s24], [sflag:$0x3], $0x5000, $0x38;
	[tilespmem:$0x14200] =	vst v63  }
0x28: {  	s19 =	sadd.s32 $0x2, s19;
	s21 =	sadd.s32 @!p0 s7, s21;
	s22 =	simm.s32 @!p0 $0xA200  }
0x29: {  	[hbm4b:s21+s23] =	stream.linear.scatter @!p0 [tilespmem:s22], [sflag:$0x3], $0x5000, $0x38;
	[tilespmem:$0x14200] =	vst v63  }
0x2a: {  	p0 =	sne.s32 s12, s19  }
.Ltmp3:
0x2b: {  	_ = 	snop;
	(pc) =	sbr.rel @!p0 .LBB2_7-.Ltmp3, $3  }
0x2c: {  	_ =	sdelay $0x1  }
0x2d: {  	s18 =	sadd.s32 $0x1400, s18  }
0x2e: {  	s17 =	sadd.s32 $0x280, s17;
	s1 =	sadd.s32 $0x280, s1;
	s20 =	sadd.s32 $0x140000, s20  }
.LBB2_2:
0x2f: {  	p1 =	seq.s32 s19, $0x0  }
0x30: {  	p0 =	sge.s32 @!p1 s19, s10  }
0x31: {  	p2 =	por p0, p1  }
0x32: {  	s21 =	simm.s32 @!p2 $0x3  }
0x33: {  	p0 =	sge.u32 s19, s8;
	_ =	swait.ge @!p2 [sflag:s21], $0x5000  }
.Ltmp4:
0x34: {  	[sflag:s21] =	ssyncset.done @!p2 $0x0;
	(pc) =	sbr.rel @p0 .LBB2_4-.Ltmp4, $4  }
0x35: {  	[sflag:s21] =	ssyncadd.s32 @!p2 $0xFFFFB000  }
0x36: {  	_ =	swait.ge @!p2 [sflag:s21], $0x5000  }
0x37: {  	[sflag:s21] =	ssyncset.done @!p2 $0x0  }
0x38: {  	[sflag:s21] =	ssyncadd.s32 @!p2 $0xFFFFB000  }
0x39: {  	s21 =	sshrl.u32 s18, $0x3  }
0x3a: {  	s22 =	sadd.s32 s5, s21  }
0x3b: {  	[tilespmem:s2], [sflag:$0x5] =	stream.linear.gather [hbm4b:s22+s2], $0x50, $0x38;
	[tilespmem:$0x14200] =	vst v63  }
0x3c: {  	_ =	swait.ge [sflag:s16], $0x50  }
0x3d: {  	[sflag:s16] =	ssyncset.done $0x0  }
0x3e: {  	[sflag:s16] =	ssyncadd.s32 $0xFFFFFFB0  }
0x3f: {  	s23 =	rddreg [dreg:$0x1]  }
0x40: {  	s24 =	simm.s32 $0x100;
	s21 =	sadd.s32 s23, s21  }
0x41: {  	[tilespmem:s24], [sflag:$0x5] =	stream.linear.gather [hbm4b:s21+s2], $0x50, $0x38;
	[tilespmem:$0x14200] =	vst v63  }
0x42: {  	_ =	swait.ge [sflag:s16], $0x50  }
0x43: {  	[sflag:s16] =	ssyncset.done $0x0  }
0x44: {  	[sflag:s16] =	ssyncadd.s32 $0xFFFFFFB0  }
0x45: {  	v3 =	vld [tilespmem:$0x0];
	_ =	sdelay $0x4  }
0x46: {  	v4 =	vshll.u32 v3, $0x1  }
0x47: {  	v3 =	vand.u32 $0x7, v3;
	v4 =	vand.u32 $0xFFFFFFF0, v4  }
0x48: {  	v3 =	vor.u32 v3, v4  }
0x49: {  	v4 =	vperm.xlane v3, v0;
	_ =	sdelay $0x1  }
0x4a: {  	v3 =	vperm.xlane v3, v2;
	v4 =	vadd.s32 v1, v4;
	_ =	sdelay $0x1  }
0x4b: {  	v3 =	vadd.s32 v1, v3;
	_ =	sdelay $0x1  }
0x4c: {  	s23 =	simm.s32 $0x200  }
0x4d: {  	[tilespmem:s23], [sflag:$0x1] =	stream.indirect_vreg.gather [hbm4b:s4+s2], $0x80, v4, vm0, $0xb8;
	[tilespmem:$0x14200] =	vst v63  }
0x4e: {  	s24 =	simm.s32 $0xA00  }
0x4f: {  	[tilespmem:s24], [sflag:$0x1] =	stream.indirect_vreg.gather [hbm4b:s4+s2], $0x80, v3, vm0, $0xb8;
	[tilespmem:$0x14200] =	vst v63  }
0x50: {  	v3 =	vld [tilespmem:$0x10];
	_ =	sdelay $0x4  }
0x51: {  	v55 =	vshll.u32 v3, $0x1  }
0x52: {  	v3 =	vand.u32 $0x7, v3;
	v4 =	vand.u32 $0xFFFFFFF0, v55  }
0x53: {  	v3 =	vor.u32 v3, v4  }
0x54: {  	v4 =	vperm.xlane v3, v0;
	_ =	sdelay $0x1  }
0x55: {  	v3 =	vperm.xlane v3, v2;
	v4 =	vadd.s32 v1, v4;
	_ =	sdelay $0x1  }
0x56: {  	v3 =	vadd.s32 v1, v3;
	_ =	sdelay $0x1  }
0x57: {  	s22 =	simm.s32 $0x1200  }
0x58: {  	[tilespmem:s22], [sflag:$0x1] =	stream.indirect_vreg.gather [hbm4b:s4+s2], $0x80, v4, vm0, $0xb8;
	[tilespmem:$0x14200] =	vst v63  }
0x59: {  	s23 =	simm.s32 $0x1A00  }
0x5a: {  	[tilespmem:s23], [sflag:$0x1] =	stream.indirect_vreg.gather [hbm4b:s4+s2], $0x80, v3, vm0, $0xb8;
	[tilespmem:$0x14200] =	vst v63  }
0x5b: {  	v3 =	vld [tilespmem:$0x20];
	_ =	sdelay $0x4  }
0x5c: {  	v56 =	vshll.u32 v3, $0x1  }
0x5d: {  	v3 =	vand.u32 $0x7, v3;
	v4 =	vand.u32 $0xFFFFFFF0, v56  }
0x5e: {  	v3 =	vor.u32 v3, v4  }
0x5f: {  	v4 =	vperm.xlane v3, v0;
	_ =	sdelay $0x1  }
0x60: {  	v3 =	vperm.xlane v3, v2;
	v4 =	vadd.s32 v1, v4;
	_ =	sdelay $0x1  }
0x61: {  	v3 =	vadd.s32 v1, v3;
	_ =	sdelay $0x1  }
0x62: {  	s24 =	simm.s32 $0x2200  }
0x63: {  	[tilespmem:s24], [sflag:$0x1] =	stream.indirect_vreg.gather [hbm4b:s4+s2], $0x80, v4, vm0, $0xb8;
	[tilespmem:$0x14200] =	vst v63  }
0x64: {  	s22 =	simm.s32 $0x2A00  }
0x65: {  	[tilespmem:s22], [sflag:$0x1] =	stream.indirect_vreg.gather [hbm4b:s4+s2], $0x80, v3, vm0, $0xb8;
	[tilespmem:$0x14200] =	vst v63  }
0x66: {  	v3 =	vld [tilespmem:$0x30];
	_ =	sdelay $0x4  }
0x67: {  	v57 =	vshll.u32 v3, $0x1  }
0x68: {  	v3 =	vand.u32 $0x7, v3;
	v4 =	vand.u32 $0xFFFFFFF0, v57  }
0x69: {  	v3 =	vor.u32 v3, v4  }
0x6a: {  	v4 =	vperm.xlane v3, v0;
	_ =	sdelay $0x1  }
0x6b: {  	v3 =	vperm.xlane v3, v2;
	v4 =	vadd.s32 v1, v4;
	_ =	sdelay $0x1  }
0x6c: {  	v3 =	vadd.s32 v1, v3;
	_ =	sdelay $0x1  }
0x6d: {  	s23 =	simm.s32 $0x3200  }
0x6e: {  	[tilespmem:s23], [sflag:$0x1] =	stream.indirect_vreg.gather [hbm4b:s4+s2], $0x80, v4, vm0, $0xb8;
	[tilespmem:$0x14200] =	vst v63  }
0x6f: {  	s24 =	simm.s32 $0x3A00  }
0x70: {  	[tilespmem:s24], [sflag:$0x1] =	stream.indirect_vreg.gather [hbm4b:s4+s2], $0x80, v3, vm0, $0xb8;
	[tilespmem:$0x14200] =	vst v63  }
0x71: {  	v3 =	vld [tilespmem:$0x40];
	_ =	sdelay $0x4  }
0x72: {  	v58 =	vshll.u32 v3, $0x1  }
0x73: {  	v3 =	vand.u32 $0x7, v3;
	v4 =	vand.u32 $0xFFFFFFF0, v58  }
0x74: {  	v3 =	vor.u32 v3, v4  }
0x75: {  	v4 =	vperm.xlane v3, v0;
	_ =	sdelay $0x1  }
0x76: {  	v3 =	vperm.xlane v3, v2;
	v4 =	vadd.s32 v1, v4;
	_ =	sdelay $0x1  }
0x77: {  	v3 =	vadd.s32 v1, v3;
	_ =	sdelay $0x1  }
0x78: {  	s22 =	simm.s32 $0x4200  }
0x79: {  	[tilespmem:s22], [sflag:$0x1] =	stream.indirect_vreg.gather [hbm4b:s4+s2], $0x80, v4, vm0, $0xb8;
	[tilespmem:$0x14200] =	vst v63  }
0x7a: {  	s23 =	simm.s32 $0x4A00  }
0x7b: {  	[tilespmem:s23], [sflag:$0x1] =	stream.indirect_vreg.gather [hbm4b:s4+s2], $0x80, v3, vm0, $0xb8;
	[tilespmem:$0x14200] =	vst v63  }
0x7c: {  	v3 =	vld [tilespmem:$0x100];
	_ =	sdelay $0x4  }
0x7d: {  	v59 =	vshll.u32 v3, $0x1  }
0x7e: {  	v3 =	vand.u32 $0x7, v3;
	v4 =	vand.u32 $0xFFFFFFF0, v59  }
0x7f: {  	v3 =	vor.u32 v3, v4  }
0x80: {  	v4 =	vperm.xlane v3, v0;
	_ =	sdelay $0x1  }
0x81: {  	v3 =	vperm.xlane v3, v2;
	v4 =	vadd.s32 v1, v4;
	_ =	sdelay $0x1  }
0x82: {  	v3 =	vadd.s32 v1, v3;
	_ =	sdelay $0x1  }
0x83: {  	s24 =	simm.s32 $0xA200  }
0x84: {  	[tilespmem:s24], [sflag:$0x1] =	stream.indirect_vreg.gather [hbm4b:s4+s2], $0x80, v4, vm0, $0xb8;
	[tilespmem:$0x14200] =	vst v63  }
0x85: {  	s22 =	simm.s32 $0xAA00  }
0x86: {  	[tilespmem:s22], [sflag:$0x1] =	stream.indirect_vreg.gather [hbm4b:s4+s2], $0x80, v3, vm0, $0xb8;
	[tilespmem:$0x14200] =	vst v63  }
0x87: {  	v3 =	vld [tilespmem:$0x110];
	_ =	sdelay $0x4  }
0x88: {  	v60 =	vshll.u32 v3, $0x1  }
0x89: {  	v3 =	vand.u32 $0x7, v3;
	v4 =	vand.u32 $0xFFFFFFF0, v60  }
0x8a: {  	v3 =	vor.u32 v3, v4  }
0x8b: {  	v4 =	vperm.xlane v3, v0;
	_ =	sdelay $0x1  }
0x8c: {  	v3 =	vperm.xlane v3, v2;
	v4 =	vadd.s32 v1, v4;
	_ =	sdelay $0x1  }
0x8d: {  	v3 =	vadd.s32 v1, v3;
	_ =	sdelay $0x1  }
0x8e: {  	s23 =	simm.s32 $0xB200  }
0x8f: {  	[tilespmem:s23], [sflag:$0x1] =	stream.indirect_vreg.gather [hbm4b:s4+s2], $0x80, v4, vm0, $0xb8;
	[tilespmem:$0x14200] =	vst v63  }
0x90: {  	s24 =	simm.s32 $0xBA00  }
0x91: {  	[tilespmem:s24], [sflag:$0x1] =	stream.indirect_vreg.gather [hbm4b:s4+s2], $0x80, v3, vm0, $0xb8;
	[tilespmem:$0x14200] =	vst v63  }
0x92: {  	v3 =	vld [tilespmem:$0x120];
	_ =	sdelay $0x4  }
0x93: {  	v61 =	vshll.u32 v3, $0x1  }
0x94: {  	v3 =	vand.u32 $0x7, v3;
	v4 =	vand.u32 $0xFFFFFFF0, v61  }
0x95: {  	v3 =	vor.u32 v3, v4  }
0x96: {  	v4 =	vperm.xlane v3, v0;
	_ =	sdelay $0x1  }
0x97: {  	v3 =	vperm.xlane v3, v2;
	v4 =	vadd.s32 v1, v4;
	_ =	sdelay $0x1  }
0x98: {  	v3 =	vadd.s32 v1, v3;
	_ =	sdelay $0x1  }
0x99: {  	s22 =	simm.s32 $0xC200  }
0x9a: {  	[tilespmem:s22], [sflag:$0x1] =	stream.indirect_vreg.gather [hbm4b:s4+s2], $0x80, v4, vm0, $0xb8;
	[tilespmem:$0x14200] =	vst v63  }
0x9b: {  	s23 =	simm.s32 $0xCA00  }
0x9c: {  	[tilespmem:s23], [sflag:$0x1] =	stream.indirect_vreg.gather [hbm4b:s4+s2], $0x80, v3, vm0, $0xb8;
	[tilespmem:$0x14200] =	vst v63  }
0x9d: {  	v3 =	vld [tilespmem:$0x130];
	_ =	sdelay $0x4  }
0x9e: {  	v62 =	vshll.u32 v3, $0x1  }
0x9f: {  	v3 =	vand.u32 $0x7, v3;
	v4 =	vand.u32 $0xFFFFFFF0, v62  }
0xa0: {  	v3 =	vor.u32 v3, v4  }
0xa1: {  	v4 =	vperm.xlane v3, v0;
	_ =	sdelay $0x1  }
0xa2: {  	v3 =	vperm.xlane v3, v2;
	v4 =	vadd.s32 v1, v4;
	_ =	sdelay $0x1  }
0xa3: {  	v3 =	vadd.s32 v1, v3;
	_ =	sdelay $0x1  }
0xa4: {  	s24 =	simm.s32 $0xD200  }
0xa5: {  	[tilespmem:s24], [sflag:$0x1] =	stream.indirect_vreg.gather [hbm4b:s4+s2], $0x80, v4, vm0, $0xb8;
	[tilespmem:$0x14200] =	vst v63  }
0xa6: {  	s22 =	simm.s32 $0xDA00  }
0xa7: {  	[tilespmem:s22], [sflag:$0x1] =	stream.indirect_vreg.gather [hbm4b:s4+s2], $0x80, v3, vm0, $0xb8;
	[tilespmem:$0x14200] =	vst v63  }
0xa8: {  	v3 =	vld [tilespmem:$0x140];
	_ =	sdelay $0x4  }
0xa9: {  	v63 =	vshll.u32 v3, $0x1  }
0xaa: {  	v3 =	vand.u32 $0x7, v3;
	v4 =	vand.u32 $0xFFFFFFF0, v63  }
0xab: {  	v3 =	vor.u32 v3, v4  }
0xac: {  	v4 =	vperm.xlane v3, v0;
	_ =	sdelay $0x1  }
0xad: {  	v3 =	vperm.xlane v3, v2;
	v4 =	vadd.s32 v1, v4;
	_ =	sdelay $0x1  }
0xae: {  	v3 =	vadd.s32 v1, v3;
	_ =	sdelay $0x1  }
0xaf: {  	s23 =	simm.s32 $0xE200  }
0xb0: {  	[tilespmem:s23], [sflag:$0x1] =	stream.indirect_vreg.gather [hbm4b:s4+s2], $0x80, v4, vm0, $0xb8;
	[tilespmem:$0x14200] =	vst v63  }
0xb1: {  	s24 =	simm.s32 $0xEA00  }
0xb2: {  	[tilespmem:s24], [sflag:$0x1] =	stream.indirect_vreg.gather [hbm4b:s4+s2], $0x80, v3, vm0, $0xb8;
	[tilespmem:$0x14200] =	vst v63  }
.LBB2_4:
0xb3: {  	p2 =	sgt.s32 @!p1 s19, s8  }
0xb4: {  	p1 =	por p2, p1  }
0xb5: {  	s21 =	simm.s32 @!p1 $0x2  }
0xb6: {  	_ =	swait.ge @!p1 [sflag:s21], $0x5000  }
0xb7: {  	[sflag:s21] =	ssyncset.done @!p1 $0x0  }
0xb8: {  	[sflag:s21] =	ssyncadd.s32 @!p1 $0xFFFFB000  }
0xb9: {  	_ =	swait.ge @!p1 [sflag:s21], $0x5000  }
0xba: {  	s22 =	sadd.s32 @!p1 $0xFFF60000, s20;
	[sflag:s21] =	ssyncset.done @!p1 $0x0  }
0xbb: {  	[sflag:s21] =	ssyncadd.s32 @!p1 $0xFFFFB000;
	s21 =	sshrl.u32 @!p1 s22, $0x3  }
0xbc: {  	s23 =	simm.s32 @!p1 $0x0;
	s24 =	simm.s32 @!p1 $0x5200;
	s22 =	sadd.s32 @!p1 s6, s21  }
0xbd: {  	[hbm4b:s22+s23] =	stream.linear.scatter @!p1 [tilespmem:s24], [sflag:$0x4], $0x5000, $0x38;
	[tilespmem:$0x14200] =	vst v63  }
0xbe: {  	s21 =	sadd.s32 @!p1 s7, s21;
	s22 =	simm.s32 @!p1 $0xF200  }
0xbf: {  	[hbm4b:s21+s23] =	stream.linear.scatter @!p1 [tilespmem:s22], [sflag:$0x4], $0x5000, $0x38;
	[tilespmem:$0x14200] =	vst v63  }
0xc0: {  	s24 =	sadd.s32 $0x1, s19;
	s21 =	simm.s32 @!p1 $0x4  }
0xc1: {  	p2 =	sge.u32 s24, s8;
	_ =	swait.ge @!p1 [sflag:s21], $0x5000  }
.Ltmp5:
0xc2: {  	[sflag:s21] =	ssyncset.done @!p1 $0x0;
	(pc) =	sbr.rel @p2 .LBB2_6-.Ltmp5, $4  }
0xc3: {  	[sflag:s21] =	ssyncadd.s32 @!p1 $0xFFFFB000  }
0xc4: {  	_ =	swait.ge @!p1 [sflag:s21], $0x5000  }
0xc5: {  	[sflag:s21] =	ssyncset.done @!p1 $0x0  }
0xc6: {  	[sflag:s21] =	ssyncadd.s32 @!p1 $0xFFFFB000  }
0xc7: {  	s21 =	simm.s32 $0x80  }
0xc8: {  	[tilespmem:s21], [sflag:$0x5] =	stream.linear.gather [hbm4b:s17+s2], $0x50, $0x38;
	[tilespmem:$0x14200] =	vst v63  }
0xc9: {  	_ =	swait.ge [sflag:s16], $0x50  }
0xca: {  	[sflag:s16] =	ssyncset.done $0x0  }
0xcb: {  	s23 =	simm.s32 $0x180;
	[sflag:s16] =	ssyncadd.s32 $0xFFFFFFB0  }
0xcc: {  	[tilespmem:s23], [sflag:$0x5] =	stream.linear.gather [hbm4b:s1+s2], $0x50, $0x38;
	[tilespmem:$0x14200] =	vst v63  }
0xcd: {  	_ =	swait.ge [sflag:s16], $0x50  }
0xce: {  	[sflag:s16] =	ssyncset.done $0x0  }
0xcf: {  	[sflag:s16] =	ssyncadd.s32 $0xFFFFFFB0  }
0xd0: {  	v3 =	vld [tilespmem:$0x80];
	_ =	sdelay $0x4  }
0xd1: {  	v4 =	vshll.u32 v3, $0x1  }
0xd2: {  	v3 =	vand.u32 $0x7, v3;
	v4 =	vand.u32 $0xFFFFFFF0, v4  }
0xd3: {  	v3 =	vor.u32 v3, v4  }
0xd4: {  	v4 =	vperm.xlane v3, v0;
	_ =	sdelay $0x1  }
0xd5: {  	v3 =	vperm.xlane v3, v2;
	v4 =	vadd.s32 v1, v4;
	_ =	sdelay $0x1  }
0xd6: {  	v3 =	vadd.s32 v1, v3;
	_ =	sdelay $0x1  }
0xd7: {  	s24 =	simm.s32 $0x5200  }
0xd8: {  	[tilespmem:s24], [sflag:$0x2] =	stream.indirect_vreg.gather [hbm4b:s4+s2], $0x80, v4, vm0, $0xb8;
	[tilespmem:$0x14200] =	vst v63  }
0xd9: {  	s22 =	simm.s32 $0x5A00  }
0xda: {  	[tilespmem:s22], [sflag:$0x2] =	stream.indirect_vreg.gather [hbm4b:s4+s2], $0x80, v3, vm0, $0xb8;
	[tilespmem:$0x14200] =	vst v63  }
0xdb: {  	v3 =	vld [tilespmem:$0x90];
	_ =	sdelay $0x4  }
0xdc: {  	v55 =	vshll.u32 v3, $0x1  }
0xdd: {  	v3 =	vand.u32 $0x7, v3;
	v4 =	vand.u32 $0xFFFFFFF0, v55  }
0xde: {  	v3 =	vor.u32 v3, v4  }
0xdf: {  	v4 =	vperm.xlane v3, v0;
	_ =	sdelay $0x1  }
0xe0: {  	v3 =	vperm.xlane v3, v2;
	v4 =	vadd.s32 v1, v4;
	_ =	sdelay $0x1  }
0xe1: {  	v3 =	vadd.s32 v1, v3;
	_ =	sdelay $0x1  }
0xe2: {  	s23 =	simm.s32 $0x6200  }
0xe3: {  	[tilespmem:s23], [sflag:$0x2] =	stream.indirect_vreg.gather [hbm4b:s4+s2], $0x80, v4, vm0, $0xb8;
	[tilespmem:$0x14200] =	vst v63  }
0xe4: {  	s24 =	simm.s32 $0x6A00  }
0xe5: {  	[tilespmem:s24], [sflag:$0x2] =	stream.indirect_vreg.gather [hbm4b:s4+s2], $0x80, v3, vm0, $0xb8;
	[tilespmem:$0x14200] =	vst v63  }
0xe6: {  	v3 =	vld [tilespmem:$0xA0];
	_ =	sdelay $0x4  }
0xe7: {  	v56 =	vshll.u32 v3, $0x1  }
0xe8: {  	v3 =	vand.u32 $0x7, v3;
	v4 =	vand.u32 $0xFFFFFFF0, v56  }
0xe9: {  	v3 =	vor.u32 v3, v4  }
0xea: {  	v4 =	vperm.xlane v3, v0;
	_ =	sdelay $0x1  }
0xeb: {  	v3 =	vperm.xlane v3, v2;
	v4 =	vadd.s32 v1, v4;
	_ =	sdelay $0x1  }
0xec: {  	v3 =	vadd.s32 v1, v3;
	_ =	sdelay $0x1  }
0xed: {  	s22 =	simm.s32 $0x7200  }
0xee: {  	[tilespmem:s22], [sflag:$0x2] =	stream.indirect_vreg.gather [hbm4b:s4+s2], $0x80, v4, vm0, $0xb8;
	[tilespmem:$0x14200] =	vst v63  }
0xef: {  	s23 =	simm.s32 $0x7A00  }
0xf0: {  	[tilespmem:s23], [sflag:$0x2] =	stream.indirect_vreg.gather [hbm4b:s4+s2], $0x80, v3, vm0, $0xb8;
	[tilespmem:$0x14200] =	vst v63  }
0xf1: {  	v3 =	vld [tilespmem:$0xB0];
	_ =	sdelay $0x4  }
0xf2: {  	v57 =	vshll.u32 v3, $0x1  }
0xf3: {  	v3 =	vand.u32 $0x7, v3;
	v4 =	vand.u32 $0xFFFFFFF0, v57  }
0xf4: {  	v3 =	vor.u32 v3, v4  }
0xf5: {  	v4 =	vperm.xlane v3, v0;
	_ =	sdelay $0x1  }
0xf6: {  	v3 =	vperm.xlane v3, v2;
	v4 =	vadd.s32 v1, v4;
	_ =	sdelay $0x1  }
0xf7: {  	v3 =	vadd.s32 v1, v3;
	_ =	sdelay $0x1  }
0xf8: {  	s24 =	simm.s32 $0x8200  }
0xf9: {  	[tilespmem:s24], [sflag:$0x2] =	stream.indirect_vreg.gather [hbm4b:s4+s2], $0x80, v4, vm0, $0xb8;
	[tilespmem:$0x14200] =	vst v63  }
0xfa: {  	_ = 	snop  }
0xfb: {  	[tilespmem:s25], [sflag:$0x2] =	stream.indirect_vreg.gather [hbm4b:s4+s2], $0x80, v3, vm0, $0xb8;
	[tilespmem:$0x14200] =	vst v63  }
0xfc: {  	v3 =	vld [tilespmem:$0xC0];
	_ =	sdelay $0x4  }
0xfd: {  	v58 =	vshll.u32 v3, $0x1  }
0xfe: {  	v3 =	vand.u32 $0x7, v3;
	v4 =	vand.u32 $0xFFFFFFF0, v58  }
0xff: {  	v3 =	vor.u32 v3, v4  }
0x100: {  	v4 =	vperm.xlane v3, v0;
	_ =	sdelay $0x1  }
0x101: {  	v3 =	vperm.xlane v3, v2;
	v4 =	vadd.s32 v1, v4;
	_ =	sdelay $0x1  }
0x102: {  	v3 =	vadd.s32 v1, v3;
	_ =	sdelay $0x2  }
0x103: {  	[tilespmem:s26], [sflag:$0x2] =	stream.indirect_vreg.gather [hbm4b:s4+s2], $0x80, v4, vm0, $0xb8;
	[tilespmem:$0x14200] =	vst v63  }
0x104: {  	_ = 	snop  }
0x105: {  	[tilespmem:s28], [sflag:$0x2] =	stream.indirect_vreg.gather [hbm4b:s4+s2], $0x80, v3, vm0, $0xb8;
	[tilespmem:$0x14200] =	vst v63  }
0x106: {  	v3 =	vld [tilespmem:$0x180];
	_ =	sdelay $0x4  }
0x107: {  	v59 =	vshll.u32 v3, $0x1  }
0x108: {  	v3 =	vand.u32 $0x7, v3;
	v4 =	vand.u32 $0xFFFFFFF0, v59  }
0x109: {  	v3 =	vor.u32 v3, v4  }
0x10a: {  	v4 =	vperm.xlane v3, v0;
	_ =	sdelay $0x1  }
0x10b: {  	v3 =	vperm.xlane v3, v2;
	v4 =	vadd.s32 v1, v4;
	_ =	sdelay $0x1  }
0x10c: {  	v3 =	vadd.s32 v1, v3;
	_ =	sdelay $0x2  }
0x10d: {  	[tilespmem:s29], [sflag:$0x2] =	stream.indirect_vreg.gather [hbm4b:s4+s2], $0x80, v4, vm0, $0xb8;
	[tilespmem:$0x14200] =	vst v63  }
0x10e: {  	_ = 	snop  }
0x10f: {  	[tilespmem:s30], [sflag:$0x2] =	stream.indirect_vreg.gather [hbm4b:s4+s2], $0x80, v3, vm0, $0xb8;
	[tilespmem:$0x14200] =	vst v63  }
0x110: {  	v3 =	vld [tilespmem:$0x190];
	_ =	sdelay $0x4  }
0x111: {  	v60 =	vshll.u32 v3, $0x1  }
0x112: {  	v3 =	vand.u32 $0x7, v3;
	v4 =	vand.u32 $0xFFFFFFF0, v60  }
0x113: {  	v3 =	vor.u32 v3, v4  }
0x114: {  	v4 =	vperm.xlane v3, v0;
	_ =	sdelay $0x1  }
0x115: {  	v3 =	vperm.xlane v3, v2;
	v4 =	vadd.s32 v1, v4;
	_ =	sdelay $0x1  }
0x116: {  	v3 =	vadd.s32 v1, v3;
	_ =	sdelay $0x2  }
0x117: {  	[tilespmem:s31], [sflag:$0x2] =	stream.indirect_vreg.gather [hbm4b:s4+s2], $0x80, v4, vm0, $0xb8;
	[tilespmem:$0x14200] =	vst v63  }
0x118: {  	_ = 	snop  }
0x119: {  	[tilespmem:s0], [sflag:$0x2] =	stream.indirect_vreg.gather [hbm4b:s4+s2], $0x80, v3, vm0, $0xb8;
	[tilespmem:$0x14200] =	vst v63  }
0x11a: {  	v3 =	vld [tilespmem:$0x1A0];
	_ =	sdelay $0x4  }
0x11b: {  	v61 =	vshll.u32 v3, $0x1  }
0x11c: {  	v3 =	vand.u32 $0x7, v3;
	v4 =	vand.u32 $0xFFFFFFF0, v61  }
0x11d: {  	v3 =	vor.u32 v3, v4  }
0x11e: {  	v4 =	vperm.xlane v3, v0;
	_ =	sdelay $0x1  }
0x11f: {  	v3 =	vperm.xlane v3, v2;
	v4 =	vadd.s32 v1, v4;
	_ =	sdelay $0x1  }
0x120: {  	v3 =	vadd.s32 v1, v3;
	_ =	sdelay $0x2  }
0x121: {  	[tilespmem:s3], [sflag:$0x2] =	stream.indirect_vreg.gather [hbm4b:s4+s2], $0x80, v4, vm0, $0xb8;
	[tilespmem:$0x14200] =	vst v63  }
0x122: {  	_ = 	snop  }
0x123: {  	[tilespmem:s9], [sflag:$0x2] =	stream.indirect_vreg.gather [hbm4b:s4+s2], $0x80, v3, vm0, $0xb8;
	[tilespmem:$0x14200] =	vst v63  }
0x124: {  	v3 =	vld [tilespmem:$0x1B0];
	_ =	sdelay $0x4  }
0x125: {  	v62 =	vshll.u32 v3, $0x1  }
0x126: {  	v3 =	vand.u32 $0x7, v3;
	v4 =	vand.u32 $0xFFFFFFF0, v62  }
0x127: {  	v3 =	vor.u32 v3, v4  }
0x128: {  	v4 =	vperm.xlane v3, v0;
	_ =	sdelay $0x1  }
0x129: {  	v3 =	vperm.xlane v3, v2;
	v4 =	vadd.s32 v1, v4;
	_ =	sdelay $0x1  }
0x12a: {  	v3 =	vadd.s32 v1, v3;
	_ =	sdelay $0x2  }
0x12b: {  	[tilespmem:s11], [sflag:$0x2] =	stream.indirect_vreg.gather [hbm4b:s4+s2], $0x80, v4, vm0, $0xb8;
	[tilespmem:$0x14200] =	vst v63  }
0x12c: {  	_ = 	snop  }
0x12d: {  	[tilespmem:s13], [sflag:$0x2] =	stream.indirect_vreg.gather [hbm4b:s4+s2], $0x80, v3, vm0, $0xb8;
	[tilespmem:$0x14200] =	vst v63  }
0x12e: {  	v3 =	vld [tilespmem:$0x1C0];
	_ =	sdelay $0x4  }
0x12f: {  	v63 =	vshll.u32 v3, $0x1  }
0x130: {  	v3 =	vand.u32 $0x7, v3;
	v4 =	vand.u32 $0xFFFFFFF0, v63  }
0x131: {  	v3 =	vor.u32 v3, v4  }
0x132: {  	v4 =	vperm.xlane v3, v0;
	_ =	sdelay $0x1  }
0x133: {  	v3 =	vperm.xlane v3, v2;
	v4 =	vadd.s32 v1, v4;
	_ =	sdelay $0x1  }
0x134: {  	v3 =	vadd.s32 v1, v3  }
.Ltmp6:
0x135: {  	_ = 	snop;
	(pc) =	sbr.rel .LBB2_6-.Ltmp6, $4  }
0x136: {  	_ = 	snop  }
0x137: {  	[tilespmem:s14], [sflag:$0x2] =	stream.indirect_vreg.gather [hbm4b:s4+s2], $0x80, v4, vm0, $0xb8;
	[tilespmem:$0x14200] =	vst v63  }
0x138: {  	_ = 	snop  }
0x139: {  	[tilespmem:s15], [sflag:$0x2] =	stream.indirect_vreg.gather [hbm4b:s4+s2], $0x80, v3, vm0, $0xb8;
	[tilespmem:$0x14200] =	vst v63  }
.LBB2_8:
0x13a: {  	_ =	sfence.sel $0x180000  }
0x13b: {  	[bflag:$0x0] =	sbarrier.arrive $0xFFFF  }
0x13c: {  	_ =	strace $0x90000047  }
0x13d: {  	s0 =	stileid.u32;
	[bflag:$0x2] =	sbarrier.arrive $0xFFFF  }
0x13e: {  	p0 =	sne.s32 s0, $0x0;
	s0 =	rddreg [dreg:$0x2]  }
0x13f: {  	s0 =	sadd.s32 @!p0 $0x100000, s0  }
0x140: {  	[sflag:s0] =	ssyncadd.tile.s32 @!p0 $0x1;
	_ =	shalt  }
.Lfunc_end2:
_tile_overlayer_lowered:
.L_overlay_start_2:
0x141: {  	(tag) =	ssettag $0x2  }
0x142: {  	s0 =	rddreg [dreg:$0x0];
	s2 =	stileid.u32  }
0x143: {  	s1 =	rddreg [dreg:$0x1];
	p0 =	sne.s32 s2, $0x0  }
0x144: {  	s3 =	rddreg [dreg:$0x2];
	[bflag:$0x3] =	sbarrier.arrive $0xFFFF;
	s2 =	simm.s32 @!p0 $0x1C05  }
0x145: {  	[timem:s3], [sflag:s2] =	dma.local @!p0 [hbm:s0], s1  }
0x146: {  	s0 =	simm.s32 @!p0 $0x5  }
0x147: {  	_ =	swait.ge @!p0 [sflag:s0], s1  }
0x148: {  	s1 =	ssub.s32 @!p0 $0x0, s1;
	[sflag:s0] =	ssyncset.done @!p0 $0x0  }
0x149: {  	[sflag:s0] =	ssyncadd.s32 @!p0 s1  }
0x14a: {  	[bflag:$0x3] =	sbarrier.arrive $0xFFFF  }
0x14b: {  	_ =	shalt  }

// kernel: kernel.9.cloned.1.call-start
scs
__scs_entry_jumppad:
0x0: {  	(pc) =	sbr.rel $0x88, $3  }
0x1: {  	(tag) =	ssettag $0x0;
	lr =	simm.s32 $0x1  }
0x2: {  	[smem:$0x3F89] =	sst lr;
	_ =	strace $0xD0000000  }
0x3: {  	_ = 	snop  }
0x4: {  	_ = 	snop  }
0x5: {  	_ = 	snop  }
0x6: {  	_ = 	snop  }
0x7: {  	_ = 	snop  }
__scs_overlays_trampoline_lowered:
0x8: {  	[smem:$0x3F98] =	sst s0  }
0x9: {  	[smem:$0x3F99] =	sst s1  }
0xa: {  	[smem:$0x3F9A] =	sst s2  }
0xb: {  	[smem:$0x3F9B] =	sst s3  }
0xc: {  	[smem:$0x3F9C] =	sst s4  }
0xd: {  	[smem:$0x3F9D] =	sst s5  }
0xe: {  	[smem:$0x3F9E] =	sst s6  }
0xf: {  	[smem:$0x3F9F] =	sst s7  }
0x10: {  	[smem:$0x3FA0] =	sst s8  }
0x11: {  	[smem:$0x3FA1] =	sst s9;
	s0 =	simm.s32 @!p0 $0x0  }
0x12: {  	s1 =	sld [smem:$0x3F87];
	s0 =	simm.s32 @p0 $0x1  }
0x13: {  	[smem:$0x3FA2] =	sst s0;
	s0 =	simm.s32 @!p1 $0x0  }
0x14: {  	s2 =	sld [smem:$0x3F86];
	s0 =	simm.s32 @p1 $0x1  }
0x15: {  	[smem:$0x3FA3] =	sst s0;
	s0 =	simm.s32 @!p2 $0x0  }
0x16: {  	s3 =	sld [smem:$0x3FDB];
	s0 =	simm.s32 @p2 $0x1  }
0x17: {  	s4 =	simm.s32 $0x1BF5;
	[smem:$0x3FA5] =	sst s0  }
0x18: {  	s0 =	sld [smem:$0x3F88];
	_ =	swait.ge [sflag:s4], $0x0  }
0x19: {  	s7 =	sld [smem:$0x3F89]  }
0x1a: {  	s8 =	sadd.s32 $0xFFFFE003, lr  }
0x1b: {  	s9 =	sadd.s32 $0xFFFFFEF7, lr;
	s5 =	simm.s32 $0xFFFFFFFF;
	p2 =	slt.u32 s8, $0xFFFFF086  }
0x1c: {  	p1 =	slt.u32 s9, $0xF7A;
	s5 =	simm.s32 @!p2 $0x0  }
0x1d: {  	s5 =	simm.s32 @p1 $0x1;
	p0 =	seq.s32 s7, s2  }
0x1e: {  	s7 =	smul.u32 @!p0 $0xF7A, s2;
	p2 =	seq.s32 @!p0 s5, $0x0  }
0x1f: {  	s9 =	smul.u32 $0xF7A, s1;
	s8 =	simm.s32 @!p0 $0x1BF5;
	p2 =	por !p2, p0  }
0x20: {  	[sflag:s8] =	ssyncset.s32 @!p0 $0xFFFFF086;
	s6 =	sadd.s32 @!p0 s3, s7;
	s7 =	simm.s32 @!p0 $0x108  }
0x21: {  	s3 =	sadd.s32 s3, s9;
	s6 =	sadd.s32 @!p0 $0x88, s6;
	s7 =	simm.s32 @p2 $0x1082  }
0x22: {  	[simem:s7], [sflag:s8] =	dma.local @!p0 [hbm:s6], $0xF7A  }
0x23: {  	s9 =	sor.u32 $0xD0000000, s2;
	s6 =	simm.s32 $0x108;
	_ =	swait.ge @!p0 [sflag:s8], $0x0  }
0x24: {  	s3 =	sadd.s32 $0x88, s3;
	s6 =	simm.s32 @!p1 $0x1082;
	[sflag:s4] =	ssyncset.s32 $0xFFFFF086  }
0x25: {  	[simem:s6], [sflag:s4] =	dma.local [hbm:s3], $0xF7A  }
0x26: {  	[smem:$0x3F89] =	sst s1;
	(tag) =	ssettag s2;
	_ =	strace s9  }
0x27: {  	s1 =	sld [smem:$0x3F99]  }
0x28: {  	s2 =	sld [smem:$0x3F9A]  }
0x29: {  	s4 =	sld [smem:$0x3F9C]  }
0x2a: {  	p0 =	seq.s32 s5, $0x0;
	s5 =	sld [smem:$0x3F9D]  }
0x2b: {  	s6 =	sld [smem:$0x3F9E]  }
0x2c: {  	s7 =	sld [smem:$0x3F9F]  }
0x2d: {  	s3 =	simm.s32 $0x108;
	s8 =	sld [smem:$0x3FA0]  }
0x2e: {  	s3 =	simm.s32 @!p0 $0x1082;
	s9 =	sld [smem:$0x3FA1]  }
0x2f: {  	lr =	sadd.s32 s0, s3;
	s0 =	sld [smem:$0x3F98]  }
0x30: {  	s3 =	sld [smem:$0x3F9B]  }
0x31: {  	[smem:$0x3FA4] =	sst s10  }
0x32: {  	s10 =	sld [smem:$0x3FA2];
	_ =	sdelay $0x3  }
0x33: {  	p0 =	seq.s32 s10, $0x1;
	s10 =	sld [smem:$0x3FA4];
	_ =	sdelay $0x3  }
0x34: {  	[smem:$0x3FA4] =	sst s10  }
0x35: {  	s10 =	sld [smem:$0x3FA3];
	_ =	sdelay $0x3  }
0x36: {  	p1 =	seq.s32 s10, $0x1;
	s10 =	sld [smem:$0x3FA4];
	_ =	sdelay $0x3  }
0x37: {  	[smem:$0x3FA4] =	sst s10  }
0x38: {  	s10 =	sld [smem:$0x3FA5]  }
0x39: {  	_ = 	snop;
	(pc) =	sbr.ind lr, $3  }
0x3a: {  	_ = 	snop  }
0x3b: {  	_ = 	snop  }
0x3c: {  	p2 =	seq.s32 s10, $0x1;
	s10 =	sld [smem:$0x3FA4]  }
0x3d: {  	_ =	shalt  }
0x3e: {  	_ =	shalt  }
0x3f: {  	_ =	shalt  }
0x40: {  	_ =	shalt  }
0x41: {  	_ =	shalt  }
0x42: {  	_ =	shalt  }
0x43: {  	_ =	shalt  }
0x44: {  	_ =	shalt  }
0x45: {  	_ =	shalt  }
0x46: {  	_ =	shalt  }
0x47: {  	_ =	shalt  }
0x48: {  	_ =	shalt  }
0x49: {  	_ =	shalt  }
0x4a: {  	_ =	shalt  }
0x4b: {  	_ =	shalt  }
0x4c: {  	_ =	shalt  }
0x4d: {  	_ =	shalt  }
0x4e: {  	_ =	shalt  }
0x4f: {  	_ =	shalt  }
0x50: {  	_ =	shalt  }
0x51: {  	_ =	shalt  }
0x52: {  	_ =	shalt  }
0x53: {  	_ =	shalt  }
0x54: {  	_ =	shalt  }
0x55: {  	_ =	shalt  }
0x56: {  	_ =	shalt  }
0x57: {  	_ =	shalt  }
0x58: {  	_ =	shalt  }
0x59: {  	_ =	shalt  }
0x5a: {  	_ =	shalt  }
0x5b: {  	_ =	shalt  }
0x5c: {  	_ =	shalt  }
0x5d: {  	_ =	shalt  }
0x5e: {  	_ =	shalt  }
0x5f: {  	_ =	shalt  }
0x60: {  	_ =	shalt  }
0x61: {  	_ =	shalt  }
0x62: {  	_ =	shalt  }
0x63: {  	_ =	shalt  }
0x64: {  	_ =	shalt  }
0x65: {  	_ =	shalt  }
0x66: {  	_ =	shalt  }
0x67: {  	_ =	shalt  }
0x68: {  	_ =	shalt  }
0x69: {  	_ =	shalt  }
0x6a: {  	_ =	shalt  }
0x6b: {  	_ =	shalt  }
0x6c: {  	_ =	shalt  }
0x6d: {  	_ =	shalt  }
0x6e: {  	_ =	shalt  }
0x6f: {  	_ =	shalt  }
0x70: {  	_ =	shalt  }
0x71: {  	_ =	shalt  }
0x72: {  	_ =	shalt  }
0x73: {  	_ =	shalt  }
0x74: {  	_ =	shalt  }
0x75: {  	_ =	shalt  }
0x76: {  	_ =	shalt  }
0x77: {  	_ =	shalt  }
0x78: {  	_ =	shalt  }
0x79: {  	_ =	shalt  }
0x7a: {  	_ =	shalt  }
0x7b: {  	_ =	shalt  }
0x7c: {  	_ =	shalt  }
0x7d: {  	_ =	shalt  }
0x7e: {  	_ =	shalt  }
0x7f: {  	_ =	shalt  }
0x80: {  	_ =	shalt  }
0x81: {  	_ =	shalt  }
0x82: {  	_ =	shalt  }
0x83: {  	_ =	shalt  }
0x84: {  	_ =	shalt  }
0x85: {  	_ =	shalt  }
0x86: {  	_ =	shalt  }
0x87: {  	_ =	shalt  }
.Lfunc_end0:
.L_simem_size_0:
called_computation.1_lowered:
.L_overlay_start_0:
0x88: {  	s2 =	sld [smem:$0x3FD9]  }
0x89: {  	s3 =	sld [smem:$0x3FFE];
	_ =	sdelay $0x1  }
0x8a: {  	s1 =	srdreg.scid  }
0x8b: {  	s0 =	sand.u32 $0x1, s1  }
0x8c: {  	s14 =	sshll.u32 s0, $0xA;
	s2 =	sadd.s32 s3, s2  }
0x8d: {  	s2 =	sadd.s32 s2, s14  }
0x8e: {  	[smem:$0x3FB0] =	sst s2  }
0x8f: {  	_ = 	snop  }
0x90: {  	s2 =	sld [smem:$0x3FD0];
	_ =	sdelay $0x2  }
0x91: {  	s15 =	simm.s32 $0xA;
	s4 =	simm.s32 $0x10  }
0x92: {  	[smem:s4], [sflag:s15] =	dma.local [hbm:s2], $0x1  }
0x93: {  	_ =	swait.eq [sflag:s15], $0x1  }
0x94: {  	[sflag:s15] =	ssyncset.done $0x0  }
0x95: {  	[sflag:s15] =	ssyncadd.s32 $0xFFFFFFFF  }
0x96: {  	s16 =	sld [smem:$0x11];
	(tm) =	ssettm $0x1  }
0x97: {  	s17 =	sld [smem:$0x3FFB];
	_ =	sdelay $0x3  }
0x98: {  	_ =	strace s17  }
0x99: {  	s3 =	sld [smem:$0x3FFC];
	_ =	sdelay $0x3  }
0x9a: {  	_ =	strace s3  }
0x9b: {  	s3 =	sld [smem:$0x3FFD];
	_ =	sdelay $0x3  }
0x9c: {  	_ =	strace s3  }
0x9d: {  	_ =	strace $0x8FFFFFFF  }
0x9e: {  	s18 =	sld [smem:$0x3FDB];
	_ =	sdelay $0x1  }
0x9f: {  	s19 =	simm.s32 $_scs_section_size  }
0xa0: {  	s5 =	simm.s32 $_size__tile_overlayer_lowered;
	s6 =	simm.s32 $_tile_overlayer_lowered  }
0xa1: {  	s22 =	simm.s32 $0x1BFF;
	s21 =	sshll.u32 s6, $0x1;
	s3 =	sadd.s32 s19, s18  }
0xa2: {  	s7 =	simm.s32 $0x0;
	s20 =	sshll.u32 s5, $0x1;
	s5 =	sadd.s32 s21, s3  }
0xa3: {  	[timem:s7], [sflag:s22] =	dma.local [hbm:s5], s20  }
0xa4: {  	_ =	swait.ge [sflag:s22], s20  }
0xa5: {  	s4 =	ssub.s32 $0x0, s20;
	[sflag:s22] =	ssyncset.done $0x0  }
0xa6: {  	[sflag:s22] =	ssyncadd.s32 s4;
	_ =	sdelay $0x1  }
0xa7: {  	s23 =	simm.s32 $0x1B8B  }
0xa8: {  	_ =	swait.ge [sflag:s23], $0x1  }
0xa9: {  	[sflag:s23] =	ssyncset.done $0x0  }
0xaa: {  	s25 =	simm.s32 $0x1B8E;
	s24 =	sld [smem:$0x3FFE];
	[sflag:s23] =	ssyncadd.s32 $0xFFFFFFFF  }
0xab: {  	s26 =	simm.s32 $execute0_lowered;
	[smem:$0x3FD2] =	sst s25  }
0xac: {  	s5 =	sshll.u32 s26, $0x1;
	_ =	strace $0x80000049;
	[dreg:$0x1] =	wrdreg $0xFFFFFFFF  }
0xad: {  	s28 =	simm.s32 $_size_execute0_lowered;
	s3 =	sadd.s32 s3, s5;
	[dreg:$0x0] =	wrdreg $0x0  }
0xae: {  	s5 =	sshll.u32 s28, $0x1;
	[dreg:$0x2] =	wrdreg s3  }
0xaf: {  	[dreg:$0x3] =	wrdreg s5  }
0xb0: {  	[dreg:$0x4] =	wrdreg $0xC0  }
0xb1: {  	_ =	task [dreg:s7], $0x5FFFF  }
0xb2: {  	[dreg:$0x1] =	wrdreg $0xFFFFFFFF  }
0xb3: {  	[dreg:$0x0] =	wrdreg $0x60  }
0xb4: {  	[dreg:$0x2] =	wrdreg s24  }
0xb5: {  	[dreg:$0x3] =	wrdreg s16  }
0xb6: {  	[dreg:$0x4] =	wrdreg $0x0  }
0xb7: {  	[dreg:$0x5] =	wrdreg $0x138800  }
0xb8: {  	[dreg:$0x6] =	wrdreg $0x9  }
0xb9: {  	_ =	task.clear_ibuf [dreg:s7], $0x7FFFF;
	_ =	strace $0x90000049  }
0xba: {  	s29 =	simm.s32 $0x9;
	_ =	strace $0x8000004B  }
0xbb: {  	_ =	swait.ge [sflag:s29], $0x1  }
0xbc: {  	[sflag:s29] =	ssyncadd.s32 $0xFFFFFFFF  }
0xbd: {  	_ =	strace $0x9000004B  }
0xbe: {  	_ =	sfence  }
0xbf: {  	s30 =	sld [smem:$0x0];
	_ =	sdelay $0x2  }
0xc0: {  	s31 =	sshll.u32 s1, $0xD;
	s1 =	sshrl.u32 s1, $0x2  }
0xc1: {  	s3 =	sand.u32 $0x4000, s31;
	s1 =	sadd.s32 s1, s30  }
0xc2: {  	s0 =	sor.u32 s3, s0;
	s1 =	sshll.u32 s1, $0x11  }
0xc3: {  	s0 =	sor.u32 s1, s0  }
0xc4: {  	s0 =	sadd.s32 $0x8F2B, s0  }
0xc5: {  	[sflag:s0] =	ssyncadd.remote.s32 $0x1  }
0xc6: {  	_ =	sfence.sel $0xFFFF  }
0xc7: {  	[dreg:$0x0] =	wrdreg $0xFFFFFFFF;
	(pc) =	sbr.abs _section_cstart, $3  }
0xc8: {  	[dreg:$0x1] =	wrdreg $0xFFFFFFFF  }
0xc9: {  	_ =	task.clear_ibuf [dreg:s7], $0x2FFFF;
	_ =	strace $0x9FFFFFFF  }
0xca: {  	(tm) =	ssettm $0x7FFFFFFF  }
0xcb: {  	_ =	shalt  }
tec
execute0_lowered:
.L_overlay_start_1:
0x0: {  	(tag) =	ssettag $0x1  }
0x1: {  	s0 =	rddreg [dreg:$0x0]  }
0x2: {  	s1 =	rddreg [dreg:$0x1]  }
0x3: {  	s2 =	rddreg [dreg:$0x2]  }
0x4: {  	s3 =	rddreg [dreg:$0x3]  }
0x5: {  	s4 =	simm.s32 $0x0;
	s16 =	stileid.u32;
	s9 =	srdreg.scid  }
0x6: {  	s28 =	simm.s32 $0x1E310;
	s30 =	simm.s32 $0x1E390;
	s31 =	simm.s32 $0x1E410  }
0x7: {  	[smem:$0x7FF] =	sst s4;
	s5 =	sshll.u32 s16, $0xA;
	s6 =	sshll.u32 s16, $0x3  }
0x8: {  	s8 =	sadd.s32 $0xD000, s0;
	s13 =	sadd.s32 $0xCC00, s0;
	s14 =	sadd.s32 $0xC800, s0  }
0x9: {  	s15 =	sshll.u32 s16, $0x8;
	s11 =	smul.u32 $0x14000, s16;
	s12 =	sadd.s32 $0xD400, s0  }
0xa: {  	s19 =	smul.u32 $0x2800, s16;
	_ =	strace $0x8000004A;
	[dreg:$0x5] =	wrdreg s8  }
0xb: {  	s5 =	sadd.s32 s5, s0;
	s7 =	sadd.s32 s6, s0;
	[dreg:$0x6] =	wrdreg s13  }
0xc: {  	[dreg:$0x7] =	wrdreg s14;
	s10 =	sadd.s32 s15, s0;
	s8 =	sand.u32 $0x1, s9  }
0xd: {  	s13 =	sadd.s32 $0x35400, s0;
	s1 =	sadd.s32 s6, s1;
	s11 =	sshrl.u32 s11, $0x3  }
0xe: {  	s10 =	sadd.s32 $0xA1F000, s10;
	[dreg:$0x12] =	wrdreg s1;
	s0 =	sadd.s32 s11, s0  }
0xf: {  	s15 =	ssub.s32 $0x9D3, s16;
	[dreg:$0x8] =	wrdreg s10;
	s20 =	sadd.s32 $0x5D400, s0  }
0x10: {  	s9 =	ssub.s32 $0x2, s8;
	s21 =	sadd.s32 $0x5D800, s0;
	[dreg:$0xa] =	wrdreg s20  }
0x11: {  	p0 =	seq.s32 s8, $0x1;
	s22 =	sadd.s32 $0x5DC00, s0;
	[dreg:$0xb] =	wrdreg s21  }
0x12: {  	p1 =	sne.s32 s8, $0x0;
	s23 =	sadd.s32 $0x5E000, s0;
	[dreg:$0xc] =	wrdreg s22  }
0x13: {  	s1 =	simm.s32 $0x16010;
	s24 =	sadd.s32 $0x5E400, s0;
	[dreg:$0xd] =	wrdreg s23  }
0x14: {  	s14 =	sshrl.u32 s9, $0x1;
	s25 =	sadd.s32 $0x5E800, s0;
	[dreg:$0xe] =	wrdreg s24  }
0x15: {  	s12 =	smov.u32 @p0 s13;
	s26 =	sadd.s32 $0x5EC00, s0;
	[dreg:$0xf] =	wrdreg s25  }
0x16: {  	s10 =	simm.s32 $0x16090;
	s6 =	sadd.s32 $0x5F000, s0;
	[dreg:$0x11] =	wrdreg s26  }
0x17: {  	s17 =	ssub.s32 s9, s14;
	s13 =	sadd.s32 $0x5F400, s0;
	[dreg:$0x13] =	wrdreg s6  }
0x18: {  	s9 =	sshrl.u32 s15, $0x4;
	s0 =	sadd.s32 $0x5F800, s0;
	[dreg:$0x14] =	wrdreg s13  }
0x19: {  	s14 =	sadd.s32 $0x7800, s7;
	s7 =	simm.s32 $0x8;
	[dreg:$0x15] =	wrdreg s0  }
0x1a: {  	s18 =	sshll.u32 s9, $0xE;
	s11 =	smax.u32 s17, $0x1;
	[dreg:$0x16] =	wrdreg s14  }
0x1b: {  	s25 =	sadd.s32 $0xA20000, s5;
	[dreg:$0x9] =	wrdreg s11;
	s11 =	sadd.s32 s12, s19  }
0x1c: {  	s26 =	sadd.s32 $0xC91000, s5;
	s15 =	sadd.s32 $0x400, s11;
	[dreg:$0x10] =	wrdreg s11  }
0x1d: {  	s29 =	sor.u32 $0x2, s9;
	s16 =	sadd.s32 $0x800, s11;
	[dreg:$0x17] =	wrdreg s15  }
0x1e: {  	s14 =	simm.s32 $0x1E190;
	s17 =	sadd.s32 $0xC00, s11;
	[dreg:$0x18] =	wrdreg s16  }
0x1f: {  	s12 =	sadd.s32 $0xC000, s18;
	s18 =	sadd.s32 $0x1000, s11;
	[dreg:$0x19] =	wrdreg s17  }
0x20: {  	s5 =	simm.s32 $0x40;
	s19 =	sadd.s32 $0x1400, s11;
	[dreg:$0x1a] =	wrdreg s18  }
0x21: {  	s13 =	simm.s32 $0x1;
	s20 =	sadd.s32 $0x1800, s11;
	[dreg:$0x1b] =	wrdreg s19  }
0x22: {  	s6 =	simm.s32 $0x6;
	s21 =	sadd.s32 $0x1C00, s11;
	[dreg:$0x1c] =	wrdreg s20  }
0x23: {  	s24 =	sand.u32 $0x2F8000, s12;
	s22 =	sadd.s32 $0x2000, s11;
	[dreg:$0x1d] =	wrdreg s21  }
.Ltmp0:
0x24: {  	s23 =	sadd.s32 $0x2400, s11;
	[dreg:$0x1e] =	wrdreg s22;
	(pc) =	sbr.rel .LBB2_1-.Ltmp0, $4  }
0x25: {  	s12 =	simm.s32 $0x18190;
	s11 =	simm.s32 $0x0;
	[dreg:$0x1f] =	wrdreg s23  }
0x26: {  	s17 =	simm.s32 $0x16190;
	s19 =	simm.s32 $0x9;
	s21 =	simm.s32 $0x1A190  }
0x27: {  	s22 =	simm.s32 $0x1C190;
	s20 =	simm.s32 $0x1E210;
	s23 =	simm.s32 $0x1E290  }
0x28: {  	s15 =	simm.s32 $0x15F90;
	s16 =	simm.s32 $0x5;
	s18 =	simm.s32 $0x7  }
.LBB2_14:
0x29: {  	s11 =	sadd.s32 $0x1, s11;
	s0 =	rddreg [dreg:$0x9]  }
0x2a: {  	p2 =	sne.s32 s11, s0  }
.Ltmp1:
0x2b: {  	_ = 	snop;
	(pc) =	sbr.rel @!p2 .LBB2_15-.Ltmp1, $1  }
0x2c: {  	_ =	sdelay $0x3  }
.LBB2_1:
0x2d: {  	s0 =	rddreg [dreg:$0x5]  }
0x2e: {  	[tilespmem:s17], [sflag:$0x9] =	stream.linear.gather [hbm4b:s0+s4], $0x2000, $0x38;
	[tilespmem:$0x1E990] =	vst v63  }
0x2f: {  	_ =	swait.ge [sflag:s19], $0x2000  }
0x30: {  	[sflag:s19] =	ssyncset.done $0x0  }
0x31: {  	s0 =	rddreg [dreg:$0x6];
	[sflag:s19] =	ssyncadd.s32 $0xFFFFE000  }
0x32: {  	[tilespmem:s21], [sflag:$0x9] =	stream.linear.gather [hbm4b:s0+s4], $0x2000, $0x38;
	[tilespmem:$0x1E990] =	vst v63  }
0x33: {  	_ =	swait.ge [sflag:s19], $0x2000  }
0x34: {  	[sflag:s19] =	ssyncset.done $0x0  }
0x35: {  	s0 =	rddreg [dreg:$0x7];
	[sflag:s19] =	ssyncadd.s32 $0xFFFFE000  }
0x36: {  	[tilespmem:s22], [sflag:$0x9] =	stream.linear.gather [hbm4b:s0+s4], $0x2000, $0x38;
	[tilespmem:$0x1E990] =	vst v63  }
0x37: {  	_ =	swait.ge [sflag:s19], $0x2000  }
0x38: {  	[sflag:s19] =	ssyncset.done $0x0  }
0x39: {  	s0 =	rddreg [dreg:$0x8];
	[sflag:s19] =	ssyncadd.s32 $0xFFFFE000  }
0x3a: {  	[tilespmem:s14], [sflag:$0x9] =	stream.linear.gather [hbm4b:s0+s4], $0x500, $0x38;
	[tilespmem:$0x1E990] =	vst v63  }
0x3b: {  	_ =	swait.ge [sflag:s19], $0x500  }
0x3c: {  	[sflag:s19] =	ssyncset.done $0x0  }
0x3d: {  	[sflag:s19] =	ssyncadd.s32 $0xFFFFFB00  }
0x3e: {  	[spmem:s2] =	stream.indirect.scatter [tilespmem:s17], [sflag:$0x9], $0x80, s14, s5, $0xb8;
	[tilespmem:$0x1E990] =	vst v63  }
0x3f: {  	_ =	swait.ge [sflag:s19], $0x2000  }
0x40: {  	[sflag:s19] =	ssyncset.done $0x0  }
0x41: {  	[sflag:s19] =	ssyncadd.s32 $0xFFFFE000  }
0x42: {  	[spmem:s3] =	stream.indirect.scatter [tilespmem:s21], [sflag:$0x9], $0x10, s14, s5, $0xb8;
	[tilespmem:$0x1E990] =	vst v63  }
0x43: {  	_ =	swait.ge [sflag:s19], $0x400  }
0x44: {  	[sflag:s19] =	ssyncset.done $0x0  }
0x45: {  	[sflag:s19] =	ssyncadd.s32 $0xFFFFFC00  }
0x46: {  	[spmem:s2] =	stream.indirect.scatter [tilespmem:s17], [sflag:$0x9], $0x80, s20, s5, $0xb8;
	[tilespmem:$0x1E990] =	vst v63  }
0x47: {  	_ =	swait.ge [sflag:s19], $0x2000  }
0x48: {  	[sflag:s19] =	ssyncset.done $0x0  }
0x49: {  	[sflag:s19] =	ssyncadd.s32 $0xFFFFE000  }
0x4a: {  	[spmem:s3] =	stream.indirect.scatter [tilespmem:s21], [sflag:$0x9], $0x10, s20, s5, $0xb8;
	[tilespmem:$0x1E990] =	vst v63  }
0x4b: {  	_ =	swait.ge [sflag:s19], $0x400  }
0x4c: {  	[sflag:s19] =	ssyncset.done $0x0  }
0x4d: {  	[sflag:s19] =	ssyncadd.s32 $0xFFFFFC00  }
0x4e: {  	[spmem:s2] =	stream.indirect.scatter [tilespmem:s17], [sflag:$0x9], $0x80, s23, s5, $0xb8;
	[tilespmem:$0x1E990] =	vst v63  }
0x4f: {  	_ =	swait.ge [sflag:s19], $0x2000  }
0x50: {  	[sflag:s19] =	ssyncset.done $0x0  }
0x51: {  	[sflag:s19] =	ssyncadd.s32 $0xFFFFE000  }
0x52: {  	[spmem:s3] =	stream.indirect.scatter [tilespmem:s21], [sflag:$0x9], $0x10, s23, s5, $0xb8;
	[tilespmem:$0x1E990] =	vst v63  }
0x53: {  	_ =	swait.ge [sflag:s19], $0x400  }
0x54: {  	[sflag:s19] =	ssyncset.done $0x0  }
0x55: {  	[sflag:s19] =	ssyncadd.s32 $0xFFFFFC00  }
0x56: {  	[spmem:s2] =	stream.indirect.scatter [tilespmem:s17], [sflag:$0x9], $0x80, s28, s5, $0xb8;
	[tilespmem:$0x1E990] =	vst v63  }
0x57: {  	_ =	swait.ge [sflag:s19], $0x2000  }
0x58: {  	[sflag:s19] =	ssyncset.done $0x0  }
0x59: {  	[sflag:s19] =	ssyncadd.s32 $0xFFFFE000  }
0x5a: {  	[spmem:s3] =	stream.indirect.scatter [tilespmem:s21], [sflag:$0x9], $0x10, s28, s5, $0xb8;
	[tilespmem:$0x1E990] =	vst v63  }
0x5b: {  	_ =	swait.ge [sflag:s19], $0x400  }
0x5c: {  	[sflag:s19] =	ssyncset.done $0x0  }
0x5d: {  	[sflag:s19] =	ssyncadd.s32 $0xFFFFFC00  }
0x5e: {  	[spmem:s2] =	stream.indirect.scatter [tilespmem:s17], [sflag:$0x9], $0x80, s30, s5, $0xb8;
	[tilespmem:$0x1E990] =	vst v63  }
0x5f: {  	_ =	swait.ge [sflag:s19], $0x2000  }
0x60: {  	[sflag:s19] =	ssyncset.done $0x0  }
0x61: {  	[sflag:s19] =	ssyncadd.s32 $0xFFFFE000  }
0x62: {  	[spmem:s3] =	stream.indirect.scatter [tilespmem:s21], [sflag:$0x9], $0x10, s30, s5, $0xb8;
	[tilespmem:$0x1E990] =	vst v63  }
0x63: {  	_ =	swait.ge [sflag:s19], $0x400  }
0x64: {  	[sflag:s19] =	ssyncset.done $0x0  }
0x65: {  	[sflag:s19] =	ssyncadd.s32 $0xFFFFFC00  }
0x66: {  	[spmem:s2] =	stream.indirect.scatter [tilespmem:s17], [sflag:$0x9], $0x80, s31, s5, $0xb8;
	[tilespmem:$0x1E990] =	vst v63  }
0x67: {  	_ =	swait.ge [sflag:s19], $0x2000  }
0x68: {  	[sflag:s19] =	ssyncset.done $0x0  }
0x69: {  	[sflag:s19] =	ssyncadd.s32 $0xFFFFE000  }
0x6a: {  	[spmem:s3] =	stream.indirect.scatter [tilespmem:s21], [sflag:$0x9], $0x10, s31, s5, $0xb8;
	[tilespmem:$0x1E990] =	vst v63  }
0x6b: {  	_ =	swait.ge [sflag:s19], $0x400  }
0x6c: {  	[sflag:s19] =	ssyncset.done $0x0  }
0x6d: {  	s23 =	simm.s32 $0x1E490;
	[sflag:s19] =	ssyncadd.s32 $0xFFFFFC00  }
0x6e: {  	[spmem:s2] =	stream.indirect.scatter [tilespmem:s17], [sflag:$0x9], $0x80, s23, s5, $0xb8;
	[tilespmem:$0x1E990] =	vst v63  }
0x6f: {  	_ =	swait.ge [sflag:s19], $0x2000  }
0x70: {  	[sflag:s19] =	ssyncset.done $0x0  }
0x71: {  	[sflag:s19] =	ssyncadd.s32 $0xFFFFE000  }
0x72: {  	[spmem:s3] =	stream.indirect.scatter [tilespmem:s21], [sflag:$0x9], $0x10, s23, s5, $0xb8;
	[tilespmem:$0x1E990] =	vst v63  }
0x73: {  	_ =	swait.ge [sflag:s19], $0x400  }
0x74: {  	[sflag:s19] =	ssyncset.done $0x0  }
0x75: {  	s14 =	simm.s32 $0x1E510;
	[sflag:s19] =	ssyncadd.s32 $0xFFFFFC00  }
0x76: {  	[spmem:s2] =	stream.indirect.scatter [tilespmem:s17], [sflag:$0x9], $0x80, s14, s5, $0xb8;
	[tilespmem:$0x1E990] =	vst v63  }
0x77: {  	_ =	swait.ge [sflag:s19], $0x2000  }
0x78: {  	[sflag:s19] =	ssyncset.done $0x0  }
0x79: {  	[sflag:s19] =	ssyncadd.s32 $0xFFFFE000  }
0x7a: {  	[spmem:s3] =	stream.indirect.scatter [tilespmem:s21], [sflag:$0x9], $0x10, s14, s5, $0xb8;
	[tilespmem:$0x1E990] =	vst v63  }
0x7b: {  	_ =	swait.ge [sflag:s19], $0x400  }
0x7c: {  	[sflag:s19] =	ssyncset.done $0x0  }
0x7d: {  	s20 =	simm.s32 $0x1E590;
	[sflag:s19] =	ssyncadd.s32 $0xFFFFFC00  }
0x7e: {  	[spmem:s2] =	stream.indirect.scatter [tilespmem:s17], [sflag:$0x9], $0x80, s20, s5, $0xb8;
	[tilespmem:$0x1E990] =	vst v63  }
0x7f: {  	_ =	swait.ge [sflag:s19], $0x2000  }
0x80: {  	[sflag:s19] =	ssyncset.done $0x0  }
0x81: {  	[sflag:s19] =	ssyncadd.s32 $0xFFFFE000  }
0x82: {  	[spmem:s3] =	stream.indirect.scatter [tilespmem:s21], [sflag:$0x9], $0x10, s20, s5, $0xb8;
	[tilespmem:$0x1E990] =	vst v63  }
0x83: {  	_ =	swait.ge [sflag:s19], $0x400  }
0x84: {  	[sflag:s19] =	ssyncset.done $0x0  }
0x85: {  	s23 =	simm.s32 $0x1E610;
	[sflag:s19] =	ssyncadd.s32 $0xFFFFFC00  }
0x86: {  	[spmem:s2] =	stream.indirect.scatter [tilespmem:s17], [sflag:$0x9], $0x80, s23, s5, $0xb8;
	[tilespmem:$0x1E990] =	vst v63  }
0x87: {  	_ =	swait.ge [sflag:s19], $0x2000  }
0x88: {  	[sflag:s19] =	ssyncset.done $0x0  }
0x89: {  	[sflag:s19] =	ssyncadd.s32 $0xFFFFE000  }
0x8a: {  	[spmem:s3] =	stream.indirect.scatter [tilespmem:s21], [sflag:$0x9], $0x10, s23, s5, $0xb8;
	[tilespmem:$0x1E990] =	vst v63  }
0x8b: {  	_ =	swait.ge [sflag:s19], $0x400  }
.Ltmp2:
0x8c: {  	[sflag:s19] =	ssyncset.done $0x0;
	(pc) =	sbr.rel .LBB2_2-.Ltmp2, $4  }
0x8d: {  	[sflag:s19] =	ssyncadd.s32 $0xFFFFFC00  }
0x8e: {  	[bflag:$0x0] =	sbarrier.arrive $0xFFFF  }
0x8f: {  	s30 =	rddreg [dreg:$0x12]  }
0x90: {  	s28 =	simm.s32 $0x0;
	s20 =	simm.s32 $0x0;
	s31 =	rddreg [dreg:$0x16]  }
.LBB2_6:
0x91: {  	s0 =	sadd.s32 s28, s25  }
0x92: {  	s0 =	sadd.s32 $0x4000, s0  }
0x93: {  	[tilespmem:s12], [sflag:$0x2] =	stream.linear.gather [hbm4b:s0+s4], $0x2000, $0x38;
	[tilespmem:$0x1E990] =	vst v63  }
0x94: {  	s23 =	sadd.s32 $0x80, s31;
	s14 =	simm.s32 $0x16110  }
0x95: {  	[tilespmem:s14], [sflag:$0x2] =	stream.linear.gather [hbm4b:s23+s4], $0x40, $0x38;
	[tilespmem:$0x1E990] =	vst v63  }
0x96: {  	_ =	swait.ge [sflag:s13], $0x40  }
0x97: {  	[sflag:s13] =	ssyncset.done $0x0  }
0x98: {  	[sflag:s13] =	ssyncadd.s32 $0xFFFFFFC0  }
.LBB2_9:
0x99: {  	_ =	swait.ge [sflag:s13], $0x2000  }
0x9a: {  	[sflag:s13] =	ssyncset.done $0x0  }
0x9b: {  	[sflag:s13] =	ssyncadd.s32 $0xFFFFE000  }
0x9c: {  	_ =	swait.ge [sflag:s13], $0x40  }
0x9d: {  	[sflag:s13] =	ssyncset.done $0x0  }
0x9e: {  	[sflag:s13] =	ssyncadd.s32 $0xFFFFFFC0  }
0x9f: {  	[spmem:s3] =	stream.indirect.scatter.add.f32 [tilespmem:s22], [sflag:$0x3], $0x10, s10, s5, $0xb8;
	[tilespmem:$0x1E990] =	vst v63  }
.LBB2_10:
0xa0: {  	[spmem:s2] =	stream.indirect.scatter.add.f32 [tilespmem:s17], [sflag:$0x3], $0x80, s15, s5, $0xb8;
	[tilespmem:$0x1E990] =	vst v63  }
.LBB2_11:
0xa1: {  	s28 =	sadd.s32 $0x8000, s28  }
0xa2: {  	p2 =	sne.s32 s24, s28  }
.Ltmp3:
0xa3: {  	_ = 	snop;
	(pc) =	sbr.rel @!p2 .LBB2_12-.Ltmp3, $2  }
0xa4: {  	_ =	sdelay $0x2  }
0xa5: {  	s31 =	sadd.s32 $0x100, s31;
	s30 =	sadd.s32 $0x100, s30;
	s20 =	sadd.s32 $0x2, s20  }
.LBB2_2:
0xa6: {  	p2 =	seq.s32 s28, $0x0  }
0xa7: {  	p3 =	sge.s32 @!p2 s20, s29  }
0xa8: {  	p4 =	por p3, p2  }
0xa9: {  	p5 =	sne.s32 @!p4 s8, $0x0;
	s0 =	simm.s32 @!p4 $0x3  }
0xaa: {  	_ =	swait.ge @!p4 [sflag:s0], $0x2000;
	p3 =	por @!p2 p5, p3  }
0xab: {  	[sflag:s0] =	ssyncset.done @!p4 $0x0;
	p3 =	por p3, p2  }
0xac: {  	[sflag:s0] =	ssyncadd.s32 @!p4 $0xFFFFE000;
	s0 =	simm.s32 @!p3 $0x3  }
0xad: {  	p4 =	sge.u32 s20, s9;
	_ =	swait.ge @!p3 [sflag:s0], $0x400  }
0xae: {  	s23 =	simm.s32 @!p4 $0x15F90;
	[sflag:s0] =	ssyncset.done @!p3 $0x0  }
0xaf: {  	[sflag:s0] =	ssyncadd.s32 @!p3 $0xFFFFFC00;
	s0 =	simm.s32 @!p4 $0x0;
	p3 =	por !p0, p4  }
0xb0: {  	[tilespmem:s23], [sflag:$0x1] =	stream.linear.gather @!p4 [hbm4b:s30+s0], $0x40, $0x38;
	[tilespmem:$0x1E990] =	vst v63  }
0xb1: {  	s0 =	sadd.s32 @!p3 s28, s26;
	s23 =	simm.s32 @!p3 $0x0;
	s14 =	simm.s32 @!p3 $0x16190  }
0xb2: {  	[tilespmem:s14], [sflag:$0x1] =	stream.linear.gather @!p3 [hbm4b:s0+s23], $0x2000, $0x38;
	[tilespmem:$0x1E990] =	vst v63  }
0xb3: {  	p3 =	por p0, p4  }
0xb4: {  	s0 =	sadd.s32 @!p3 s28, s25;
	s14 =	simm.s32 @!p3 $0x0;
	s23 =	simm.s32 @!p3 $0x16190  }
0xb5: {  	[tilespmem:s23], [sflag:$0x1] =	stream.linear.gather @!p3 [hbm4b:s0+s14], $0x2000, $0x38;
	[tilespmem:$0x1E990] =	vst v63  }
0xb6: {  	p4 =	sgt.s32 @!p2 s20, s9;
	s0 =	simm.s32 @!p3 $0x16090  }
0xb7: {  	[tilespmem:s0], [sflag:$0x1] =	stream.linear.gather @!p3 [hbm4b:s31+s14], $0x40, $0x38;
	[tilespmem:$0x1E990] =	vst v63  }
0xb8: {  	p3 =	por p4, p2  }
0xb9: {  	s0 =	simm.s32 @!p3 $0x2  }
0xba: {  	_ =	swait.ge @!p3 [sflag:s0], $0x40  }
0xbb: {  	[sflag:s0] =	ssyncset.done @!p3 $0x0  }
0xbc: {  	[sflag:s0] =	ssyncadd.s32 @!p3 $0xFFFFFFC0  }
0xbd: {  	p5 =	por @!p2 p0, p4;
	_ =	swait.ge @!p3 [sflag:s0], $0x2000  }
0xbe: {  	p5 =	por p5, p2;
	[sflag:s0] =	ssyncset.done @!p3 $0x0  }
0xbf: {  	[sflag:s0] =	ssyncadd.s32 @!p3 $0xFFFFE000;
	s0 =	simm.s32 @!p5 $0x2  }
0xc0: {  	_ =	swait.ge @!p5 [sflag:s0], $0x40  }
0xc1: {  	s23 =	simm.s32 @!p5 $0x1C190;
	[sflag:s0] =	ssyncset.done @!p5 $0x0  }
0xc2: {  	s14 =	simm.s32 @!p5 $0x16110;
	[sflag:s0] =	ssyncadd.s32 @!p5 $0xFFFFFFC0;
	s0 =	simm.s32 @!p5 $0x40  }
0xc3: {  	[spmem:s3] =	stream.indirect.scatter.add.f32 @!p5 [tilespmem:s23], [sflag:$0x4], $0x10, s14, s0, $0xb8;
	[tilespmem:$0x1E990] =	vst v63  }
0xc4: {  	s0 =	simm.s32 @!p3 $0x40;
	s14 =	simm.s32 @!p3 $0x16010;
	s23 =	simm.s32 @!p3 $0x18190  }
0xc5: {  	[spmem:s2] =	stream.indirect.scatter.add.f32 @!p3 [tilespmem:s23], [sflag:$0x4], $0x80, s14, s0, $0xb8;
	[tilespmem:$0x1E990] =	vst v63  }
0xc6: {  	s0 =	simm.s32 @!p3 $0x4  }
0xc7: {  	_ =	swait.ge @!p3 [sflag:s0], $0x2000  }
0xc8: {  	p5 =	sne.s32 @!p3 s8, $0x0;
	s23 =	sadd.s32 $0x1, s20;
	[sflag:s0] =	ssyncset.done @!p3 $0x0  }
0xc9: {  	p4 =	por @!p2 p5, p4;
	[sflag:s0] =	ssyncadd.s32 @!p3 $0xFFFFE000;
	p3 =	sge.u32 s23, s9  }
.Ltmp4:
0xca: {  	p2 =	por p4, p2;
	(pc) =	sbr.rel @p3 .LBB2_7-.Ltmp4, $4  }
0xcb: {  	s0 =	simm.s32 @!p2 $0x4  }
0xcc: {  	_ =	swait.ge @!p2 [sflag:s0], $0x400  }
0xcd: {  	[sflag:s0] =	ssyncset.done @!p2 $0x0  }
0xce: {  	[sflag:s0] =	ssyncadd.s32 @!p2 $0xFFFFFC00  }
.Ltmp5:
0xcf: {  	(pc) =	sbr.rel @!p0 .LBB2_6-.Ltmp5, $3  }
0xd0: {  	_ =	sdelay $0x1  }
0xd1: {  	s0 =	sadd.s32 $0x80, s30  }
0xd2: {  	[tilespmem:s1], [sflag:$0x2] =	stream.linear.gather [hbm4b:s0+s4], $0x40, $0x38;
	[tilespmem:$0x1E990] =	vst v63  }
0xd3: {  	s0 =	sadd.s32 s28, s26  }
.Ltmp6:
0xd4: {  	s0 =	sadd.s32 $0x4000, s0;
	(pc) =	sbr.rel .LBB2_5-.Ltmp6, $4  }
0xd5: {  	[tilespmem:s12], [sflag:$0x2] =	stream.linear.gather [hbm4b:s0+s4], $0x2000, $0x38;
	[tilespmem:$0x1E990] =	vst v63  }
0xd6: {  	_ =	swait.ge [sflag:s13], $0x40  }
0xd7: {  	[sflag:s13] =	ssyncset.done $0x0  }
0xd8: {  	[sflag:s13] =	ssyncadd.s32 $0xFFFFFFC0  }
.LBB2_7:
0xd9: {  	p2 =	slt.u32 s20, s9  }
.Ltmp7:
0xda: {  	_ = 	snop;
	(pc) =	sbr.rel @!p2 .LBB2_11-.Ltmp7, $1  }
0xdb: {  	_ =	sdelay $0x3  }
.Ltmp8:
0xdc: {  	(pc) =	sbr.rel @!p0 .LBB2_9-.Ltmp8, $4  }
0xdd: {  	_ = 	snop  }
0xde: {  	_ =	swait.ge [sflag:s13], $0x40  }
0xdf: {  	[sflag:s13] =	ssyncset.done $0x0  }
0xe0: {  	[sflag:s13] =	ssyncadd.s32 $0xFFFFFFC0  }
.LBB2_5:
.Ltmp9:
0xe1: {  	(pc) =	sbr.rel .LBB2_10-.Ltmp9, $4  }
0xe2: {  	_ = 	snop  }
0xe3: {  	_ =	swait.ge [sflag:s13], $0x2000  }
0xe4: {  	[sflag:s13] =	ssyncset.done $0x0  }
0xe5: {  	[sflag:s13] =	ssyncadd.s32 $0xFFFFE000  }
.LBB2_12:
0xe6: {  	[bflag:$0x0] =	sbarrier.arrive $0xFFFF;
	s14 =	simm.s32 $0x1E190  }
0xe7: {  	[tilespmem:s17], [sflag:$0x5] =	stream.indirect.gather [spmem:s2], $0x80, s14, s5, $0xb8;
	[tilespmem:$0x1E990] =	vst v63  }
0xe8: {  	s20 =	simm.s32 $0x1E210  }
0xe9: {  	[tilespmem:s12], [sflag:$0x6] =	stream.indirect.gather [spmem:s2], $0x80, s20, s5, $0xb8;
	[tilespmem:$0x1E990] =	vst v63  }
0xea: {  	_ =	swait.ge [sflag:s16], $0x2000  }
0xeb: {  	[sflag:s16] =	ssyncset.done $0x0  }
0xec: {  	s0 =	rddreg [dreg:$0x10];
	[sflag:s16] =	ssyncadd.s32 $0xFFFFE000  }
0xed: {  	[hbm4b:s0+s4] =	stream.linear.scatter [tilespmem:s17], [sflag:$0x7], $0x2000, $0x38;
	[tilespmem:$0x1E990] =	vst v63  }
0xee: {  	_ =	swait.ge [sflag:s18], $0x2000  }
0xef: {  	[sflag:s18] =	ssyncset.done $0x0  }
0xf0: {  	s23 =	simm.s32 $0x1E290;
	[sflag:s18] =	ssyncadd.s32 $0xFFFFE000  }
0xf1: {  	[tilespmem:s17], [sflag:$0x5] =	stream.indirect.gather [spmem:s2], $0x80, s23, s5, $0xb8;
	[tilespmem:$0x1E990] =	vst v63  }
0xf2: {  	_ =	swait.ge [sflag:s6], $0x2000  }
0xf3: {  	[sflag:s6] =	ssyncset.done $0x0  }
0xf4: {  	s0 =	rddreg [dreg:$0x17];
	[sflag:s6] =	ssyncadd.s32 $0xFFFFE000  }
0xf5: {  	[hbm4b:s0+s4] =	stream.linear.scatter [tilespmem:s12], [sflag:$0x8], $0x2000, $0x38;
	[tilespmem:$0x1E990] =	vst v63  }
0xf6: {  	_ =	swait.ge [sflag:s7], $0x2000  }
0xf7: {  	[sflag:s7] =	ssyncset.done $0x0  }
0xf8: {  	s28 =	simm.s32 $0x1E310;
	[sflag:s7] =	ssyncadd.s32 $0xFFFFE000  }
0xf9: {  	[tilespmem:s12], [sflag:$0x6] =	stream.indirect.gather [spmem:s2], $0x80, s28, s5, $0xb8;
	[tilespmem:$0x1E990] =	vst v63  }
0xfa: {  	_ =	swait.ge [sflag:s16], $0x2000  }
0xfb: {  	[sflag:s16] =	ssyncset.done $0x0  }
0xfc: {  	s0 =	rddreg [dreg:$0x18];
	[sflag:s16] =	ssyncadd.s32 $0xFFFFE000  }
0xfd: {  	[hbm4b:s0+s4] =	stream.linear.scatter [tilespmem:s17], [sflag:$0x7], $0x2000, $0x38;
	[tilespmem:$0x1E990] =	vst v63  }
0xfe: {  	_ =	swait.ge [sflag:s18], $0x2000  }
0xff: {  	[sflag:s18] =	ssyncset.done $0x0  }
0x100: {  	s30 =	simm.s32 $0x1E390;
	[sflag:s18] =	ssyncadd.s32 $0xFFFFE000  }
0x101: {  	[tilespmem:s17], [sflag:$0x5] =	stream.indirect.gather [spmem:s2], $0x80, s30, s5, $0xb8;
	[tilespmem:$0x1E990] =	vst v63  }
0x102: {  	_ =	swait.ge [sflag:s6], $0x2000  }
0x103: {  	[sflag:s6] =	ssyncset.done $0x0  }
0x104: {  	s0 =	rddreg [dreg:$0x19];
	[sflag:s6] =	ssyncadd.s32 $0xFFFFE000  }
0x105: {  	[hbm4b:s0+s4] =	stream.linear.scatter [tilespmem:s12], [sflag:$0x8], $0x2000, $0x38;
	[tilespmem:$0x1E990] =	vst v63  }
0x106: {  	_ =	swait.ge [sflag:s7], $0x2000  }
0x107: {  	[sflag:s7] =	ssyncset.done $0x0  }
0x108: {  	s31 =	simm.s32 $0x1E410;
	[sflag:s7] =	ssyncadd.s32 $0xFFFFE000  }
0x109: {  	[tilespmem:s12], [sflag:$0x6] =	stream.indirect.gather [spmem:s2], $0x80, s31, s5, $0xb8;
	[tilespmem:$0x1E990] =	vst v63  }
0x10a: {  	_ =	swait.ge [sflag:s16], $0x2000  }
0x10b: {  	[sflag:s16] =	ssyncset.done $0x0  }
0x10c: {  	s0 =	rddreg [dreg:$0x1a];
	[sflag:s16] =	ssyncadd.s32 $0xFFFFE000  }
0x10d: {  	[hbm4b:s0+s4] =	stream.linear.scatter [tilespmem:s17], [sflag:$0x7], $0x2000, $0x38;
	[tilespmem:$0x1E990] =	vst v63  }
0x10e: {  	_ =	swait.ge [sflag:s18], $0x2000  }
0x10f: {  	[sflag:s18] =	ssyncset.done $0x0  }
0x110: {  	s0 =	simm.s32 $0x1E490;
	[sflag:s18] =	ssyncadd.s32 $0xFFFFE000  }
0x111: {  	[tilespmem:s17], [sflag:$0x5] =	stream.indirect.gather [spmem:s2], $0x80, s0, s5, $0xb8;
	[tilespmem:$0x1E990] =	vst v63  }
0x112: {  	_ =	swait.ge [sflag:s6], $0x2000  }
0x113: {  	[sflag:s6] =	ssyncset.done $0x0  }
0x114: {  	s0 =	rddreg [dreg:$0x1b];
	[sflag:s6] =	ssyncadd.s32 $0xFFFFE000  }
0x115: {  	[hbm4b:s0+s4] =	stream.linear.scatter [tilespmem:s12], [sflag:$0x8], $0x2000, $0x38;
	[tilespmem:$0x1E990] =	vst v63  }
0x116: {  	_ =	swait.ge [sflag:s7], $0x2000  }
0x117: {  	[sflag:s7] =	ssyncset.done $0x0  }
0x118: {  	s0 =	simm.s32 $0x1E510;
	[sflag:s7] =	ssyncadd.s32 $0xFFFFE000  }
0x119: {  	[tilespmem:s12], [sflag:$0x6] =	stream.indirect.gather [spmem:s2], $0x80, s0, s5, $0xb8;
	[tilespmem:$0x1E990] =	vst v63  }
0x11a: {  	_ =	swait.ge [sflag:s16], $0x2000  }
0x11b: {  	[sflag:s16] =	ssyncset.done $0x0  }
0x11c: {  	s0 =	rddreg [dreg:$0x1c];
	[sflag:s16] =	ssyncadd.s32 $0xFFFFE000  }
0x11d: {  	[hbm4b:s0+s4] =	stream.linear.scatter [tilespmem:s17], [sflag:$0x7], $0x2000, $0x38;
	[tilespmem:$0x1E990] =	vst v63  }
0x11e: {  	_ =	swait.ge [sflag:s18], $0x2000  }
0x11f: {  	[sflag:s18] =	ssyncset.done $0x0  }
0x120: {  	s0 =	simm.s32 $0x1E590;
	[sflag:s18] =	ssyncadd.s32 $0xFFFFE000  }
0x121: {  	[tilespmem:s17], [sflag:$0x5] =	stream.indirect.gather [spmem:s2], $0x80, s0, s5, $0xb8;
	[tilespmem:$0x1E990] =	vst v63  }
0x122: {  	_ =	swait.ge [sflag:s6], $0x2000  }
0x123: {  	[sflag:s6] =	ssyncset.done $0x0  }
0x124: {  	s0 =	rddreg [dreg:$0x1d];
	[sflag:s6] =	ssyncadd.s32 $0xFFFFE000  }
0x125: {  	[hbm4b:s0+s4] =	stream.linear.scatter [tilespmem:s12], [sflag:$0x8], $0x2000, $0x38;
	[tilespmem:$0x1E990] =	vst v63  }
0x126: {  	_ =	swait.ge [sflag:s7], $0x2000  }
0x127: {  	[sflag:s7] =	ssyncset.done $0x0  }
0x128: {  	s0 =	simm.s32 $0x1E610;
	[sflag:s7] =	ssyncadd.s32 $0xFFFFE000  }
0x129: {  	[tilespmem:s12], [sflag:$0x6] =	stream.indirect.gather [spmem:s2], $0x80, s0, s5, $0xb8;
	[tilespmem:$0x1E990] =	vst v63  }
0x12a: {  	_ =	swait.ge [sflag:s16], $0x2000  }
0x12b: {  	[sflag:s16] =	ssyncset.done $0x0  }
0x12c: {  	s0 =	rddreg [dreg:$0x1e];
	[sflag:s16] =	ssyncadd.s32 $0xFFFFE000  }
0x12d: {  	[hbm4b:s0+s4] =	stream.linear.scatter [tilespmem:s17], [sflag:$0x7], $0x2000, $0x38;
	[tilespmem:$0x1E990] =	vst v63  }
0x12e: {  	_ =	swait.ge [sflag:s18], $0x2000  }
0x12f: {  	[sflag:s18] =	ssyncset.done $0x0  }
0x130: {  	[sflag:s18] =	ssyncadd.s32 $0xFFFFE000  }
0x131: {  	_ =	swait.ge [sflag:s6], $0x2000  }
0x132: {  	[sflag:s6] =	ssyncset.done $0x0  }
.Ltmp10:
0x133: {  	s0 =	rddreg [dreg:$0x1f];
	[sflag:s6] =	ssyncadd.s32 $0xFFFFE000;
	(pc) =	sbr.rel @p1 .LBB2_14-.Ltmp10, $4  }
0x134: {  	[hbm4b:s0+s4] =	stream.linear.scatter [tilespmem:s12], [sflag:$0x8], $0x2000, $0x38;
	[tilespmem:$0x1E990] =	vst v63  }
0x135: {  	_ =	swait.ge [sflag:s7], $0x2000  }
0x136: {  	[sflag:s7] =	ssyncset.done $0x0  }
0x137: {  	[sflag:s7] =	ssyncadd.s32 $0xFFFFE000  }
0x138: {  	[tilespmem:s21], [sflag:$0x9] =	stream.indirect.gather [spmem:s3], $0x10, s14, s5, $0xb8;
	[tilespmem:$0x1E990] =	vst v63  }
0x139: {  	_ =	swait.ge [sflag:s19], $0x400  }
0x13a: {  	[sflag:s19] =	ssyncset.done $0x0  }
0x13b: {  	s0 =	rddreg [dreg:$0xa];
	[sflag:s19] =	ssyncadd.s32 $0xFFFFFC00  }
0x13c: {  	[hbm4b:s0+s4] =	stream.linear.scatter [tilespmem:s21], [sflag:$0x9], $0x2000, $0x38;
	[tilespmem:$0x1E990] =	vst v63  }
0x13d: {  	_ =	swait.ge [sflag:s19], $0x2000  }
0x13e: {  	[sflag:s19] =	ssyncset.done $0x0  }
0x13f: {  	[sflag:s19] =	ssyncadd.s32 $0xFFFFE000  }
0x140: {  	[tilespmem:s21], [sflag:$0x9] =	stream.indirect.gather [spmem:s3], $0x10, s20, s5, $0xb8;
	[tilespmem:$0x1E990] =	vst v63  }
0x141: {  	_ =	swait.ge [sflag:s19], $0x400  }
0x142: {  	[sflag:s19] =	ssyncset.done $0x0  }
0x143: {  	s0 =	rddreg [dreg:$0xb];
	[sflag:s19] =	ssyncadd.s32 $0xFFFFFC00  }
0x144: {  	[hbm4b:s0+s4] =	stream.linear.scatter [tilespmem:s21], [sflag:$0x9], $0x2000, $0x38;
	[tilespmem:$0x1E990] =	vst v63  }
0x145: {  	_ =	swait.ge [sflag:s19], $0x2000  }
0x146: {  	[sflag:s19] =	ssyncset.done $0x0  }
0x147: {  	[sflag:s19] =	ssyncadd.s32 $0xFFFFE000  }
0x148: {  	[tilespmem:s21], [sflag:$0x9] =	stream.indirect.gather [spmem:s3], $0x10, s23, s5, $0xb8;
	[tilespmem:$0x1E990] =	vst v63  }
0x149: {  	_ =	swait.ge [sflag:s19], $0x400  }
0x14a: {  	[sflag:s19] =	ssyncset.done $0x0  }
0x14b: {  	s0 =	rddreg [dreg:$0xc];
	[sflag:s19] =	ssyncadd.s32 $0xFFFFFC00  }
0x14c: {  	[hbm4b:s0+s4] =	stream.linear.scatter [tilespmem:s21], [sflag:$0x9], $0x2000, $0x38;
	[tilespmem:$0x1E990] =	vst v63  }
0x14d: {  	_ =	swait.ge [sflag:s19], $0x2000  }
0x14e: {  	[sflag:s19] =	ssyncset.done $0x0  }
0x14f: {  	[sflag:s19] =	ssyncadd.s32 $0xFFFFE000  }
0x150: {  	[tilespmem:s21], [sflag:$0x9] =	stream.indirect.gather [spmem:s3], $0x10, s28, s5, $0xb8;
	[tilespmem:$0x1E990] =	vst v63  }
0x151: {  	_ =	swait.ge [sflag:s19], $0x400  }
0x152: {  	[sflag:s19] =	ssyncset.done $0x0  }
0x153: {  	s0 =	rddreg [dreg:$0xd];
	[sflag:s19] =	ssyncadd.s32 $0xFFFFFC00  }
0x154: {  	[hbm4b:s0+s4] =	stream.linear.scatter [tilespmem:s21], [sflag:$0x9], $0x2000, $0x38;
	[tilespmem:$0x1E990] =	vst v63  }
0x155: {  	_ =	swait.ge [sflag:s19], $0x2000  }
0x156: {  	[sflag:s19] =	ssyncset.done $0x0  }
0x157: {  	[sflag:s19] =	ssyncadd.s32 $0xFFFFE000  }
0x158: {  	[tilespmem:s21], [sflag:$0x9] =	stream.indirect.gather [spmem:s3], $0x10, s30, s5, $0xb8;
	[tilespmem:$0x1E990] =	vst v63  }
0x159: {  	_ =	swait.ge [sflag:s19], $0x400  }
0x15a: {  	[sflag:s19] =	ssyncset.done $0x0  }
0x15b: {  	s0 =	rddreg [dreg:$0xe];
	[sflag:s19] =	ssyncadd.s32 $0xFFFFFC00  }
0x15c: {  	[hbm4b:s0+s4] =	stream.linear.scatter [tilespmem:s21], [sflag:$0x9], $0x2000, $0x38;
	[tilespmem:$0x1E990] =	vst v63  }
0x15d: {  	_ =	swait.ge [sflag:s19], $0x2000  }
0x15e: {  	[sflag:s19] =	ssyncset.done $0x0  }
0x15f: {  	[sflag:s19] =	ssyncadd.s32 $0xFFFFE000  }
0x160: {  	[tilespmem:s21], [sflag:$0x9] =	stream.indirect.gather [spmem:s3], $0x10, s31, s5, $0xb8;
	[tilespmem:$0x1E990] =	vst v63  }
0x161: {  	_ =	swait.ge [sflag:s19], $0x400  }
0x162: {  	[sflag:s19] =	ssyncset.done $0x0  }
0x163: {  	s0 =	rddreg [dreg:$0xf];
	[sflag:s19] =	ssyncadd.s32 $0xFFFFFC00  }
0x164: {  	[hbm4b:s0+s4] =	stream.linear.scatter [tilespmem:s21], [sflag:$0x9], $0x2000, $0x38;
	[tilespmem:$0x1E990] =	vst v63  }
0x165: {  	_ =	swait.ge [sflag:s19], $0x2000  }
0x166: {  	[sflag:s19] =	ssyncset.done $0x0  }
0x167: {  	s0 =	simm.s32 $0x1E490;
	[sflag:s19] =	ssyncadd.s32 $0xFFFFE000  }
0x168: {  	[tilespmem:s21], [sflag:$0x9] =	stream.indirect.gather [spmem:s3], $0x10, s0, s5, $0xb8;
	[tilespmem:$0x1E990] =	vst v63  }
0x169: {  	_ =	swait.ge [sflag:s19], $0x400  }
0x16a: {  	[sflag:s19] =	ssyncset.done $0x0  }
0x16b: {  	s0 =	rddreg [dreg:$0x11];
	[sflag:s19] =	ssyncadd.s32 $0xFFFFFC00  }
0x16c: {  	[hbm4b:s0+s4] =	stream.linear.scatter [tilespmem:s21], [sflag:$0x9], $0x2000, $0x38;
	[tilespmem:$0x1E990] =	vst v63  }
0x16d: {  	_ =	swait.ge [sflag:s19], $0x2000  }
0x16e: {  	[sflag:s19] =	ssyncset.done $0x0  }
0x16f: {  	s0 =	simm.s32 $0x1E510;
	[sflag:s19] =	ssyncadd.s32 $0xFFFFE000  }
0x170: {  	[tilespmem:s21], [sflag:$0x9] =	stream.indirect.gather [spmem:s3], $0x10, s0, s5, $0xb8;
	[tilespmem:$0x1E990] =	vst v63  }
0x171: {  	_ =	swait.ge [sflag:s19], $0x400  }
0x172: {  	[sflag:s19] =	ssyncset.done $0x0  }
0x173: {  	s0 =	rddreg [dreg:$0x13];
	[sflag:s19] =	ssyncadd.s32 $0xFFFFFC00  }
0x174: {  	[hbm4b:s0+s4] =	stream.linear.scatter [tilespmem:s21], [sflag:$0x9], $0x2000, $0x38;
	[tilespmem:$0x1E990] =	vst v63  }
0x175: {  	_ =	swait.ge [sflag:s19], $0x2000  }
0x176: {  	[sflag:s19] =	ssyncset.done $0x0  }
0x177: {  	s0 =	simm.s32 $0x1E590;
	[sflag:s19] =	ssyncadd.s32 $0xFFFFE000  }
0x178: {  	[tilespmem:s21], [sflag:$0x9] =	stream.indirect.gather [spmem:s3], $0x10, s0, s5, $0xb8;
	[tilespmem:$0x1E990] =	vst v63  }
0x179: {  	_ =	swait.ge [sflag:s19], $0x400  }
0x17a: {  	[sflag:s19] =	ssyncset.done $0x0  }
0x17b: {  	s0 =	rddreg [dreg:$0x14];
	[sflag:s19] =	ssyncadd.s32 $0xFFFFFC00  }
0x17c: {  	[hbm4b:s0+s4] =	stream.linear.scatter [tilespmem:s21], [sflag:$0x9], $0x2000, $0x38;
	[tilespmem:$0x1E990] =	vst v63  }
0x17d: {  	_ =	swait.ge [sflag:s19], $0x2000  }
0x17e: {  	[sflag:s19] =	ssyncset.done $0x0  }
0x17f: {  	s0 =	simm.s32 $0x1E610;
	[sflag:s19] =	ssyncadd.s32 $0xFFFFE000  }
0x180: {  	[tilespmem:s21], [sflag:$0x9] =	stream.indirect.gather [spmem:s3], $0x10, s0, s5, $0xb8;
	[tilespmem:$0x1E990] =	vst v63  }
0x181: {  	_ =	swait.ge [sflag:s19], $0x400  }
0x182: {  	[sflag:s19] =	ssyncset.done $0x0  }
.Ltmp11:
0x183: {  	s0 =	rddreg [dreg:$0x15];
	[sflag:s19] =	ssyncadd.s32 $0xFFFFFC00;
	(pc) =	sbr.rel .LBB2_14-.Ltmp11, $4  }
0x184: {  	[hbm4b:s0+s4] =	stream.linear.scatter [tilespmem:s21], [sflag:$0x9], $0x2000, $0x38;
	[tilespmem:$0x1E990] =	vst v63  }
0x185: {  	_ =	swait.ge [sflag:s19], $0x2000  }
0x186: {  	[sflag:s19] =	ssyncset.done $0x0  }
0x187: {  	[sflag:s19] =	ssyncadd.s32 $0xFFFFE000  }
.LBB2_15:
0x188: {  	_ =	sfence.sel $0x180000  }
0x189: {  	[bflag:$0x0] =	sbarrier.arrive $0xFFFF  }
0x18a: {  	_ =	strace $0x9000004A  }
0x18b: {  	s0 =	stileid.u32;
	[bflag:$0x2] =	sbarrier.arrive $0xFFFF  }
0x18c: {  	p0 =	sne.s32 s0, $0x0;
	s0 =	rddreg [dreg:$0x4]  }
0x18d: {  	s0 =	sadd.s32 @!p0 $0x100000, s0  }
0x18e: {  	[sflag:s0] =	ssyncadd.tile.s32 @!p0 $0x1;
	_ =	shalt  }
.Lfunc_end2:
_tile_overlayer_lowered:
.L_overlay_start_2:
0x18f: {  	(tag) =	ssettag $0x2  }
0x190: {  	s0 =	rddreg [dreg:$0x0];
	s2 =	stileid.u32  }
0x191: {  	s1 =	rddreg [dreg:$0x1];
	p0 =	sne.s32 s2, $0x0  }
0x192: {  	s3 =	rddreg [dreg:$0x2];
	[bflag:$0x3] =	sbarrier.arrive $0xFFFF;
	s2 =	simm.s32 @!p0 $0x1C09  }
0x193: {  	[timem:s3], [sflag:s2] =	dma.local @!p0 [hbm:s0], s1  }
0x194: {  	s0 =	simm.s32 @!p0 $0x9  }
0x195: {  	_ =	swait.ge @!p0 [sflag:s0], s1  }
0x196: {  	s1 =	ssub.s32 @!p0 $0x0, s1;
	[sflag:s0] =	ssyncset.done @!p0 $0x0  }
0x197: {  	[sflag:s0] =	ssyncadd.s32 @!p0 s1  }
0x198: {  	[bflag:$0x3] =	sbarrier.arrive $0xFFFF  }
0x199: {  	_ =	shalt  }

</sc_bundles>
